<compile_context>
chip_gen: v7x
topology: tpu7x:2x2x1
jax: 0.10.2.dev20260603
libtpu: 0.0.44.dev20260713+nightly
codegen_flags: <defaults>
</compile_context>

<pallas_src>
import jax
import jax.numpy as jnp
from jax import lax
from jax.experimental import pallas as pl
from jax.experimental.pallas import tpu as pltpu
from jax.experimental.pallas import tpu_sc as plsc

NUM_OBJ = 5000
NUM_OBJ_CLS = 151
NUM_REL = 200000
NUM_REL_CLS = 51

NW = 32
N_PAD = 204800
CHUNK = N_PAD // NW
PACK_W = 128
GB = 640
NBATCH = CHUNK // GB

def _obj_body(logit_ref, prob_ref, score_ref, cls_ref):
    x = logit_ref[...]
    m = jnp.max(x, axis=1, keepdims=True)
    e = jnp.exp(x - m)
    z = jnp.sum(e, axis=1, keepdims=True)
    p = e / z
    col = lax.broadcasted_iota(jnp.int32, p.shape, 1)
    prob_ref[...] = jnp.where(col == NUM_OBJ_CLS - 1, 0.0, p)
    pm = jnp.where(col <= NUM_OBJ_CLS - 2, p, -jnp.inf)
    s = jnp.max(pm, axis=1, keepdims=True)
    score_ref[...] = s
    cls_ref[...] = jnp.min(
        jnp.where(pm == s, col, NUM_OBJ_CLS), axis=1, keepdims=True)


REL_B = 2000


def _rel_body(logit_ref, packed_ref):
    x = logit_ref[...]
    m = jnp.max(x, axis=1, keepdims=True)
    e = jnp.exp(x - m)
    z = jnp.sum(e, axis=1, keepdims=True)
    p = e / z
    col = lax.broadcasted_iota(jnp.int32, p.shape, 1)
    pm = jnp.where(col <= NUM_REL_CLS - 2, p, -jnp.inf)
    s = jnp.max(pm, axis=1, keepdims=True)
    c = jnp.min(jnp.where(pm == s, col, NUM_REL_CLS), axis=1, keepdims=True)
    bc = lax.bitcast_convert_type(c, jnp.float32)
    pad = jnp.zeros((p.shape[0], PACK_W - NUM_REL_CLS - 1), jnp.float32)
    packed_ref[...] = jnp.concatenate([p, bc, pad], axis=1)


def _triple_body(obj_s_hbm, p0_hbm, p1_hbm, rs_hbm, out_hbm,
                 tab_v, i0_v, i1_v, rs_v, out_v):
    wid = lax.axis_index("s") * 2 + lax.axis_index("c")
    base = wid * CHUNK
    pltpu.sync_copy(obj_s_hbm, tab_v)
    pltpu.sync_copy(p0_hbm.at[pl.ds(base, CHUNK)], i0_v)
    pltpu.sync_copy(p1_hbm.at[pl.ds(base, CHUNK)], i1_v)
    pltpu.sync_copy(rs_hbm.at[pl.ds(base, CHUNK)], rs_v)

    def body(t, carry):
        sl = pl.ds(t * 16, 16)
        s0 = plsc.load_gather(tab_v, [i0_v[sl]])
        s1 = plsc.load_gather(tab_v, [i1_v[sl]])
        tr = rs_v[sl] * s0 * s1
        u = plsc.bitcast(tr, jnp.int32)
        out_v[sl] = jnp.where(u >= 0, ~u & jnp.int32(0x7FFFFFFF), u)
        return carry

    lax.fori_loop(0, CHUNK // 16, body, 0)
    pltpu.sync_copy(out_v, out_hbm.at[pl.ds(base, CHUNK)])


RTILES = 16
RCH = N_PAD // RTILES
RVREGS = RCH // 16


def _radix_body(tkey_hbm, out_hbm,
                kc, vc, posb, hist, allhist,
                kA, vA, kB, vB, hstage):
    core = lax.axis_index("c")
    me = lax.axis_index("s")

    @pl.when(core == 0)
    def _():
        base = me * RCH
        pltpu.sync_copy(tkey_hbm.at[pl.ds(base, RCH)], kc)

        def initv(t, carry):
            sl = pl.ds(t * 16, 16)
            vc[sl] = lax.broadcasted_iota(jnp.int32, (16,), 0) + (base + t * 16)
            return carry

        lax.fori_loop(0, RVREGS, initv, 0)

        def one_pass(shift, src_k, src_v, dst_k, dst_v, first, last):
            if not first:
                pltpu.sync_copy(src_k.at[pl.ds(base, RCH)], kc)
                pltpu.sync_copy(src_v.at[pl.ds(base, RCH)], vc)

            def zero(t, carry):
                hist[pl.ds(t * 16, 16)] = jnp.zeros((16,), jnp.int32)
                return carry

            lax.fori_loop(0, 16, zero, 0)
            sh = jnp.full((16,), shift, jnp.int32)
            m255 = jnp.int32(255)

            def phase_a(t, carry):
                d = lax.shift_right_logical(kc[pl.ds(t * 16, 16)], sh) & m255
                cnt, is_last = plsc.scan_count(d)
                cur = plsc.load_gather(hist, [d])
                plsc.store_scatter(hist, [d], cur + cnt, mask=is_last)
                return carry

            lax.fori_loop(0, RVREGS, phase_a, 0)
            pltpu.sync_copy(hist, hstage.at[me])
            plsc.subcore_barrier()
            pltpu.sync_copy(hstage, allhist)

            def offsets(dv, carry):
                sl = pl.ds(dv * 16, 16)
                tot = jnp.zeros((16,), jnp.int32)
                pre = jnp.zeros((16,), jnp.int32)

                def acc(t, tp):
                    tot_, pre_ = tp
                    h = allhist[t, sl]
                    before = jnp.where(t < me, jnp.int32(1), jnp.int32(0))
                    return (tot_ + h, pre_ + h * before)

                tot, pre = lax.fori_loop(0, RTILES, acc, (tot, pre))
                incl = plsc.cumsum(tot)
                hist[sl] = carry + (incl - tot) + pre
                return carry + jnp.sum(tot)

            lax.fori_loop(0, 16, offsets, jnp.int32(0))

            def phase_c(t, carry):
                sl = pl.ds(t * 16, 16)
                d = lax.shift_right_logical(kc[sl], sh) & m255
                cnt, is_last = plsc.scan_count(d)
                cur = plsc.load_gather(hist, [d])
                posb[sl] = cur + cnt - 1
                plsc.store_scatter(hist, [d], cur + cnt, mask=is_last)
                return carry

            lax.fori_loop(0, RVREGS, phase_c, 0)
            if not last:
                pltpu.sync_copy(kc, dst_k.at[posb])
            pltpu.sync_copy(vc, dst_v.at[posb])
            plsc.subcore_barrier()

        one_pass(0, None, None, kB, vB, True, False)
        one_pass(8, kB, vB, kA, vA, False, False)
        one_pass(16, kA, vA, kB, vB, False, False)
        one_pass(24, kB, vB, None, vA, False, True)
        pltpu.sync_copy(vA.at[pl.ds(base, RCH)], vc)
        pltpu.sync_copy(vc, out_hbm.at[pl.ds(base, RCH)])


def _gather_body(sidx_hbm, table_hbm, p0_hbm, p1_hbm,
                 out_hbm, p0o_hbm, p1o_hbm,
                 bidx_v, rows_v, s0_v, s1_v, sem, sem2):
    wid = lax.axis_index("s") * 2 + lax.axis_index("c")
    base = wid * CHUNK

    def body(b, carry):
        pos = base + b * GB

        @pl.when(pos < NUM_REL)
        def _():
            pos_c = jnp.minimum(pos, NUM_REL - GB)
            pltpu.sync_copy(sidx_hbm.at[pl.ds(pos_c, GB)], bidx_v)
            d_rows = pltpu.async_copy(table_hbm.at[bidx_v], rows_v, sem)
            d0 = pltpu.async_copy(p0_hbm.at[bidx_v], s0_v, sem2)
            d1 = pltpu.async_copy(p1_hbm.at[bidx_v], s1_v, sem2)
            d_rows.wait()
            d0.wait()
            d1.wait()
            dst = pl.ds(pos_c, GB)
            pltpu.sync_copy(rows_v, out_hbm.at[dst])
            pltpu.sync_copy(s0_v, p0o_hbm.at[dst])
            pltpu.sync_copy(s1_v, p1o_hbm.at[dst])

        return carry

    lax.fori_loop(0, NBATCH, body, 0)


def kernel(rel_logit, obj_logit, rel_pair_idx, boxes, img_size):
    f32 = jnp.float32
    i32 = jnp.int32

    obj_prob, obj_s2, obj_c2 = pl.pallas_call(
        _obj_body,
        out_shape=[
            jax.ShapeDtypeStruct((NUM_OBJ, NUM_OBJ_CLS), f32),
            jax.ShapeDtypeStruct((NUM_OBJ, 1), f32),
            jax.ShapeDtypeStruct((NUM_OBJ, 1), i32),
        ],
    )(obj_logit)
    obj_scores = obj_s2.reshape(NUM_OBJ)
    obj_class = obj_c2.reshape(NUM_OBJ)

    pair0 = rel_pair_idx[:, 0]
    pair1 = rel_pair_idx[:, 1]
    grid = NUM_REL // REL_B
    packed = pl.pallas_call(
        _rel_body,
        grid=(grid,),
        in_specs=[
            pl.BlockSpec((REL_B, NUM_REL_CLS), lambda i: (i, 0)),
        ],
        out_specs=pl.BlockSpec((REL_B, PACK_W), lambda i: (i, 0)),
        out_shape=jax.ShapeDtypeStruct((NUM_REL, PACK_W), f32),
    )(rel_logit)

    obj_prob_x = jax.nn.softmax(obj_logit, axis=-1)
    obj_prob_x = obj_prob_x.at[:, -1].set(0.0)
    obj_scores_x = jnp.max(obj_prob_x[:, :-1], axis=1)
    rel_scores_x = jnp.max(jax.nn.softmax(rel_logit, axis=-1)[:, :-1], axis=1)

    pad_n = N_PAD - NUM_REL
    rs_pad = jnp.concatenate([rel_scores_x, jnp.full((pad_n,), -1.0, f32)])
    p0_pad = jnp.concatenate([pair0, jnp.zeros((pad_n,), i32)])
    p1_pad = jnp.concatenate([pair1, jnp.zeros((pad_n,), i32)])
    mesh = plsc.VectorSubcoreMesh(core_axis_name="c", subcore_axis_name="s",
                                  num_cores=2, num_subcores=16)
    triple = pl.kernel(
        _triple_body,
        out_type=jax.ShapeDtypeStruct((N_PAD,), i32),
        mesh=mesh,
        scratch_types=[
            pltpu.VMEM((NUM_OBJ,), f32),
            pltpu.VMEM((CHUNK,), i32),
            pltpu.VMEM((CHUNK,), i32),
            pltpu.VMEM((CHUNK,), f32),
            pltpu.VMEM((CHUNK,), i32),
        ],
        compiler_params=pltpu.CompilerParams(needs_layout_passes=False,
                                             use_tc_tiling_on_sc=True),
    )(obj_scores_x, p0_pad, p1_pad, rs_pad)

    sorting_idx = pl.kernel(
        _radix_body,
        out_type=jax.ShapeDtypeStruct((N_PAD,), i32),
        mesh=mesh,
        scratch_types=[
            pltpu.VMEM((RCH,), i32),
            pltpu.VMEM((RCH,), i32),
            pltpu.VMEM((RCH,), i32),
            pltpu.VMEM((256,), i32),
            pltpu.VMEM((RTILES, 256), i32),
            pltpu.VMEM_SHARED((N_PAD,), i32),
            pltpu.VMEM_SHARED((N_PAD,), i32),
            pltpu.VMEM_SHARED((N_PAD,), i32),
            pltpu.VMEM_SHARED((N_PAD,), i32),
            pltpu.VMEM_SHARED((RTILES, 256), i32),
        ],
        compiler_params=pltpu.CompilerParams(needs_layout_passes=False),
    )(triple)

    out128, p0_s, p1_s = pl.kernel(
        _gather_body,
        out_type=[
            jax.ShapeDtypeStruct((NUM_REL, PACK_W), f32),
            jax.ShapeDtypeStruct((NUM_REL,), i32),
            jax.ShapeDtypeStruct((NUM_REL,), i32),
        ],
        mesh=mesh,
        scratch_types=[
            pltpu.VMEM((GB,), i32),
            pltpu.VMEM((GB, PACK_W), f32),
            pltpu.VMEM((GB,), i32),
            pltpu.VMEM((GB,), i32),
            pltpu.SemaphoreType.DMA,
            pltpu.SemaphoreType.DMA,
        ],
        compiler_params=pltpu.CompilerParams(needs_layout_passes=False,
                                             use_tc_tiling_on_sc=True),
    )(sorting_idx, packed, pair0, pair1)

    prob_s = out128[:, :NUM_REL_CLS]
    rel_labels = lax.bitcast_convert_type(out128[:, NUM_REL_CLS], i32)
    rel_pair_sorted = jnp.stack([p0_s, p1_s], axis=1)

    return (boxes, obj_class, obj_scores, obj_prob,
            rel_pair_sorted, prob_s, rel_labels)

# --- scband reference (transcript-rebuilt; emitter-appended) ---
"""Pipeline reference for scband-post-processor-with-grammar-9259949490897 (READ-ONLY COPY).

The authoritative reference and input builder live on the scoring server;
editing this copy changes nothing except your own understanding.
"""

import jax, jax.numpy as jnp
import numpy as np

NUM_OBJ = 5000
NUM_OBJ_CLS = 151
NUM_REL = 200000
NUM_REL_CLS = 51


def setup_inputs(seed: int = 0) -> dict:
    key = jax.random.key(seed)
    k1, k2, k3, k4 = jax.random.split(key, 4)
    rel_logit = jax.random.normal(k1, (NUM_REL, NUM_REL_CLS), dtype=jnp.float32)
    obj_logit = jax.random.normal(k2, (NUM_OBJ, NUM_OBJ_CLS), dtype=jnp.float32)
    rel_pair_idx = jax.random.randint(k3, (NUM_REL, 2), 0, NUM_OBJ, dtype=jnp.int32)
    boxes = jax.random.uniform(k4, (NUM_OBJ, 4), dtype=jnp.float32) * 1024.0
    img_size = jnp.array([1024, 1024], dtype=jnp.int32)
    return {"rel_logit": rel_logit, "obj_logit": obj_logit, "rel_pair_idx": rel_pair_idx, "boxes": boxes, "img_size": img_size}


def reference(rel_logit, obj_logit, rel_pair_idx, boxes, img_size):
    # obj_class_prob = F.softmax(obj_logit, -1); obj_class_prob[:, -1] = 0
    obj_class_prob = jax.nn.softmax(obj_logit, axis=-1)
    obj_class_prob = obj_class_prob.at[:, -1].set(0.0)
    # use_gt_box=True branch: obj_scores, obj_pred = obj_class_prob[:, :-1].max(dim=1)
    obj_scores = jnp.max(obj_class_prob[:, :-1], axis=1)
    obj_pred = jnp.argmax(obj_class_prob[:, :-1], axis=1)
    obj_class = obj_pred
    pred_boxes = boxes  # result.pred_boxes = box (gt boxes passthrough)
    # gather pair object scores
    obj_scores0 = obj_scores[rel_pair_idx[:, 0]]
    obj_scores1 = obj_scores[rel_pair_idx[:, 1]]
    # rel_class_prob = F.softmax(rel_logit, -1)
    rel_class_prob = jax.nn.softmax(rel_logit, axis=-1)
    # argmax_over_all_logits_and_filter_afterwards=False: max over [:, :-1]
    rel_scores = jnp.max(rel_class_prob[:, :-1], axis=1)
    rel_class = jnp.argmax(rel_class_prob[:, :-1], axis=1)
    triple_scores = rel_scores * obj_scores0 * obj_scores1
    # sort descending
    sorting_idx = jnp.argsort(-triple_scores.reshape(-1))
    rel_pair_idx_sorted = rel_pair_idx[sorting_idx]
    rel_class_prob_sorted = rel_class_prob[sorting_idx]
    rel_labels = rel_class[sorting_idx]
    return (pred_boxes, obj_class, obj_scores, obj_class_prob, rel_pair_idx_sorted, rel_class_prob_sorted, rel_labels)

if __name__ == "__main__":
    import jax
    _d = setup_inputs()
    print(jax.jit(kernel)(*tuple(_d.values())))

</pallas_src>

<mosaic_0001>
#map = affine_map<(d0, d1) -> (0)>
#map1 = affine_map<(d0, d1) -> (0, 0)>
module attributes {stable_mosaic.version = 14 : i64} {
  func.func @_gather_body(%arg0: i32, %arg1: i32, %arg2: memref<204800xi32, #tpu.memory_space<hbm>>, %arg3: memref<200000x128xf32, #tpu.memory_space<hbm>>, %arg4: memref<200000xi32, #tpu.memory_space<hbm>>, %arg5: memref<200000xi32, #tpu.memory_space<hbm>>, %arg6: memref<200000x128xf32, #tpu.memory_space<hbm>>, %arg7: memref<200000xi32, #tpu.memory_space<hbm>>, %arg8: memref<200000xi32, #tpu.memory_space<hbm>>, %arg9: memref<640xi32, #tpu.memory_space<vmem>>, %arg10: memref<640x128xf32, #tpu.memory_space<vmem>>, %arg11: memref<640xi32, #tpu.memory_space<vmem>>, %arg12: memref<640xi32, #tpu.memory_space<vmem>>, %arg13: memref<!tpu.dma_semaphore, #tpu.memory_space<semaphore_mem>>, %arg14: memref<!tpu.dma_semaphore, #tpu.memory_space<semaphore_mem>>) attributes {dimension_semantics = [#tpu.dimension_semantics<core_parallel>, #tpu.dimension_semantics<subcore_parallel>], iteration_bounds = array<i64: 2, 16>, scalar_prefetch = 0 : i64, scratch_operands = 6 : i64, tpu.core_type = #tpu.core_type<sc_vector_subcore>, window_params = [{transform_indices = #map}, {transform_indices = #map1}, {transform_indices = #map}, {transform_indices = #map}, {transform_indices = #map1}, {transform_indices = #map}, {transform_indices = #map}]} {
    %mul3A = arith.constant 2 : i32
    %mul3A_0 = arith.muli %arg1, %mul3A : i32
    %add3A = arith.addi %mul3A_0, %arg0 : i32
    %mul3A_1 = arith.constant 6400 : i32
    %mul3A_2 = arith.muli %add3A, %mul3A_1 : i32
    %scan3A = arith.constant 0 : i32
    %scan3A_3 = arith.constant 0 : i32
    %scan3A_4 = arith.constant 10 : i32
    %scan3A_5 = arith.addi %scan3A_3, %scan3A_4 : i32
    %scan3A_6 = arith.constant 1 : i32
    scf.for %scan3A_8 = %scan3A_3 to %scan3A_5 step %scan3A_6  : i32 {
      %mul3A_9 = arith.constant 640 : i32
      %mul3A_10 = arith.muli %scan3A_8, %mul3A_9 : i32
      %add3A_11 = arith.addi %mul3A_2, %mul3A_10 : i32
      %lt3A = arith.constant 200000 : i32
      %lt3A_12 = arith.cmpi slt, %add3A_11, %lt3A : i32
      %convert_element_type3A = arith.extui %lt3A_12 : i1 to i32
      %cond3A = arith.constant 0 : i32
      %cond3A_13 = arith.cmpi ne, %convert_element_type3A, %cond3A : i32
      scf.if %cond3A_13 {
        %min3A = arith.constant 199360 : i32
        %min3A_14 = arith.minsi %add3A_11, %min3A : i32
        "tpu.region"() ({
          %run_scoped3A = tpu.sem_alloc : memref<!tpu.dma_semaphore, #tpu.memory_space<semaphore_mem>>
          %dma_start3A_27 = tpu.memref_slice %arg2[%min3A_14] : memref<204800xi32, #tpu.memory_space<hbm>> -> memref<640xi32, #tpu.memory_space<hbm>>
          %dma_start3A_28 = tpu.memref_slice %arg2[%min3A_14] : memref<204800xi32, #tpu.memory_space<hbm>> -> memref<640xi32, #tpu.memory_space<hbm>>
          tpu.enqueue_dma source(%dma_start3A_28 : memref<640xi32, #tpu.memory_space<hbm>>) target(%arg9 : memref<640xi32, #tpu.memory_space<vmem>>) target_semaphore(%run_scoped3A : memref<!tpu.dma_semaphore, #tpu.memory_space<semaphore_mem>>)
          %dma_wait3A_29 = tpu.memref_slice %arg2[%min3A_14] : memref<204800xi32, #tpu.memory_space<hbm>> -> memref<640xi32, #tpu.memory_space<hbm>>
          %dma_wait3A_30 = tpu.memref_slice %arg2[%min3A_14] : memref<204800xi32, #tpu.memory_space<hbm>> -> memref<640xi32, #tpu.memory_space<hbm>>
          tpu.wait_dma2 semaphore(%run_scoped3A : memref<!tpu.dma_semaphore, #tpu.memory_space<semaphore_mem>>) src(%dma_wait3A_30 : memref<640xi32, #tpu.memory_space<hbm>>) dst(%arg9 : memref<640xi32, #tpu.memory_space<vmem>>)
          tpu.yield
        }) : () -> ()
        %dma_start3A = arith.constant 0 : i32
        %dma_start3A_15 = arith.constant 0 : i32
        %dma_start3A_16 = tpu.memref_slice %arg3[%dma_start3A, %dma_start3A_15] : memref<200000x128xf32, #tpu.memory_space<hbm>> -> memref<200000x128xf32, #tpu.memory_space<hbm>>
        tpu.enqueue_indirect_dma source(%dma_start3A_16 : memref<200000x128xf32, #tpu.memory_space<hbm>>) target(%arg10 : memref<640x128xf32, #tpu.memory_space<vmem>>) offsets(%arg9 : memref<640xi32, #tpu.memory_space<vmem>>) semaphore(%arg13 : memref<!tpu.dma_semaphore, #tpu.memory_space<semaphore_mem>>)
        %dma_start3A_17 = arith.constant 0 : i32
        %dma_start3A_18 = tpu.memref_slice %arg4[%dma_start3A_17] : memref<200000xi32, #tpu.memory_space<hbm>> -> memref<200000xi32, #tpu.memory_space<hbm>>
        tpu.enqueue_indirect_dma source(%dma_start3A_18 : memref<200000xi32, #tpu.memory_space<hbm>>) target(%arg11 : memref<640xi32, #tpu.memory_space<vmem>>) offsets(%arg9 : memref<640xi32, #tpu.memory_space<vmem>>) semaphore(%arg14 : memref<!tpu.dma_semaphore, #tpu.memory_space<semaphore_mem>>)
        %dma_start3A_19 = arith.constant 0 : i32
        %dma_start3A_20 = tpu.memref_slice %arg5[%dma_start3A_19] : memref<200000xi32, #tpu.memory_space<hbm>> -> memref<200000xi32, #tpu.memory_space<hbm>>
        tpu.enqueue_indirect_dma source(%dma_start3A_20 : memref<200000xi32, #tpu.memory_space<hbm>>) target(%arg12 : memref<640xi32, #tpu.memory_space<vmem>>) offsets(%arg9 : memref<640xi32, #tpu.memory_space<vmem>>) semaphore(%arg14 : memref<!tpu.dma_semaphore, #tpu.memory_space<semaphore_mem>>)
        %dma_wait3A = arith.constant 0 : i32
        %dma_wait3A_21 = arith.constant 0 : i32
        %dma_wait3A_22 = tpu.memref_slice %arg3[%dma_wait3A, %dma_wait3A_21] : memref<200000x128xf32, #tpu.memory_space<hbm>> -> memref<200000x128xf32, #tpu.memory_space<hbm>>
        tpu.wait_indirect_dma semaphore(%arg13 : memref<!tpu.dma_semaphore, #tpu.memory_space<semaphore_mem>>) src(%dma_wait3A_22 : memref<200000x128xf32, #tpu.memory_space<hbm>>) dst(%arg10 : memref<640x128xf32, #tpu.memory_space<vmem>>)
        %dma_wait3A_23 = arith.constant 0 : i32
        %dma_wait3A_24 = tpu.memref_slice %arg4[%dma_wait3A_23] : memref<200000xi32, #tpu.memory_space<hbm>> -> memref<200000xi32, #tpu.memory_space<hbm>>
        tpu.wait_indirect_dma semaphore(%arg14 : memref<!tpu.dma_semaphore, #tpu.memory_space<semaphore_mem>>) src(%dma_wait3A_24 : memref<200000xi32, #tpu.memory_space<hbm>>) dst(%arg11 : memref<640xi32, #tpu.memory_space<vmem>>)
        %dma_wait3A_25 = arith.constant 0 : i32
        %dma_wait3A_26 = tpu.memref_slice %arg5[%dma_wait3A_25] : memref<200000xi32, #tpu.memory_space<hbm>> -> memref<200000xi32, #tpu.memory_space<hbm>>
        tpu.wait_indirect_dma semaphore(%arg14 : memref<!tpu.dma_semaphore, #tpu.memory_space<semaphore_mem>>) src(%dma_wait3A_26 : memref<200000xi32, #tpu.memory_space<hbm>>) dst(%arg12 : memref<640xi32, #tpu.memory_space<vmem>>)
        "tpu.region"() ({
          %run_scoped3A = tpu.sem_alloc : memref<!tpu.dma_semaphore, #tpu.memory_space<semaphore_mem>>
          %dma_start3A_27 = arith.constant 0 : i32
          %dma_start3A_28 = tpu.memref_slice %arg6[%min3A_14, %dma_start3A_27] : memref<200000x128xf32, #tpu.memory_space<hbm>> -> memref<640x128xf32, #tpu.memory_space<hbm>>
          %dma_start3A_29 = arith.constant 0 : i32
          %dma_start3A_30 = tpu.memref_slice %arg6[%min3A_14, %dma_start3A_29] : memref<200000x128xf32, #tpu.memory_space<hbm>> -> memref<640x128xf32, #tpu.memory_space<hbm>>
          tpu.enqueue_dma source(%arg10 : memref<640x128xf32, #tpu.memory_space<vmem>>) target(%dma_start3A_30 : memref<640x128xf32, #tpu.memory_space<hbm>>) target_semaphore(%run_scoped3A : memref<!tpu.dma_semaphore, #tpu.memory_space<semaphore_mem>>)
          %dma_wait3A_31 = arith.constant 0 : i32
          %dma_wait3A_32 = tpu.memref_slice %arg6[%min3A_14, %dma_wait3A_31] : memref<200000x128xf32, #tpu.memory_space<hbm>> -> memref<640x128xf32, #tpu.memory_space<hbm>>
          %dma_wait3A_33 = arith.constant 0 : i32
          %dma_wait3A_34 = tpu.memref_slice %arg6[%min3A_14, %dma_wait3A_33] : memref<200000x128xf32, #tpu.memory_space<hbm>> -> memref<640x128xf32, #tpu.memory_space<hbm>>
          tpu.wait_dma2 semaphore(%run_scoped3A : memref<!tpu.dma_semaphore, #tpu.memory_space<semaphore_mem>>) src(%arg10 : memref<640x128xf32, #tpu.memory_space<vmem>>) dst(%dma_wait3A_34 : memref<640x128xf32, #tpu.memory_space<hbm>>)
          tpu.yield
        }) : () -> ()
        "tpu.region"() ({
          %run_scoped3A = tpu.sem_alloc : memref<!tpu.dma_semaphore, #tpu.memory_space<semaphore_mem>>
          %dma_start3A_27 = tpu.memref_slice %arg7[%min3A_14] : memref<200000xi32, #tpu.memory_space<hbm>> -> memref<640xi32, #tpu.memory_space<hbm>>
          %dma_start3A_28 = tpu.memref_slice %arg7[%min3A_14] : memref<200000xi32, #tpu.memory_space<hbm>> -> memref<640xi32, #tpu.memory_space<hbm>>
          tpu.enqueue_dma source(%arg11 : memref<640xi32, #tpu.memory_space<vmem>>) target(%dma_start3A_28 : memref<640xi32, #tpu.memory_space<hbm>>) target_semaphore(%run_scoped3A : memref<!tpu.dma_semaphore, #tpu.memory_space<semaphore_mem>>)
          %dma_wait3A_29 = tpu.memref_slice %arg7[%min3A_14] : memref<200000xi32, #tpu.memory_space<hbm>> -> memref<640xi32, #tpu.memory_space<hbm>>
          %dma_wait3A_30 = tpu.memref_slice %arg7[%min3A_14] : memref<200000xi32, #tpu.memory_space<hbm>> -> memref<640xi32, #tpu.memory_space<hbm>>
          tpu.wait_dma2 semaphore(%run_scoped3A : memref<!tpu.dma_semaphore, #tpu.memory_space<semaphore_mem>>) src(%arg11 : memref<640xi32, #tpu.memory_space<vmem>>) dst(%dma_wait3A_30 : memref<640xi32, #tpu.memory_space<hbm>>)
          tpu.yield
        }) : () -> ()
        "tpu.region"() ({
          %run_scoped3A = tpu.sem_alloc : memref<!tpu.dma_semaphore, #tpu.memory_space<semaphore_mem>>
          %dma_start3A_27 = tpu.memref_slice %arg8[%min3A_14] : memref<200000xi32, #tpu.memory_space<hbm>> -> memref<640xi32, #tpu.memory_space<hbm>>
          %dma_start3A_28 = tpu.memref_slice %arg8[%min3A_14] : memref<200000xi32, #tpu.memory_space<hbm>> -> memref<640xi32, #tpu.memory_space<hbm>>
          tpu.enqueue_dma source(%arg12 : memref<640xi32, #tpu.memory_space<vmem>>) target(%dma_start3A_28 : memref<640xi32, #tpu.memory_space<hbm>>) target_semaphore(%run_scoped3A : memref<!tpu.dma_semaphore, #tpu.memory_space<semaphore_mem>>)
          %dma_wait3A_29 = tpu.memref_slice %arg8[%min3A_14] : memref<200000xi32, #tpu.memory_space<hbm>> -> memref<640xi32, #tpu.memory_space<hbm>>
          %dma_wait3A_30 = tpu.memref_slice %arg8[%min3A_14] : memref<200000xi32, #tpu.memory_space<hbm>> -> memref<640xi32, #tpu.memory_space<hbm>>
          tpu.wait_dma2 semaphore(%run_scoped3A : memref<!tpu.dma_semaphore, #tpu.memory_space<semaphore_mem>>) src(%arg12 : memref<640xi32, #tpu.memory_space<vmem>>) dst(%dma_wait3A_30 : memref<640xi32, #tpu.memory_space<hbm>>)
          tpu.yield
        }) : () -> ()
      } else {
      }
    }
    %scan3A_7 = arith.constant 10 : i32
    return
  }
}

#map = affine_map<(d0, d1) -> (0)>
module attributes {stable_mosaic.version = 14 : i64} {
  func.func @_radix_body(%arg0: i32, %arg1: i32, %arg2: memref<204800xi32, #tpu.memory_space<hbm>>, %arg3: memref<204800xi32, #tpu.memory_space<hbm>>, %arg4: memref<12800xi32, #tpu.memory_space<vmem>>, %arg5: memref<12800xi32, #tpu.memory_space<vmem>>, %arg6: memref<12800xi32, #tpu.memory_space<vmem>>, %arg7: memref<256xi32, #tpu.memory_space<vmem>>, %arg8: memref<16x256xi32, #tpu.memory_space<vmem>>, %arg9: memref<204800xi32, #tpu.memory_space<vmem_shared>>, %arg10: memref<204800xi32, #tpu.memory_space<vmem_shared>>, %arg11: memref<204800xi32, #tpu.memory_space<vmem_shared>>, %arg12: memref<204800xi32, #tpu.memory_space<vmem_shared>>, %arg13: memref<16x256xi32, #tpu.memory_space<vmem_shared>>) attributes {dimension_semantics = [#tpu.dimension_semantics<core_parallel>, #tpu.dimension_semantics<subcore_parallel>], iteration_bounds = array<i64: 2, 16>, scalar_prefetch = 0 : i64, scratch_operands = 10 : i64, tpu.core_type = #tpu.core_type<sc_vector_subcore>, window_params = [{transform_indices = #map}, {transform_indices = #map}]} {
    %eq3A = arith.constant 0 : i32
    %eq3A_0 = arith.cmpi eq, %arg0, %eq3A : i32
    %convert_element_type3A = arith.extui %eq3A_0 : i1 to i32
    %cond3A = arith.constant 0 : i32
    %cond3A_1 = arith.cmpi ne, %convert_element_type3A, %cond3A : i32
    scf.if %cond3A_1 {
      %mul3A = arith.constant 12800 : i32
      %mul3A_2 = arith.muli %arg1, %mul3A : i32
      "tpu.region"() ({
        %run_scoped3A = tpu.sem_alloc : memref<!tpu.dma_semaphore, #tpu.memory_space<semaphore_mem>>
        %dma_start3A = tpu.memref_slice %arg2[%mul3A_2] : memref<204800xi32, #tpu.memory_space<hbm>> -> memref<12800xi32, #tpu.memory_space<hbm>>
        %dma_start3A_130 = tpu.memref_slice %arg2[%mul3A_2] : memref<204800xi32, #tpu.memory_space<hbm>> -> memref<12800xi32, #tpu.memory_space<hbm>>
        tpu.enqueue_dma source(%dma_start3A_130 : memref<12800xi32, #tpu.memory_space<hbm>>) target(%arg4 : memref<12800xi32, #tpu.memory_space<vmem>>) target_semaphore(%run_scoped3A : memref<!tpu.dma_semaphore, #tpu.memory_space<semaphore_mem>>)
        %dma_wait3A = tpu.memref_slice %arg2[%mul3A_2] : memref<204800xi32, #tpu.memory_space<hbm>> -> memref<12800xi32, #tpu.memory_space<hbm>>
        %dma_wait3A_131 = tpu.memref_slice %arg2[%mul3A_2] : memref<204800xi32, #tpu.memory_space<hbm>> -> memref<12800xi32, #tpu.memory_space<hbm>>
        tpu.wait_dma2 semaphore(%run_scoped3A : memref<!tpu.dma_semaphore, #tpu.memory_space<semaphore_mem>>) src(%dma_wait3A_131 : memref<12800xi32, #tpu.memory_space<hbm>>) dst(%arg4 : memref<12800xi32, #tpu.memory_space<vmem>>)
        tpu.yield
      }) : () -> ()
      %scan3A = arith.constant 0 : i32
      %scan3A_3 = arith.constant 0 : i32
      %scan3A_4 = arith.constant 800 : i32
      %scan3A_5 = arith.addi %scan3A_3, %scan3A_4 : i32
      %scan3A_6 = arith.constant 1 : i32
      scf.for %scan3A_130 = %scan3A_3 to %scan3A_5 step %scan3A_6  : i32 {
        %mul3A_131 = arith.constant 16 : i32
        %mul3A_132 = arith.muli %scan3A_130, %mul3A_131 : i32
        %iota3A = tpu.iota {dimensions = array<i32: 0>} : vector<16xi32>
        %mul3A_133 = arith.constant 16 : i32
        %mul3A_134 = arith.muli %scan3A_130, %mul3A_133 : i32
        %add3A = arith.addi %mul3A_2, %mul3A_134 : i32
        %add3A_135 = vector.broadcast %add3A : i32 to vector<16xi32>
        %add3A_136 = arith.addi %iota3A, %add3A_135 : vector<16xi32>
        %swap3A = arith.index_cast %mul3A_132 : i32 to index
        %swap3A_137 = tpu.vector_load %arg5[%swap3A] {strides = array<i32>} : memref<12800xi32, #tpu.memory_space<vmem>>, vector<16xi32>,
        tpu.vector_store %arg5[%swap3A], %add3A_136 {strides = array<i32>} : memref<12800xi32, #tpu.memory_space<vmem>>, vector<16xi32>,
      }
      %scan3A_7 = arith.constant 800 : i32
      %scan3A_8 = arith.constant 0 : i32
      %scan3A_9 = arith.constant 0 : i32
      %scan3A_10 = arith.constant 16 : i32
      %scan3A_11 = arith.addi %scan3A_9, %scan3A_10 : i32
      %scan3A_12 = arith.constant 1 : i32
      scf.for %scan3A_130 = %scan3A_9 to %scan3A_11 step %scan3A_12  : i32 {
        %broadcast_in_dim3A_131 = arith.constant 0 : i32
        %broadcast_in_dim3A_132 = vector.broadcast %broadcast_in_dim3A_131 : i32 to vector<16xi32>
        %mul3A_133 = arith.constant 16 : i32
        %mul3A_134 = arith.muli %scan3A_130, %mul3A_133 : i32
        %swap3A = arith.index_cast %mul3A_134 : i32 to index
        %swap3A_135 = tpu.vector_load %arg7[%swap3A] {strides = array<i32>} : memref<256xi32, #tpu.memory_space<vmem>>, vector<16xi32>,
        tpu.vector_store %arg7[%swap3A], %broadcast_in_dim3A_132 {strides = array<i32>} : memref<256xi32, #tpu.memory_space<vmem>>, vector<16xi32>,
      }
      %scan3A_13 = arith.constant 16 : i32
      %broadcast_in_dim3A = arith.constant 0 : i32
      %broadcast_in_dim3A_14 = vector.broadcast %broadcast_in_dim3A : i32 to vector<16xi32>
      %scan3A_15 = arith.constant 0 : i32
      %scan3A_16 = arith.constant 255 : i32
      %scan3A_17 = arith.constant 0 : i32
      %scan3A_18 = arith.constant 800 : i32
      %scan3A_19 = arith.addi %scan3A_17, %scan3A_18 : i32
      %scan3A_20 = arith.constant 1 : i32
      scf.for %scan3A_130 = %scan3A_17 to %scan3A_19 step %scan3A_20  : i32 {
        %mul3A_131 = arith.constant 16 : i32
        %mul3A_132 = arith.muli %scan3A_130, %mul3A_131 : i32
        %get3A = arith.index_cast %mul3A_132 : i32 to index
        %get3A_133 = tpu.vector_load %arg4[%get3A] {strides = array<i32>} : memref<12800xi32, #tpu.memory_space<vmem>>, vector<16xi32>,
        %shift_right_logical3A = arith.shrui %get3A_133, %broadcast_in_dim3A_14 : vector<16xi32>
        %and3A = vector.broadcast %scan3A_16 : i32 to vector<16xi32>
        %and3A_134 = arith.andi %shift_right_logical3A, %and3A : vector<16xi32>
        %broadcast_in_dim3A_135 = arith.constant true
        %broadcast_in_dim3A_136 = vector.broadcast %broadcast_in_dim3A_135 : i1 to vector<16xi1>
        %unique3A, %unique3A_137 = tpu.scan_count mask(%broadcast_in_dim3A_136 : vector<16xi1>) value(%and3A_134 : vector<16xi32>) : vector<16xi1>, vector<16xi32>
        %gather3A = tpu.vector_load_idx %arg7[%and3A_134] : memref<256xi32, #tpu.memory_space<vmem>>[vector<16xi32>], vector<16xi32>,
        %add3A = arith.addi %gather3A, %unique3A_137 : vector<16xi32>
        tpu.vector_store_idx %arg7[%and3A_134], %add3A masked %unique3A : memref<256xi32, #tpu.memory_space<vmem>>[vector<16xi32>], vector<16xi32>, vector<16xi1>
      }
      %scan3A_21 = arith.constant 800 : i32
      "tpu.region"() ({
        %run_scoped3A = tpu.sem_alloc : memref<!tpu.dma_semaphore, #tpu.memory_space<semaphore_mem>>
        %dma_start3A = arith.constant 0 : i32
        %dma_start3A_130 = tpu.memref_slice %arg13[%arg1, %dma_start3A] : memref<16x256xi32, #tpu.memory_space<vmem_shared>> -> memref<1x256xi32, #tpu.memory_space<vmem_shared>>
        %dma_start3A_131 = tpu.memref_squeeze %dma_start3A_130 : memref<1x256xi32, #tpu.memory_space<vmem_shared>> -> memref<256xi32, #tpu.memory_space<vmem_shared>>
        %dma_start3A_132 = arith.constant 0 : i32
        %dma_start3A_133 = tpu.memref_slice %arg13[%arg1, %dma_start3A_132] : memref<16x256xi32, #tpu.memory_space<vmem_shared>> -> memref<1x256xi32, #tpu.memory_space<vmem_shared>>
        %dma_start3A_134 = tpu.memref_squeeze %dma_start3A_133 : memref<1x256xi32, #tpu.memory_space<vmem_shared>> -> memref<256xi32, #tpu.memory_space<vmem_shared>>
        tpu.enqueue_dma source(%arg7 : memref<256xi32, #tpu.memory_space<vmem>>) target(%dma_start3A_134 : memref<256xi32, #tpu.memory_space<vmem_shared>>) target_semaphore(%run_scoped3A : memref<!tpu.dma_semaphore, #tpu.memory_space<semaphore_mem>>)
        %dma_wait3A = arith.constant 0 : i32
        %dma_wait3A_135 = tpu.memref_slice %arg13[%arg1, %dma_wait3A] : memref<16x256xi32, #tpu.memory_space<vmem_shared>> -> memref<1x256xi32, #tpu.memory_space<vmem_shared>>
        %dma_wait3A_136 = tpu.memref_squeeze %dma_wait3A_135 : memref<1x256xi32, #tpu.memory_space<vmem_shared>> -> memref<256xi32, #tpu.memory_space<vmem_shared>>
        %dma_wait3A_137 = arith.constant 0 : i32
        %dma_wait3A_138 = tpu.memref_slice %arg13[%arg1, %dma_wait3A_137] : memref<16x256xi32, #tpu.memory_space<vmem_shared>> -> memref<1x256xi32, #tpu.memory_space<vmem_shared>>
        %dma_wait3A_139 = tpu.memref_squeeze %dma_wait3A_138 : memref<1x256xi32, #tpu.memory_space<vmem_shared>> -> memref<256xi32, #tpu.memory_space<vmem_shared>>
        tpu.wait_dma2 semaphore(%run_scoped3A : memref<!tpu.dma_semaphore, #tpu.memory_space<semaphore_mem>>) src(%arg7 : memref<256xi32, #tpu.memory_space<vmem>>) dst(%dma_wait3A_139 : memref<256xi32, #tpu.memory_space<vmem_shared>>)
        tpu.yield
      }) : () -> ()
      %barrier3A = arith.constant 0 : index
      tpu.barrier barrier_id(%barrier3A)
      "tpu.region"() ({
        %run_scoped3A = tpu.sem_alloc : memref<!tpu.dma_semaphore, #tpu.memory_space<semaphore_mem>>
        tpu.enqueue_dma source(%arg13 : memref<16x256xi32, #tpu.memory_space<vmem_shared>>) target(%arg8 : memref<16x256xi32, #tpu.memory_space<vmem>>) target_semaphore(%run_scoped3A : memref<!tpu.dma_semaphore, #tpu.memory_space<semaphore_mem>>)
        tpu.wait_dma2 semaphore(%run_scoped3A : memref<!tpu.dma_semaphore, #tpu.memory_space<semaphore_mem>>) src(%arg13 : memref<16x256xi32, #tpu.memory_space<vmem_shared>>) dst(%arg8 : memref<16x256xi32, #tpu.memory_space<vmem>>)
        tpu.yield
      }) : () -> ()
      %scan3A_22 = arith.constant 0 : i32
      %scan3A_23 = arith.constant 0 : i32
      %scan3A_24 = arith.constant 16 : i32
      %scan3A_25 = arith.addi %scan3A_23, %scan3A_24 : i32
      %scan3A_26 = arith.constant 1 : i32
      %scan3A_27 = scf.for %scan3A_130 = %scan3A_23 to %scan3A_25 step %scan3A_26 iter_args(%scan3A_131 = %scan3A_22) -> (i32)  : i32 {
        %mul3A_132 = arith.constant 16 : i32
        %mul3A_133 = arith.muli %scan3A_130, %mul3A_132 : i32
        %broadcast_in_dim3A_134 = arith.constant 0 : i32
        %broadcast_in_dim3A_135 = vector.broadcast %broadcast_in_dim3A_134 : i32 to vector<16xi32>
        %broadcast_in_dim3A_136 = arith.constant 0 : i32
        %broadcast_in_dim3A_137 = vector.broadcast %broadcast_in_dim3A_136 : i32 to vector<16xi32>
        %scan3A_138 = arith.constant 0 : i32
        %scan3A_139 = arith.constant 16 : i32
        %scan3A_140 = arith.addi %scan3A_138, %scan3A_139 : i32
        %scan3A_141 = arith.constant 1 : i32
        %scan3A_142:2 = scf.for %scan3A_153 = %scan3A_138 to %scan3A_140 step %scan3A_141 iter_args(%scan3A_154 = %broadcast_in_dim3A_135, %scan3A_155 = %broadcast_in_dim3A_137) -> (vector<16xi32>, vector<16xi32>)  : i32 {
          %get3A = arith.index_cast %scan3A_153 : i32 to index
          %get3A_156 = arith.index_cast %mul3A_133 : i32 to index
          %get3A_157 = tpu.vector_load %arg8[%get3A, %get3A_156] {strides = array<i32>} : memref<16x256xi32, #tpu.memory_space<vmem>>, vector<16xi32>,
          %lt3A = arith.cmpi slt, %scan3A_153, %arg1 : i32
          %jit3A = arith.constant 1 : i32
          %jit3A_158 = arith.constant 0 : i32
          %select_n3A = arith.select %lt3A, %jit3A, %jit3A_158 : i32
          %add3A_159 = arith.addi %scan3A_154, %get3A_157 : vector<16xi32>
          %mul3A_160 = vector.broadcast %select_n3A : i32 to vector<16xi32>
          %mul3A_161 = arith.muli %get3A_157, %mul3A_160 : vector<16xi32>
          %add3A_162 = arith.addi %scan3A_155, %mul3A_161 : vector<16xi32>
          scf.yield %add3A_159, %add3A_162 : vector<16xi32>, vector<16xi32>
        }
        %scan3A_143 = arith.constant 16 : i32
        %broadcast_in_dim3A_144 = arith.constant true
        %broadcast_in_dim3A_145 = vector.broadcast %broadcast_in_dim3A_144 : i1 to vector<16xi1>
        %masked_cumsum3A = tpu.scan <sum>, %scan3A_142#0 masked %broadcast_in_dim3A_145 : vector<16xi32>, vector<16xi1> -> vector<16xi32>
        %sub3A = arith.subi %masked_cumsum3A, %scan3A_142#0 : vector<16xi32>
        %add3A = vector.broadcast %scan3A_131 : i32 to vector<16xi32>
        %add3A_146 = arith.addi %add3A, %sub3A : vector<16xi32>
        %add3A_147 = arith.addi %add3A_146, %scan3A_142#1 : vector<16xi32>
        %swap3A = arith.index_cast %mul3A_133 : i32 to index
        %swap3A_148 = tpu.vector_load %arg7[%swap3A] {strides = array<i32>} : memref<256xi32, #tpu.memory_space<vmem>>, vector<16xi32>,
        tpu.vector_store %arg7[%swap3A], %add3A_147 {strides = array<i32>} : memref<256xi32, #tpu.memory_space<vmem>>, vector<16xi32>,
        %reduce_sum3A = arith.constant true
        %reduce_sum3A_149 = vector.broadcast %reduce_sum3A : i1 to vector<16xi1>
        %reduce_sum3A_150 = tpu.scan <sum>, %scan3A_142#0 masked %reduce_sum3A_149 : vector<16xi32>, vector<16xi1> -> vector<16xi32>
        %reduce_sum3A_151 = vector.extract %reduce_sum3A_150[15] : i32 from vector<16xi32>
        %add3A_152 = arith.addi %scan3A_131, %reduce_sum3A_151 : i32
        scf.yield %add3A_152 : i32
      }
      %scan3A_28 = arith.constant 16 : i32
      %scan3A_29 = arith.constant 0 : i32
      %scan3A_30 = arith.constant 255 : i32
      %scan3A_31 = arith.constant 0 : i32
      %scan3A_32 = arith.constant 800 : i32
      %scan3A_33 = arith.addi %scan3A_31, %scan3A_32 : i32
      %scan3A_34 = arith.constant 1 : i32
      scf.for %scan3A_130 = %scan3A_31 to %scan3A_33 step %scan3A_34  : i32 {
        %mul3A_131 = arith.constant 16 : i32
        %mul3A_132 = arith.muli %scan3A_130, %mul3A_131 : i32
        %get3A = arith.index_cast %mul3A_132 : i32 to index
        %get3A_133 = tpu.vector_load %arg4[%get3A] {strides = array<i32>} : memref<12800xi32, #tpu.memory_space<vmem>>, vector<16xi32>,
        %shift_right_logical3A = arith.shrui %get3A_133, %broadcast_in_dim3A_14 : vector<16xi32>
        %and3A = vector.broadcast %scan3A_30 : i32 to vector<16xi32>
        %and3A_134 = arith.andi %shift_right_logical3A, %and3A : vector<16xi32>
        %broadcast_in_dim3A_135 = arith.constant true
        %broadcast_in_dim3A_136 = vector.broadcast %broadcast_in_dim3A_135 : i1 to vector<16xi1>
        %unique3A, %unique3A_137 = tpu.scan_count mask(%broadcast_in_dim3A_136 : vector<16xi1>) value(%and3A_134 : vector<16xi32>) : vector<16xi1>, vector<16xi32>
        %gather3A = tpu.vector_load_idx %arg7[%and3A_134] : memref<256xi32, #tpu.memory_space<vmem>>[vector<16xi32>], vector<16xi32>,
        %add3A = arith.addi %gather3A, %unique3A_137 : vector<16xi32>
        %sub3A = arith.constant 1 : i32
        %sub3A_138 = vector.broadcast %sub3A : i32 to vector<16xi32>
        %sub3A_139 = arith.subi %add3A, %sub3A_138 : vector<16xi32>
        %swap3A = arith.index_cast %mul3A_132 : i32 to index
        %swap3A_140 = tpu.vector_load %arg6[%swap3A] {strides = array<i32>} : memref<12800xi32, #tpu.memory_space<vmem>>, vector<16xi32>,
        tpu.vector_store %arg6[%swap3A], %sub3A_139 {strides = array<i32>} : memref<12800xi32, #tpu.memory_space<vmem>>, vector<16xi32>,
        %add3A_141 = arith.addi %gather3A, %unique3A_137 : vector<16xi32>
        tpu.vector_store_idx %arg7[%and3A_134], %add3A_141 masked %unique3A : memref<256xi32, #tpu.memory_space<vmem>>[vector<16xi32>], vector<16xi32>, vector<16xi1>
      }
      %scan3A_35 = arith.constant 800 : i32
      "tpu.region"() ({
        %run_scoped3A = tpu.sem_alloc : memref<!tpu.dma_semaphore, #tpu.memory_space<semaphore_mem>>
        %dma_start3A = arith.constant 0 : i32
        %dma_start3A_130 = tpu.memref_slice %arg11[%dma_start3A] : memref<204800xi32, #tpu.memory_space<vmem_shared>> -> memref<204800xi32, #tpu.memory_space<vmem_shared>>
        tpu.enqueue_indirect_dma source(%arg4 : memref<12800xi32, #tpu.memory_space<vmem>>) target(%dma_start3A_130 : memref<204800xi32, #tpu.memory_space<vmem_shared>>) offsets(%arg6 : memref<12800xi32, #tpu.memory_space<vmem>>) semaphore(%run_scoped3A : memref<!tpu.dma_semaphore, #tpu.memory_space<semaphore_mem>>)
        %dma_wait3A = arith.constant 0 : i32
        %dma_wait3A_131 = tpu.memref_slice %arg11[%dma_wait3A] : memref<204800xi32, #tpu.memory_space<vmem_shared>> -> memref<204800xi32, #tpu.memory_space<vmem_shared>>
        tpu.wait_indirect_dma semaphore(%run_scoped3A : memref<!tpu.dma_semaphore, #tpu.memory_space<semaphore_mem>>) src(%arg4 : memref<12800xi32, #tpu.memory_space<vmem>>) dst(%dma_wait3A_131 : memref<204800xi32, #tpu.memory_space<vmem_shared>>)
        tpu.yield
      }) : () -> ()
      "tpu.region"() ({
        %run_scoped3A = tpu.sem_alloc : memref<!tpu.dma_semaphore, #tpu.memory_space<semaphore_mem>>
        %dma_start3A = arith.constant 0 : i32
        %dma_start3A_130 = tpu.memref_slice %arg12[%dma_start3A] : memref<204800xi32, #tpu.memory_space<vmem_shared>> -> memref<204800xi32, #tpu.memory_space<vmem_shared>>
        tpu.enqueue_indirect_dma source(%arg5 : memref<12800xi32, #tpu.memory_space<vmem>>) target(%dma_start3A_130 : memref<204800xi32, #tpu.memory_space<vmem_shared>>) offsets(%arg6 : memref<12800xi32, #tpu.memory_space<vmem>>) semaphore(%run_scoped3A : memref<!tpu.dma_semaphore, #tpu.memory_space<semaphore_mem>>)
        %dma_wait3A = arith.constant 0 : i32
        %dma_wait3A_131 = tpu.memref_slice %arg12[%dma_wait3A] : memref<204800xi32, #tpu.memory_space<vmem_shared>> -> memref<204800xi32, #tpu.memory_space<vmem_shared>>
        tpu.wait_indirect_dma semaphore(%run_scoped3A : memref<!tpu.dma_semaphore, #tpu.memory_space<semaphore_mem>>) src(%arg5 : memref<12800xi32, #tpu.memory_space<vmem>>) dst(%dma_wait3A_131 : memref<204800xi32, #tpu.memory_space<vmem_shared>>)
        tpu.yield
      }) : () -> ()
      %barrier3A_36 = arith.constant 0 : index
      tpu.barrier barrier_id(%barrier3A_36)
      "tpu.region"() ({
        %run_scoped3A = tpu.sem_alloc : memref<!tpu.dma_semaphore, #tpu.memory_space<semaphore_mem>>
        %dma_start3A = tpu.memref_slice %arg11[%mul3A_2] : memref<204800xi32, #tpu.memory_space<vmem_shared>> -> memref<12800xi32, #tpu.memory_space<vmem_shared>>
        %dma_start3A_130 = tpu.memref_slice %arg11[%mul3A_2] : memref<204800xi32, #tpu.memory_space<vmem_shared>> -> memref<12800xi32, #tpu.memory_space<vmem_shared>>
        tpu.enqueue_dma source(%dma_start3A_130 : memref<12800xi32, #tpu.memory_space<vmem_shared>>) target(%arg4 : memref<12800xi32, #tpu.memory_space<vmem>>) target_semaphore(%run_scoped3A : memref<!tpu.dma_semaphore, #tpu.memory_space<semaphore_mem>>)
        %dma_wait3A = tpu.memref_slice %arg11[%mul3A_2] : memref<204800xi32, #tpu.memory_space<vmem_shared>> -> memref<12800xi32, #tpu.memory_space<vmem_shared>>
        %dma_wait3A_131 = tpu.memref_slice %arg11[%mul3A_2] : memref<204800xi32, #tpu.memory_space<vmem_shared>> -> memref<12800xi32, #tpu.memory_space<vmem_shared>>
        tpu.wait_dma2 semaphore(%run_scoped3A : memref<!tpu.dma_semaphore, #tpu.memory_space<semaphore_mem>>) src(%dma_wait3A_131 : memref<12800xi32, #tpu.memory_space<vmem_shared>>) dst(%arg4 : memref<12800xi32, #tpu.memory_space<vmem>>)
        tpu.yield
      }) : () -> ()
      "tpu.region"() ({
        %run_scoped3A = tpu.sem_alloc : memref<!tpu.dma_semaphore, #tpu.memory_space<semaphore_mem>>
        %dma_start3A = tpu.memref_slice %arg12[%mul3A_2] : memref<204800xi32, #tpu.memory_space<vmem_shared>> -> memref<12800xi32, #tpu.memory_space<vmem_shared>>
        %dma_start3A_130 = tpu.memref_slice %arg12[%mul3A_2] : memref<204800xi32, #tpu.memory_space<vmem_shared>> -> memref<12800xi32, #tpu.memory_space<vmem_shared>>
        tpu.enqueue_dma source(%dma_start3A_130 : memref<12800xi32, #tpu.memory_space<vmem_shared>>) target(%arg5 : memref<12800xi32, #tpu.memory_space<vmem>>) target_semaphore(%run_scoped3A : memref<!tpu.dma_semaphore, #tpu.memory_space<semaphore_mem>>)
        %dma_wait3A = tpu.memref_slice %arg12[%mul3A_2] : memref<204800xi32, #tpu.memory_space<vmem_shared>> -> memref<12800xi32, #tpu.memory_space<vmem_shared>>
        %dma_wait3A_131 = tpu.memref_slice %arg12[%mul3A_2] : memref<204800xi32, #tpu.memory_space<vmem_shared>> -> memref<12800xi32, #tpu.memory_space<vmem_shared>>
        tpu.wait_dma2 semaphore(%run_scoped3A : memref<!tpu.dma_semaphore, #tpu.memory_space<semaphore_mem>>) src(%dma_wait3A_131 : memref<12800xi32, #tpu.memory_space<vmem_shared>>) dst(%arg5 : memref<12800xi32, #tpu.memory_space<vmem>>)
        tpu.yield
      }) : () -> ()
      %scan3A_37 = arith.constant 0 : i32
      %scan3A_38 = arith.constant 0 : i32
      %scan3A_39 = arith.constant 16 : i32
      %scan3A_40 = arith.addi %scan3A_38, %scan3A_39 : i32
      %scan3A_41 = arith.constant 1 : i32
      scf.for %scan3A_130 = %scan3A_38 to %scan3A_40 step %scan3A_41  : i32 {
        %broadcast_in_dim3A_131 = arith.constant 0 : i32
        %broadcast_in_dim3A_132 = vector.broadcast %broadcast_in_dim3A_131 : i32 to vector<16xi32>
        %mul3A_133 = arith.constant 16 : i32
        %mul3A_134 = arith.muli %scan3A_130, %mul3A_133 : i32
        %swap3A = arith.index_cast %mul3A_134 : i32 to index
        %swap3A_135 = tpu.vector_load %arg7[%swap3A] {strides = array<i32>} : memref<256xi32, #tpu.memory_space<vmem>>, vector<16xi32>,
        tpu.vector_store %arg7[%swap3A], %broadcast_in_dim3A_132 {strides = array<i32>} : memref<256xi32, #tpu.memory_space<vmem>>, vector<16xi32>,
      }
      %scan3A_42 = arith.constant 16 : i32
      %broadcast_in_dim3A_43 = arith.constant 8 : i32
      %broadcast_in_dim3A_44 = vector.broadcast %broadcast_in_dim3A_43 : i32 to vector<16xi32>
      %scan3A_45 = arith.constant 0 : i32
      %scan3A_46 = arith.constant 255 : i32
      %scan3A_47 = arith.constant 0 : i32
      %scan3A_48 = arith.constant 800 : i32
      %scan3A_49 = arith.addi %scan3A_47, %scan3A_48 : i32
      %scan3A_50 = arith.constant 1 : i32
      scf.for %scan3A_130 = %scan3A_47 to %scan3A_49 step %scan3A_50  : i32 {
        %mul3A_131 = arith.constant 16 : i32
        %mul3A_132 = arith.muli %scan3A_130, %mul3A_131 : i32
        %get3A = arith.index_cast %mul3A_132 : i32 to index
        %get3A_133 = tpu.vector_load %arg4[%get3A] {strides = array<i32>} : memref<12800xi32, #tpu.memory_space<vmem>>, vector<16xi32>,
        %shift_right_logical3A = arith.shrui %get3A_133, %broadcast_in_dim3A_44 : vector<16xi32>
        %and3A = vector.broadcast %scan3A_46 : i32 to vector<16xi32>
        %and3A_134 = arith.andi %shift_right_logical3A, %and3A : vector<16xi32>
        %broadcast_in_dim3A_135 = arith.constant true
        %broadcast_in_dim3A_136 = vector.broadcast %broadcast_in_dim3A_135 : i1 to vector<16xi1>
        %unique3A, %unique3A_137 = tpu.scan_count mask(%broadcast_in_dim3A_136 : vector<16xi1>) value(%and3A_134 : vector<16xi32>) : vector<16xi1>, vector<16xi32>
        %gather3A = tpu.vector_load_idx %arg7[%and3A_134] : memref<256xi32, #tpu.memory_space<vmem>>[vector<16xi32>], vector<16xi32>,
        %add3A = arith.addi %gather3A, %unique3A_137 : vector<16xi32>
        tpu.vector_store_idx %arg7[%and3A_134], %add3A masked %unique3A : memref<256xi32, #tpu.memory_space<vmem>>[vector<16xi32>], vector<16xi32>, vector<16xi1>
      }
      %scan3A_51 = arith.constant 800 : i32
      "tpu.region"() ({
        %run_scoped3A = tpu.sem_alloc : memref<!tpu.dma_semaphore, #tpu.memory_space<semaphore_mem>>
        %dma_start3A = arith.constant 0 : i32
        %dma_start3A_130 = tpu.memref_slice %arg13[%arg1, %dma_start3A] : memref<16x256xi32, #tpu.memory_space<vmem_shared>> -> memref<1x256xi32, #tpu.memory_space<vmem_shared>>
        %dma_start3A_131 = tpu.memref_squeeze %dma_start3A_130 : memref<1x256xi32, #tpu.memory_space<vmem_shared>> -> memref<256xi32, #tpu.memory_space<vmem_shared>>
        %dma_start3A_132 = arith.constant 0 : i32
        %dma_start3A_133 = tpu.memref_slice %arg13[%arg1, %dma_start3A_132] : memref<16x256xi32, #tpu.memory_space<vmem_shared>> -> memref<1x256xi32, #tpu.memory_space<vmem_shared>>
        %dma_start3A_134 = tpu.memref_squeeze %dma_start3A_133 : memref<1x256xi32, #tpu.memory_space<vmem_shared>> -> memref<256xi32, #tpu.memory_space<vmem_shared>>
        tpu.enqueue_dma source(%arg7 : memref<256xi32, #tpu.memory_space<vmem>>) target(%dma_start3A_134 : memref<256xi32, #tpu.memory_space<vmem_shared>>) target_semaphore(%run_scoped3A : memref<!tpu.dma_semaphore, #tpu.memory_space<semaphore_mem>>)
        %dma_wait3A = arith.constant 0 : i32
        %dma_wait3A_135 = tpu.memref_slice %arg13[%arg1, %dma_wait3A] : memref<16x256xi32, #tpu.memory_space<vmem_shared>> -> memref<1x256xi32, #tpu.memory_space<vmem_shared>>
        %dma_wait3A_136 = tpu.memref_squeeze %dma_wait3A_135 : memref<1x256xi32, #tpu.memory_space<vmem_shared>> -> memref<256xi32, #tpu.memory_space<vmem_shared>>
        %dma_wait3A_137 = arith.constant 0 : i32
        %dma_wait3A_138 = tpu.memref_slice %arg13[%arg1, %dma_wait3A_137] : memref<16x256xi32, #tpu.memory_space<vmem_shared>> -> memref<1x256xi32, #tpu.memory_space<vmem_shared>>
        %dma_wait3A_139 = tpu.memref_squeeze %dma_wait3A_138 : memref<1x256xi32, #tpu.memory_space<vmem_shared>> -> memref<256xi32, #tpu.memory_space<vmem_shared>>
        tpu.wait_dma2 semaphore(%run_scoped3A : memref<!tpu.dma_semaphore, #tpu.memory_space<semaphore_mem>>) src(%arg7 : memref<256xi32, #tpu.memory_space<vmem>>) dst(%dma_wait3A_139 : memref<256xi32, #tpu.memory_space<vmem_shared>>)
        tpu.yield
      }) : () -> ()
      %barrier3A_52 = arith.constant 0 : index
      tpu.barrier barrier_id(%barrier3A_52)
      "tpu.region"() ({
        %run_scoped3A = tpu.sem_alloc : memref<!tpu.dma_semaphore, #tpu.memory_space<semaphore_mem>>
        tpu.enqueue_dma source(%arg13 : memref<16x256xi32, #tpu.memory_space<vmem_shared>>) target(%arg8 : memref<16x256xi32, #tpu.memory_space<vmem>>) target_semaphore(%run_scoped3A : memref<!tpu.dma_semaphore, #tpu.memory_space<semaphore_mem>>)
        tpu.wait_dma2 semaphore(%run_scoped3A : memref<!tpu.dma_semaphore, #tpu.memory_space<semaphore_mem>>) src(%arg13 : memref<16x256xi32, #tpu.memory_space<vmem_shared>>) dst(%arg8 : memref<16x256xi32, #tpu.memory_space<vmem>>)
        tpu.yield
      }) : () -> ()
      %scan3A_53 = arith.constant 0 : i32
      %scan3A_54 = arith.constant 0 : i32
      %scan3A_55 = arith.constant 16 : i32
      %scan3A_56 = arith.addi %scan3A_54, %scan3A_55 : i32
      %scan3A_57 = arith.constant 1 : i32
      %scan3A_58 = scf.for %scan3A_130 = %scan3A_54 to %scan3A_56 step %scan3A_57 iter_args(%scan3A_131 = %scan3A_53) -> (i32)  : i32 {
        %mul3A_132 = arith.constant 16 : i32
        %mul3A_133 = arith.muli %scan3A_130, %mul3A_132 : i32
        %broadcast_in_dim3A_134 = arith.constant 0 : i32
        %broadcast_in_dim3A_135 = vector.broadcast %broadcast_in_dim3A_134 : i32 to vector<16xi32>
        %broadcast_in_dim3A_136 = arith.constant 0 : i32
        %broadcast_in_dim3A_137 = vector.broadcast %broadcast_in_dim3A_136 : i32 to vector<16xi32>
        %scan3A_138 = arith.constant 0 : i32
        %scan3A_139 = arith.constant 16 : i32
        %scan3A_140 = arith.addi %scan3A_138, %scan3A_139 : i32
        %scan3A_141 = arith.constant 1 : i32
        %scan3A_142:2 = scf.for %scan3A_153 = %scan3A_138 to %scan3A_140 step %scan3A_141 iter_args(%scan3A_154 = %broadcast_in_dim3A_135, %scan3A_155 = %broadcast_in_dim3A_137) -> (vector<16xi32>, vector<16xi32>)  : i32 {
          %get3A = arith.index_cast %scan3A_153 : i32 to index
          %get3A_156 = arith.index_cast %mul3A_133 : i32 to index
          %get3A_157 = tpu.vector_load %arg8[%get3A, %get3A_156] {strides = array<i32>} : memref<16x256xi32, #tpu.memory_space<vmem>>, vector<16xi32>,
          %lt3A = arith.cmpi slt, %scan3A_153, %arg1 : i32
          %jit3A = arith.constant 1 : i32
          %jit3A_158 = arith.constant 0 : i32
          %select_n3A = arith.select %lt3A, %jit3A, %jit3A_158 : i32
          %add3A_159 = arith.addi %scan3A_154, %get3A_157 : vector<16xi32>
          %mul3A_160 = vector.broadcast %select_n3A : i32 to vector<16xi32>
          %mul3A_161 = arith.muli %get3A_157, %mul3A_160 : vector<16xi32>
          %add3A_162 = arith.addi %scan3A_155, %mul3A_161 : vector<16xi32>
          scf.yield %add3A_159, %add3A_162 : vector<16xi32>, vector<16xi32>
        }
        %scan3A_143 = arith.constant 16 : i32
        %broadcast_in_dim3A_144 = arith.constant true
        %broadcast_in_dim3A_145 = vector.broadcast %broadcast_in_dim3A_144 : i1 to vector<16xi1>
        %masked_cumsum3A = tpu.scan <sum>, %scan3A_142#0 masked %broadcast_in_dim3A_145 : vector<16xi32>, vector<16xi1> -> vector<16xi32>
        %sub3A = arith.subi %masked_cumsum3A, %scan3A_142#0 : vector<16xi32>
        %add3A = vector.broadcast %scan3A_131 : i32 to vector<16xi32>
        %add3A_146 = arith.addi %add3A, %sub3A : vector<16xi32>
        %add3A_147 = arith.addi %add3A_146, %scan3A_142#1 : vector<16xi32>
        %swap3A = arith.index_cast %mul3A_133 : i32 to index
        %swap3A_148 = tpu.vector_load %arg7[%swap3A] {strides = array<i32>} : memref<256xi32, #tpu.memory_space<vmem>>, vector<16xi32>,
        tpu.vector_store %arg7[%swap3A], %add3A_147 {strides = array<i32>} : memref<256xi32, #tpu.memory_space<vmem>>, vector<16xi32>,
        %reduce_sum3A = arith.constant true
        %reduce_sum3A_149 = vector.broadcast %reduce_sum3A : i1 to vector<16xi1>
        %reduce_sum3A_150 = tpu.scan <sum>, %scan3A_142#0 masked %reduce_sum3A_149 : vector<16xi32>, vector<16xi1> -> vector<16xi32>
        %reduce_sum3A_151 = vector.extract %reduce_sum3A_150[15] : i32 from vector<16xi32>
        %add3A_152 = arith.addi %scan3A_131, %reduce_sum3A_151 : i32
        scf.yield %add3A_152 : i32
      }
      %scan3A_59 = arith.constant 16 : i32
      %scan3A_60 = arith.constant 0 : i32
      %scan3A_61 = arith.constant 255 : i32
      %scan3A_62 = arith.constant 0 : i32
      %scan3A_63 = arith.constant 800 : i32
      %scan3A_64 = arith.addi %scan3A_62, %scan3A_63 : i32
      %scan3A_65 = arith.constant 1 : i32
      scf.for %scan3A_130 = %scan3A_62 to %scan3A_64 step %scan3A_65  : i32 {
        %mul3A_131 = arith.constant 16 : i32
        %mul3A_132 = arith.muli %scan3A_130, %mul3A_131 : i32
        %get3A = arith.index_cast %mul3A_132 : i32 to index
        %get3A_133 = tpu.vector_load %arg4[%get3A] {strides = array<i32>} : memref<12800xi32, #tpu.memory_space<vmem>>, vector<16xi32>,
        %shift_right_logical3A = arith.shrui %get3A_133, %broadcast_in_dim3A_44 : vector<16xi32>
        %and3A = vector.broadcast %scan3A_61 : i32 to vector<16xi32>
        %and3A_134 = arith.andi %shift_right_logical3A, %and3A : vector<16xi32>
        %broadcast_in_dim3A_135 = arith.constant true
        %broadcast_in_dim3A_136 = vector.broadcast %broadcast_in_dim3A_135 : i1 to vector<16xi1>
        %unique3A, %unique3A_137 = tpu.scan_count mask(%broadcast_in_dim3A_136 : vector<16xi1>) value(%and3A_134 : vector<16xi32>) : vector<16xi1>, vector<16xi32>
        %gather3A = tpu.vector_load_idx %arg7[%and3A_134] : memref<256xi32, #tpu.memory_space<vmem>>[vector<16xi32>], vector<16xi32>,
        %add3A = arith.addi %gather3A, %unique3A_137 : vector<16xi32>
        %sub3A = arith.constant 1 : i32
        %sub3A_138 = vector.broadcast %sub3A : i32 to vector<16xi32>
        %sub3A_139 = arith.subi %add3A, %sub3A_138 : vector<16xi32>
        %swap3A = arith.index_cast %mul3A_132 : i32 to index
        %swap3A_140 = tpu.vector_load %arg6[%swap3A] {strides = array<i32>} : memref<12800xi32, #tpu.memory_space<vmem>>, vector<16xi32>,
        tpu.vector_store %arg6[%swap3A], %sub3A_139 {strides = array<i32>} : memref<12800xi32, #tpu.memory_space<vmem>>, vector<16xi32>,
        %add3A_141 = arith.addi %gather3A, %unique3A_137 : vector<16xi32>
        tpu.vector_store_idx %arg7[%and3A_134], %add3A_141 masked %unique3A : memref<256xi32, #tpu.memory_space<vmem>>[vector<16xi32>], vector<16xi32>, vector<16xi1>
      }
      %scan3A_66 = arith.constant 800 : i32
      "tpu.region"() ({
        %run_scoped3A = tpu.sem_alloc : memref<!tpu.dma_semaphore, #tpu.memory_space<semaphore_mem>>
        %dma_start3A = arith.constant 0 : i32
        %dma_start3A_130 = tpu.memref_slice %arg9[%dma_start3A] : memref<204800xi32, #tpu.memory_space<vmem_shared>> -> memref<204800xi32, #tpu.memory_space<vmem_shared>>
        tpu.enqueue_indirect_dma source(%arg4 : memref<12800xi32, #tpu.memory_space<vmem>>) target(%dma_start3A_130 : memref<204800xi32, #tpu.memory_space<vmem_shared>>) offsets(%arg6 : memref<12800xi32, #tpu.memory_space<vmem>>) semaphore(%run_scoped3A : memref<!tpu.dma_semaphore, #tpu.memory_space<semaphore_mem>>)
        %dma_wait3A = arith.constant 0 : i32
        %dma_wait3A_131 = tpu.memref_slice %arg9[%dma_wait3A] : memref<204800xi32, #tpu.memory_space<vmem_shared>> -> memref<204800xi32, #tpu.memory_space<vmem_shared>>
        tpu.wait_indirect_dma semaphore(%run_scoped3A : memref<!tpu.dma_semaphore, #tpu.memory_space<semaphore_mem>>) src(%arg4 : memref<12800xi32, #tpu.memory_space<vmem>>) dst(%dma_wait3A_131 : memref<204800xi32, #tpu.memory_space<vmem_shared>>)
        tpu.yield
      }) : () -> ()
      "tpu.region"() ({
        %run_scoped3A = tpu.sem_alloc : memref<!tpu.dma_semaphore, #tpu.memory_space<semaphore_mem>>
        %dma_start3A = arith.constant 0 : i32
        %dma_start3A_130 = tpu.memref_slice %arg10[%dma_start3A] : memref<204800xi32, #tpu.memory_space<vmem_shared>> -> memref<204800xi32, #tpu.memory_space<vmem_shared>>
        tpu.enqueue_indirect_dma source(%arg5 : memref<12800xi32, #tpu.memory_space<vmem>>) target(%dma_start3A_130 : memref<204800xi32, #tpu.memory_space<vmem_shared>>) offsets(%arg6 : memref<12800xi32, #tpu.memory_space<vmem>>) semaphore(%run_scoped3A : memref<!tpu.dma_semaphore, #tpu.memory_space<semaphore_mem>>)
        %dma_wait3A = arith.constant 0 : i32
        %dma_wait3A_131 = tpu.memref_slice %arg10[%dma_wait3A] : memref<204800xi32, #tpu.memory_space<vmem_shared>> -> memref<204800xi32, #tpu.memory_space<vmem_shared>>
        tpu.wait_indirect_dma semaphore(%run_scoped3A : memref<!tpu.dma_semaphore, #tpu.memory_space<semaphore_mem>>) src(%arg5 : memref<12800xi32, #tpu.memory_space<vmem>>) dst(%dma_wait3A_131 : memref<204800xi32, #tpu.memory_space<vmem_shared>>)
        tpu.yield
      }) : () -> ()
      %barrier3A_67 = arith.constant 0 : index
      tpu.barrier barrier_id(%barrier3A_67)
      "tpu.region"() ({
        %run_scoped3A = tpu.sem_alloc : memref<!tpu.dma_semaphore, #tpu.memory_space<semaphore_mem>>
        %dma_start3A = tpu.memref_slice %arg9[%mul3A_2] : memref<204800xi32, #tpu.memory_space<vmem_shared>> -> memref<12800xi32, #tpu.memory_space<vmem_shared>>
        %dma_start3A_130 = tpu.memref_slice %arg9[%mul3A_2] : memref<204800xi32, #tpu.memory_space<vmem_shared>> -> memref<12800xi32, #tpu.memory_space<vmem_shared>>
        tpu.enqueue_dma source(%dma_start3A_130 : memref<12800xi32, #tpu.memory_space<vmem_shared>>) target(%arg4 : memref<12800xi32, #tpu.memory_space<vmem>>) target_semaphore(%run_scoped3A : memref<!tpu.dma_semaphore, #tpu.memory_space<semaphore_mem>>)
        %dma_wait3A = tpu.memref_slice %arg9[%mul3A_2] : memref<204800xi32, #tpu.memory_space<vmem_shared>> -> memref<12800xi32, #tpu.memory_space<vmem_shared>>
        %dma_wait3A_131 = tpu.memref_slice %arg9[%mul3A_2] : memref<204800xi32, #tpu.memory_space<vmem_shared>> -> memref<12800xi32, #tpu.memory_space<vmem_shared>>
        tpu.wait_dma2 semaphore(%run_scoped3A : memref<!tpu.dma_semaphore, #tpu.memory_space<semaphore_mem>>) src(%dma_wait3A_131 : memref<12800xi32, #tpu.memory_space<vmem_shared>>) dst(%arg4 : memref<12800xi32, #tpu.memory_space<vmem>>)
        tpu.yield
      }) : () -> ()
      "tpu.region"() ({
        %run_scoped3A = tpu.sem_alloc : memref<!tpu.dma_semaphore, #tpu.memory_space<semaphore_mem>>
        %dma_start3A = tpu.memref_slice %arg10[%mul3A_2] : memref<204800xi32, #tpu.memory_space<vmem_shared>> -> memref<12800xi32, #tpu.memory_space<vmem_shared>>
        %dma_start3A_130 = tpu.memref_slice %arg10[%mul3A_2] : memref<204800xi32, #tpu.memory_space<vmem_shared>> -> memref<12800xi32, #tpu.memory_space<vmem_shared>>
        tpu.enqueue_dma source(%dma_start3A_130 : memref<12800xi32, #tpu.memory_space<vmem_shared>>) target(%arg5 : memref<12800xi32, #tpu.memory_space<vmem>>) target_semaphore(%run_scoped3A : memref<!tpu.dma_semaphore, #tpu.memory_space<semaphore_mem>>)
        %dma_wait3A = tpu.memref_slice %arg10[%mul3A_2] : memref<204800xi32, #tpu.memory_space<vmem_shared>> -> memref<12800xi32, #tpu.memory_space<vmem_shared>>
        %dma_wait3A_131 = tpu.memref_slice %arg10[%mul3A_2] : memref<204800xi32, #tpu.memory_space<vmem_shared>> -> memref<12800xi32, #tpu.memory_space<vmem_shared>>
        tpu.wait_dma2 semaphore(%run_scoped3A : memref<!tpu.dma_semaphore, #tpu.memory_space<semaphore_mem>>) src(%dma_wait3A_131 : memref<12800xi32, #tpu.memory_space<vmem_shared>>) dst(%arg5 : memref<12800xi32, #tpu.memory_space<vmem>>)
        tpu.yield
      }) : () -> ()
      %scan3A_68 = arith.constant 0 : i32
      %scan3A_69 = arith.constant 0 : i32
      %scan3A_70 = arith.constant 16 : i32
      %scan3A_71 = arith.addi %scan3A_69, %scan3A_70 : i32
      %scan3A_72 = arith.constant 1 : i32
      scf.for %scan3A_130 = %scan3A_69 to %scan3A_71 step %scan3A_72  : i32 {
        %broadcast_in_dim3A_131 = arith.constant 0 : i32
        %broadcast_in_dim3A_132 = vector.broadcast %broadcast_in_dim3A_131 : i32 to vector<16xi32>
        %mul3A_133 = arith.constant 16 : i32
        %mul3A_134 = arith.muli %scan3A_130, %mul3A_133 : i32
        %swap3A = arith.index_cast %mul3A_134 : i32 to index
        %swap3A_135 = tpu.vector_load %arg7[%swap3A] {strides = array<i32>} : memref<256xi32, #tpu.memory_space<vmem>>, vector<16xi32>,
        tpu.vector_store %arg7[%swap3A], %broadcast_in_dim3A_132 {strides = array<i32>} : memref<256xi32, #tpu.memory_space<vmem>>, vector<16xi32>,
      }
      %scan3A_73 = arith.constant 16 : i32
      %broadcast_in_dim3A_74 = arith.constant 16 : i32
      %broadcast_in_dim3A_75 = vector.broadcast %broadcast_in_dim3A_74 : i32 to vector<16xi32>
      %scan3A_76 = arith.constant 0 : i32
      %scan3A_77 = arith.constant 255 : i32
      %scan3A_78 = arith.constant 0 : i32
      %scan3A_79 = arith.constant 800 : i32
      %scan3A_80 = arith.addi %scan3A_78, %scan3A_79 : i32
      %scan3A_81 = arith.constant 1 : i32
      scf.for %scan3A_130 = %scan3A_78 to %scan3A_80 step %scan3A_81  : i32 {
        %mul3A_131 = arith.constant 16 : i32
        %mul3A_132 = arith.muli %scan3A_130, %mul3A_131 : i32
        %get3A = arith.index_cast %mul3A_132 : i32 to index
        %get3A_133 = tpu.vector_load %arg4[%get3A] {strides = array<i32>} : memref<12800xi32, #tpu.memory_space<vmem>>, vector<16xi32>,
        %shift_right_logical3A = arith.shrui %get3A_133, %broadcast_in_dim3A_75 : vector<16xi32>
        %and3A = vector.broadcast %scan3A_77 : i32 to vector<16xi32>
        %and3A_134 = arith.andi %shift_right_logical3A, %and3A : vector<16xi32>
        %broadcast_in_dim3A_135 = arith.constant true
        %broadcast_in_dim3A_136 = vector.broadcast %broadcast_in_dim3A_135 : i1 to vector<16xi1>
        %unique3A, %unique3A_137 = tpu.scan_count mask(%broadcast_in_dim3A_136 : vector<16xi1>) value(%and3A_134 : vector<16xi32>) : vector<16xi1>, vector<16xi32>
        %gather3A = tpu.vector_load_idx %arg7[%and3A_134] : memref<256xi32, #tpu.memory_space<vmem>>[vector<16xi32>], vector<16xi32>,
        %add3A = arith.addi %gather3A, %unique3A_137 : vector<16xi32>
        tpu.vector_store_idx %arg7[%and3A_134], %add3A masked %unique3A : memref<256xi32, #tpu.memory_space<vmem>>[vector<16xi32>], vector<16xi32>, vector<16xi1>
      }
      %scan3A_82 = arith.constant 800 : i32
      "tpu.region"() ({
        %run_scoped3A = tpu.sem_alloc : memref<!tpu.dma_semaphore, #tpu.memory_space<semaphore_mem>>
        %dma_start3A = arith.constant 0 : i32
        %dma_start3A_130 = tpu.memref_slice %arg13[%arg1, %dma_start3A] : memref<16x256xi32, #tpu.memory_space<vmem_shared>> -> memref<1x256xi32, #tpu.memory_space<vmem_shared>>
        %dma_start3A_131 = tpu.memref_squeeze %dma_start3A_130 : memref<1x256xi32, #tpu.memory_space<vmem_shared>> -> memref<256xi32, #tpu.memory_space<vmem_shared>>
        %dma_start3A_132 = arith.constant 0 : i32
        %dma_start3A_133 = tpu.memref_slice %arg13[%arg1, %dma_start3A_132] : memref<16x256xi32, #tpu.memory_space<vmem_shared>> -> memref<1x256xi32, #tpu.memory_space<vmem_shared>>
        %dma_start3A_134 = tpu.memref_squeeze %dma_start3A_133 : memref<1x256xi32, #tpu.memory_space<vmem_shared>> -> memref<256xi32, #tpu.memory_space<vmem_shared>>
        tpu.enqueue_dma source(%arg7 : memref<256xi32, #tpu.memory_space<vmem>>) target(%dma_start3A_134 : memref<256xi32, #tpu.memory_space<vmem_shared>>) target_semaphore(%run_scoped3A : memref<!tpu.dma_semaphore, #tpu.memory_space<semaphore_mem>>)
        %dma_wait3A = arith.constant 0 : i32
        %dma_wait3A_135 = tpu.memref_slice %arg13[%arg1, %dma_wait3A] : memref<16x256xi32, #tpu.memory_space<vmem_shared>> -> memref<1x256xi32, #tpu.memory_space<vmem_shared>>
        %dma_wait3A_136 = tpu.memref_squeeze %dma_wait3A_135 : memref<1x256xi32, #tpu.memory_space<vmem_shared>> -> memref<256xi32, #tpu.memory_space<vmem_shared>>
        %dma_wait3A_137 = arith.constant 0 : i32
        %dma_wait3A_138 = tpu.memref_slice %arg13[%arg1, %dma_wait3A_137] : memref<16x256xi32, #tpu.memory_space<vmem_shared>> -> memref<1x256xi32, #tpu.memory_space<vmem_shared>>
        %dma_wait3A_139 = tpu.memref_squeeze %dma_wait3A_138 : memref<1x256xi32, #tpu.memory_space<vmem_shared>> -> memref<256xi32, #tpu.memory_space<vmem_shared>>
        tpu.wait_dma2 semaphore(%run_scoped3A : memref<!tpu.dma_semaphore, #tpu.memory_space<semaphore_mem>>) src(%arg7 : memref<256xi32, #tpu.memory_space<vmem>>) dst(%dma_wait3A_139 : memref<256xi32, #tpu.memory_space<vmem_shared>>)
        tpu.yield
      }) : () -> ()
      %barrier3A_83 = arith.constant 0 : index
      tpu.barrier barrier_id(%barrier3A_83)
      "tpu.region"() ({
        %run_scoped3A = tpu.sem_alloc : memref<!tpu.dma_semaphore, #tpu.memory_space<semaphore_mem>>
        tpu.enqueue_dma source(%arg13 : memref<16x256xi32, #tpu.memory_space<vmem_shared>>) target(%arg8 : memref<16x256xi32, #tpu.memory_space<vmem>>) target_semaphore(%run_scoped3A : memref<!tpu.dma_semaphore, #tpu.memory_space<semaphore_mem>>)
        tpu.wait_dma2 semaphore(%run_scoped3A : memref<!tpu.dma_semaphore, #tpu.memory_space<semaphore_mem>>) src(%arg13 : memref<16x256xi32, #tpu.memory_space<vmem_shared>>) dst(%arg8 : memref<16x256xi32, #tpu.memory_space<vmem>>)
        tpu.yield
      }) : () -> ()
      %scan3A_84 = arith.constant 0 : i32
      %scan3A_85 = arith.constant 0 : i32
      %scan3A_86 = arith.constant 16 : i32
      %scan3A_87 = arith.addi %scan3A_85, %scan3A_86 : i32
      %scan3A_88 = arith.constant 1 : i32
      %scan3A_89 = scf.for %scan3A_130 = %scan3A_85 to %scan3A_87 step %scan3A_88 iter_args(%scan3A_131 = %scan3A_84) -> (i32)  : i32 {
        %mul3A_132 = arith.constant 16 : i32
        %mul3A_133 = arith.muli %scan3A_130, %mul3A_132 : i32
        %broadcast_in_dim3A_134 = arith.constant 0 : i32
        %broadcast_in_dim3A_135 = vector.broadcast %broadcast_in_dim3A_134 : i32 to vector<16xi32>
        %broadcast_in_dim3A_136 = arith.constant 0 : i32
        %broadcast_in_dim3A_137 = vector.broadcast %broadcast_in_dim3A_136 : i32 to vector<16xi32>
        %scan3A_138 = arith.constant 0 : i32
        %scan3A_139 = arith.constant 16 : i32
        %scan3A_140 = arith.addi %scan3A_138, %scan3A_139 : i32
        %scan3A_141 = arith.constant 1 : i32
        %scan3A_142:2 = scf.for %scan3A_153 = %scan3A_138 to %scan3A_140 step %scan3A_141 iter_args(%scan3A_154 = %broadcast_in_dim3A_135, %scan3A_155 = %broadcast_in_dim3A_137) -> (vector<16xi32>, vector<16xi32>)  : i32 {
          %get3A = arith.index_cast %scan3A_153 : i32 to index
          %get3A_156 = arith.index_cast %mul3A_133 : i32 to index
          %get3A_157 = tpu.vector_load %arg8[%get3A, %get3A_156] {strides = array<i32>} : memref<16x256xi32, #tpu.memory_space<vmem>>, vector<16xi32>,
          %lt3A = arith.cmpi slt, %scan3A_153, %arg1 : i32
          %jit3A = arith.constant 1 : i32
          %jit3A_158 = arith.constant 0 : i32
          %select_n3A = arith.select %lt3A, %jit3A, %jit3A_158 : i32
          %add3A_159 = arith.addi %scan3A_154, %get3A_157 : vector<16xi32>
          %mul3A_160 = vector.broadcast %select_n3A : i32 to vector<16xi32>
          %mul3A_161 = arith.muli %get3A_157, %mul3A_160 : vector<16xi32>
          %add3A_162 = arith.addi %scan3A_155, %mul3A_161 : vector<16xi32>
          scf.yield %add3A_159, %add3A_162 : vector<16xi32>, vector<16xi32>
        }
        %scan3A_143 = arith.constant 16 : i32
        %broadcast_in_dim3A_144 = arith.constant true
        %broadcast_in_dim3A_145 = vector.broadcast %broadcast_in_dim3A_144 : i1 to vector<16xi1>
        %masked_cumsum3A = tpu.scan <sum>, %scan3A_142#0 masked %broadcast_in_dim3A_145 : vector<16xi32>, vector<16xi1> -> vector<16xi32>
        %sub3A = arith.subi %masked_cumsum3A, %scan3A_142#0 : vector<16xi32>
        %add3A = vector.broadcast %scan3A_131 : i32 to vector<16xi32>
        %add3A_146 = arith.addi %add3A, %sub3A : vector<16xi32>
        %add3A_147 = arith.addi %add3A_146, %scan3A_142#1 : vector<16xi32>
        %swap3A = arith.index_cast %mul3A_133 : i32 to index
        %swap3A_148 = tpu.vector_load %arg7[%swap3A] {strides = array<i32>} : memref<256xi32, #tpu.memory_space<vmem>>, vector<16xi32>,
        tpu.vector_store %arg7[%swap3A], %add3A_147 {strides = array<i32>} : memref<256xi32, #tpu.memory_space<vmem>>, vector<16xi32>,
        %reduce_sum3A = arith.constant true
        %reduce_sum3A_149 = vector.broadcast %reduce_sum3A : i1 to vector<16xi1>
        %reduce_sum3A_150 = tpu.scan <sum>, %scan3A_142#0 masked %reduce_sum3A_149 : vector<16xi32>, vector<16xi1> -> vector<16xi32>
        %reduce_sum3A_151 = vector.extract %reduce_sum3A_150[15] : i32 from vector<16xi32>
        %add3A_152 = arith.addi %scan3A_131, %reduce_sum3A_151 : i32
        scf.yield %add3A_152 : i32
      }
      %scan3A_90 = arith.constant 16 : i32
      %scan3A_91 = arith.constant 0 : i32
      %scan3A_92 = arith.constant 255 : i32
      %scan3A_93 = arith.constant 0 : i32
      %scan3A_94 = arith.constant 800 : i32
      %scan3A_95 = arith.addi %scan3A_93, %scan3A_94 : i32
      %scan3A_96 = arith.constant 1 : i32
      scf.for %scan3A_130 = %scan3A_93 to %scan3A_95 step %scan3A_96  : i32 {
        %mul3A_131 = arith.constant 16 : i32
        %mul3A_132 = arith.muli %scan3A_130, %mul3A_131 : i32
        %get3A = arith.index_cast %mul3A_132 : i32 to index
        %get3A_133 = tpu.vector_load %arg4[%get3A] {strides = array<i32>} : memref<12800xi32, #tpu.memory_space<vmem>>, vector<16xi32>,
        %shift_right_logical3A = arith.shrui %get3A_133, %broadcast_in_dim3A_75 : vector<16xi32>
        %and3A = vector.broadcast %scan3A_92 : i32 to vector<16xi32>
        %and3A_134 = arith.andi %shift_right_logical3A, %and3A : vector<16xi32>
        %broadcast_in_dim3A_135 = arith.constant true
        %broadcast_in_dim3A_136 = vector.broadcast %broadcast_in_dim3A_135 : i1 to vector<16xi1>
        %unique3A, %unique3A_137 = tpu.scan_count mask(%broadcast_in_dim3A_136 : vector<16xi1>) value(%and3A_134 : vector<16xi32>) : vector<16xi1>, vector<16xi32>
        %gather3A = tpu.vector_load_idx %arg7[%and3A_134] : memref<256xi32, #tpu.memory_space<vmem>>[vector<16xi32>], vector<16xi32>,
        %add3A = arith.addi %gather3A, %unique3A_137 : vector<16xi32>
        %sub3A = arith.constant 1 : i32
        %sub3A_138 = vector.broadcast %sub3A : i32 to vector<16xi32>
        %sub3A_139 = arith.subi %add3A, %sub3A_138 : vector<16xi32>
        %swap3A = arith.index_cast %mul3A_132 : i32 to index
        %swap3A_140 = tpu.vector_load %arg6[%swap3A] {strides = array<i32>} : memref<12800xi32, #tpu.memory_space<vmem>>, vector<16xi32>,
        tpu.vector_store %arg6[%swap3A], %sub3A_139 {strides = array<i32>} : memref<12800xi32, #tpu.memory_space<vmem>>, vector<16xi32>,
        %add3A_141 = arith.addi %gather3A, %unique3A_137 : vector<16xi32>
        tpu.vector_store_idx %arg7[%and3A_134], %add3A_141 masked %unique3A : memref<256xi32, #tpu.memory_space<vmem>>[vector<16xi32>], vector<16xi32>, vector<16xi1>
      }
      %scan3A_97 = arith.constant 800 : i32
      "tpu.region"() ({
        %run_scoped3A = tpu.sem_alloc : memref<!tpu.dma_semaphore, #tpu.memory_space<semaphore_mem>>
        %dma_start3A = arith.constant 0 : i32
        %dma_start3A_130 = tpu.memref_slice %arg11[%dma_start3A] : memref<204800xi32, #tpu.memory_space<vmem_shared>> -> memref<204800xi32, #tpu.memory_space<vmem_shared>>
        tpu.enqueue_indirect_dma source(%arg4 : memref<12800xi32, #tpu.memory_space<vmem>>) target(%dma_start3A_130 : memref<204800xi32, #tpu.memory_space<vmem_shared>>) offsets(%arg6 : memref<12800xi32, #tpu.memory_space<vmem>>) semaphore(%run_scoped3A : memref<!tpu.dma_semaphore, #tpu.memory_space<semaphore_mem>>)
        %dma_wait3A = arith.constant 0 : i32
        %dma_wait3A_131 = tpu.memref_slice %arg11[%dma_wait3A] : memref<204800xi32, #tpu.memory_space<vmem_shared>> -> memref<204800xi32, #tpu.memory_space<vmem_shared>>
        tpu.wait_indirect_dma semaphore(%run_scoped3A : memref<!tpu.dma_semaphore, #tpu.memory_space<semaphore_mem>>) src(%arg4 : memref<12800xi32, #tpu.memory_space<vmem>>) dst(%dma_wait3A_131 : memref<204800xi32, #tpu.memory_space<vmem_shared>>)
        tpu.yield
      }) : () -> ()
      "tpu.region"() ({
        %run_scoped3A = tpu.sem_alloc : memref<!tpu.dma_semaphore, #tpu.memory_space<semaphore_mem>>
        %dma_start3A = arith.constant 0 : i32
        %dma_start3A_130 = tpu.memref_slice %arg12[%dma_start3A] : memref<204800xi32, #tpu.memory_space<vmem_shared>> -> memref<204800xi32, #tpu.memory_space<vmem_shared>>
        tpu.enqueue_indirect_dma source(%arg5 : memref<12800xi32, #tpu.memory_space<vmem>>) target(%dma_start3A_130 : memref<204800xi32, #tpu.memory_space<vmem_shared>>) offsets(%arg6 : memref<12800xi32, #tpu.memory_space<vmem>>) semaphore(%run_scoped3A : memref<!tpu.dma_semaphore, #tpu.memory_space<semaphore_mem>>)
        %dma_wait3A = arith.constant 0 : i32
        %dma_wait3A_131 = tpu.memref_slice %arg12[%dma_wait3A] : memref<204800xi32, #tpu.memory_space<vmem_shared>> -> memref<204800xi32, #tpu.memory_space<vmem_shared>>
        tpu.wait_indirect_dma semaphore(%run_scoped3A : memref<!tpu.dma_semaphore, #tpu.memory_space<semaphore_mem>>) src(%arg5 : memref<12800xi32, #tpu.memory_space<vmem>>) dst(%dma_wait3A_131 : memref<204800xi32, #tpu.memory_space<vmem_shared>>)
        tpu.yield
      }) : () -> ()
      %barrier3A_98 = arith.constant 0 : index
      tpu.barrier barrier_id(%barrier3A_98)
      "tpu.region"() ({
        %run_scoped3A = tpu.sem_alloc : memref<!tpu.dma_semaphore, #tpu.memory_space<semaphore_mem>>
        %dma_start3A = tpu.memref_slice %arg11[%mul3A_2] : memref<204800xi32, #tpu.memory_space<vmem_shared>> -> memref<12800xi32, #tpu.memory_space<vmem_shared>>
        %dma_start3A_130 = tpu.memref_slice %arg11[%mul3A_2] : memref<204800xi32, #tpu.memory_space<vmem_shared>> -> memref<12800xi32, #tpu.memory_space<vmem_shared>>
        tpu.enqueue_dma source(%dma_start3A_130 : memref<12800xi32, #tpu.memory_space<vmem_shared>>) target(%arg4 : memref<12800xi32, #tpu.memory_space<vmem>>) target_semaphore(%run_scoped3A : memref<!tpu.dma_semaphore, #tpu.memory_space<semaphore_mem>>)
        %dma_wait3A = tpu.memref_slice %arg11[%mul3A_2] : memref<204800xi32, #tpu.memory_space<vmem_shared>> -> memref<12800xi32, #tpu.memory_space<vmem_shared>>
        %dma_wait3A_131 = tpu.memref_slice %arg11[%mul3A_2] : memref<204800xi32, #tpu.memory_space<vmem_shared>> -> memref<12800xi32, #tpu.memory_space<vmem_shared>>
        tpu.wait_dma2 semaphore(%run_scoped3A : memref<!tpu.dma_semaphore, #tpu.memory_space<semaphore_mem>>) src(%dma_wait3A_131 : memref<12800xi32, #tpu.memory_space<vmem_shared>>) dst(%arg4 : memref<12800xi32, #tpu.memory_space<vmem>>)
        tpu.yield
      }) : () -> ()
      "tpu.region"() ({
        %run_scoped3A = tpu.sem_alloc : memref<!tpu.dma_semaphore, #tpu.memory_space<semaphore_mem>>
        %dma_start3A = tpu.memref_slice %arg12[%mul3A_2] : memref<204800xi32, #tpu.memory_space<vmem_shared>> -> memref<12800xi32, #tpu.memory_space<vmem_shared>>
        %dma_start3A_130 = tpu.memref_slice %arg12[%mul3A_2] : memref<204800xi32, #tpu.memory_space<vmem_shared>> -> memref<12800xi32, #tpu.memory_space<vmem_shared>>
        tpu.enqueue_dma source(%dma_start3A_130 : memref<12800xi32, #tpu.memory_space<vmem_shared>>) target(%arg5 : memref<12800xi32, #tpu.memory_space<vmem>>) target_semaphore(%run_scoped3A : memref<!tpu.dma_semaphore, #tpu.memory_space<semaphore_mem>>)
        %dma_wait3A = tpu.memref_slice %arg12[%mul3A_2] : memref<204800xi32, #tpu.memory_space<vmem_shared>> -> memref<12800xi32, #tpu.memory_space<vmem_shared>>
        %dma_wait3A_131 = tpu.memref_slice %arg12[%mul3A_2] : memref<204800xi32, #tpu.memory_space<vmem_shared>> -> memref<12800xi32, #tpu.memory_space<vmem_shared>>
        tpu.wait_dma2 semaphore(%run_scoped3A : memref<!tpu.dma_semaphore, #tpu.memory_space<semaphore_mem>>) src(%dma_wait3A_131 : memref<12800xi32, #tpu.memory_space<vmem_shared>>) dst(%arg5 : memref<12800xi32, #tpu.memory_space<vmem>>)
        tpu.yield
      }) : () -> ()
      %scan3A_99 = arith.constant 0 : i32
      %scan3A_100 = arith.constant 0 : i32
      %scan3A_101 = arith.constant 16 : i32
      %scan3A_102 = arith.addi %scan3A_100, %scan3A_101 : i32
      %scan3A_103 = arith.constant 1 : i32
      scf.for %scan3A_130 = %scan3A_100 to %scan3A_102 step %scan3A_103  : i32 {
        %broadcast_in_dim3A_131 = arith.constant 0 : i32
        %broadcast_in_dim3A_132 = vector.broadcast %broadcast_in_dim3A_131 : i32 to vector<16xi32>
        %mul3A_133 = arith.constant 16 : i32
        %mul3A_134 = arith.muli %scan3A_130, %mul3A_133 : i32
        %swap3A = arith.index_cast %mul3A_134 : i32 to index
        %swap3A_135 = tpu.vector_load %arg7[%swap3A] {strides = array<i32>} : memref<256xi32, #tpu.memory_space<vmem>>, vector<16xi32>,
        tpu.vector_store %arg7[%swap3A], %broadcast_in_dim3A_132 {strides = array<i32>} : memref<256xi32, #tpu.memory_space<vmem>>, vector<16xi32>,
      }
      %scan3A_104 = arith.constant 16 : i32
      %broadcast_in_dim3A_105 = arith.constant 24 : i32
      %broadcast_in_dim3A_106 = vector.broadcast %broadcast_in_dim3A_105 : i32 to vector<16xi32>
      %scan3A_107 = arith.constant 0 : i32
      %scan3A_108 = arith.constant 255 : i32
      %scan3A_109 = arith.constant 0 : i32
      %scan3A_110 = arith.constant 800 : i32
      %scan3A_111 = arith.addi %scan3A_109, %scan3A_110 : i32
      %scan3A_112 = arith.constant 1 : i32
      scf.for %scan3A_130 = %scan3A_109 to %scan3A_111 step %scan3A_112  : i32 {
        %mul3A_131 = arith.constant 16 : i32
        %mul3A_132 = arith.muli %scan3A_130, %mul3A_131 : i32
        %get3A = arith.index_cast %mul3A_132 : i32 to index
        %get3A_133 = tpu.vector_load %arg4[%get3A] {strides = array<i32>} : memref<12800xi32, #tpu.memory_space<vmem>>, vector<16xi32>,
        %shift_right_logical3A = arith.shrui %get3A_133, %broadcast_in_dim3A_106 : vector<16xi32>
        %and3A = vector.broadcast %scan3A_108 : i32 to vector<16xi32>
        %and3A_134 = arith.andi %shift_right_logical3A, %and3A : vector<16xi32>
        %broadcast_in_dim3A_135 = arith.constant true
        %broadcast_in_dim3A_136 = vector.broadcast %broadcast_in_dim3A_135 : i1 to vector<16xi1>
        %unique3A, %unique3A_137 = tpu.scan_count mask(%broadcast_in_dim3A_136 : vector<16xi1>) value(%and3A_134 : vector<16xi32>) : vector<16xi1>, vector<16xi32>
        %gather3A = tpu.vector_load_idx %arg7[%and3A_134] : memref<256xi32, #tpu.memory_space<vmem>>[vector<16xi32>], vector<16xi32>,
        %add3A = arith.addi %gather3A, %unique3A_137 : vector<16xi32>
        tpu.vector_store_idx %arg7[%and3A_134], %add3A masked %unique3A : memref<256xi32, #tpu.memory_space<vmem>>[vector<16xi32>], vector<16xi32>, vector<16xi1>
      }
      %scan3A_113 = arith.constant 800 : i32
      "tpu.region"() ({
        %run_scoped3A = tpu.sem_alloc : memref<!tpu.dma_semaphore, #tpu.memory_space<semaphore_mem>>
        %dma_start3A = arith.constant 0 : i32
        %dma_start3A_130 = tpu.memref_slice %arg13[%arg1, %dma_start3A] : memref<16x256xi32, #tpu.memory_space<vmem_shared>> -> memref<1x256xi32, #tpu.memory_space<vmem_shared>>
        %dma_start3A_131 = tpu.memref_squeeze %dma_start3A_130 : memref<1x256xi32, #tpu.memory_space<vmem_shared>> -> memref<256xi32, #tpu.memory_space<vmem_shared>>
        %dma_start3A_132 = arith.constant 0 : i32
        %dma_start3A_133 = tpu.memref_slice %arg13[%arg1, %dma_start3A_132] : memref<16x256xi32, #tpu.memory_space<vmem_shared>> -> memref<1x256xi32, #tpu.memory_space<vmem_shared>>
        %dma_start3A_134 = tpu.memref_squeeze %dma_start3A_133 : memref<1x256xi32, #tpu.memory_space<vmem_shared>> -> memref<256xi32, #tpu.memory_space<vmem_shared>>
        tpu.enqueue_dma source(%arg7 : memref<256xi32, #tpu.memory_space<vmem>>) target(%dma_start3A_134 : memref<256xi32, #tpu.memory_space<vmem_shared>>) target_semaphore(%run_scoped3A : memref<!tpu.dma_semaphore, #tpu.memory_space<semaphore_mem>>)
        %dma_wait3A = arith.constant 0 : i32
        %dma_wait3A_135 = tpu.memref_slice %arg13[%arg1, %dma_wait3A] : memref<16x256xi32, #tpu.memory_space<vmem_shared>> -> memref<1x256xi32, #tpu.memory_space<vmem_shared>>
        %dma_wait3A_136 = tpu.memref_squeeze %dma_wait3A_135 : memref<1x256xi32, #tpu.memory_space<vmem_shared>> -> memref<256xi32, #tpu.memory_space<vmem_shared>>
        %dma_wait3A_137 = arith.constant 0 : i32
        %dma_wait3A_138 = tpu.memref_slice %arg13[%arg1, %dma_wait3A_137] : memref<16x256xi32, #tpu.memory_space<vmem_shared>> -> memref<1x256xi32, #tpu.memory_space<vmem_shared>>
        %dma_wait3A_139 = tpu.memref_squeeze %dma_wait3A_138 : memref<1x256xi32, #tpu.memory_space<vmem_shared>> -> memref<256xi32, #tpu.memory_space<vmem_shared>>
        tpu.wait_dma2 semaphore(%run_scoped3A : memref<!tpu.dma_semaphore, #tpu.memory_space<semaphore_mem>>) src(%arg7 : memref<256xi32, #tpu.memory_space<vmem>>) dst(%dma_wait3A_139 : memref<256xi32, #tpu.memory_space<vmem_shared>>)
        tpu.yield
      }) : () -> ()
      %barrier3A_114 = arith.constant 0 : index
      tpu.barrier barrier_id(%barrier3A_114)
      "tpu.region"() ({
        %run_scoped3A = tpu.sem_alloc : memref<!tpu.dma_semaphore, #tpu.memory_space<semaphore_mem>>
        tpu.enqueue_dma source(%arg13 : memref<16x256xi32, #tpu.memory_space<vmem_shared>>) target(%arg8 : memref<16x256xi32, #tpu.memory_space<vmem>>) target_semaphore(%run_scoped3A : memref<!tpu.dma_semaphore, #tpu.memory_space<semaphore_mem>>)
        tpu.wait_dma2 semaphore(%run_scoped3A : memref<!tpu.dma_semaphore, #tpu.memory_space<semaphore_mem>>) src(%arg13 : memref<16x256xi32, #tpu.memory_space<vmem_shared>>) dst(%arg8 : memref<16x256xi32, #tpu.memory_space<vmem>>)
        tpu.yield
      }) : () -> ()
      %scan3A_115 = arith.constant 0 : i32
      %scan3A_116 = arith.constant 0 : i32
      %scan3A_117 = arith.constant 16 : i32
      %scan3A_118 = arith.addi %scan3A_116, %scan3A_117 : i32
      %scan3A_119 = arith.constant 1 : i32
      %scan3A_120 = scf.for %scan3A_130 = %scan3A_116 to %scan3A_118 step %scan3A_119 iter_args(%scan3A_131 = %scan3A_115) -> (i32)  : i32 {
        %mul3A_132 = arith.constant 16 : i32
        %mul3A_133 = arith.muli %scan3A_130, %mul3A_132 : i32
        %broadcast_in_dim3A_134 = arith.constant 0 : i32
        %broadcast_in_dim3A_135 = vector.broadcast %broadcast_in_dim3A_134 : i32 to vector<16xi32>
        %broadcast_in_dim3A_136 = arith.constant 0 : i32
        %broadcast_in_dim3A_137 = vector.broadcast %broadcast_in_dim3A_136 : i32 to vector<16xi32>
        %scan3A_138 = arith.constant 0 : i32
        %scan3A_139 = arith.constant 16 : i32
        %scan3A_140 = arith.addi %scan3A_138, %scan3A_139 : i32
        %scan3A_141 = arith.constant 1 : i32
        %scan3A_142:2 = scf.for %scan3A_153 = %scan3A_138 to %scan3A_140 step %scan3A_141 iter_args(%scan3A_154 = %broadcast_in_dim3A_135, %scan3A_155 = %broadcast_in_dim3A_137) -> (vector<16xi32>, vector<16xi32>)  : i32 {
          %get3A = arith.index_cast %scan3A_153 : i32 to index
          %get3A_156 = arith.index_cast %mul3A_133 : i32 to index
          %get3A_157 = tpu.vector_load %arg8[%get3A, %get3A_156] {strides = array<i32>} : memref<16x256xi32, #tpu.memory_space<vmem>>, vector<16xi32>,
          %lt3A = arith.cmpi slt, %scan3A_153, %arg1 : i32
          %jit3A = arith.constant 1 : i32
          %jit3A_158 = arith.constant 0 : i32
          %select_n3A = arith.select %lt3A, %jit3A, %jit3A_158 : i32
          %add3A_159 = arith.addi %scan3A_154, %get3A_157 : vector<16xi32>
          %mul3A_160 = vector.broadcast %select_n3A : i32 to vector<16xi32>
          %mul3A_161 = arith.muli %get3A_157, %mul3A_160 : vector<16xi32>
          %add3A_162 = arith.addi %scan3A_155, %mul3A_161 : vector<16xi32>
          scf.yield %add3A_159, %add3A_162 : vector<16xi32>, vector<16xi32>
        }
        %scan3A_143 = arith.constant 16 : i32
        %broadcast_in_dim3A_144 = arith.constant true
        %broadcast_in_dim3A_145 = vector.broadcast %broadcast_in_dim3A_144 : i1 to vector<16xi1>
        %masked_cumsum3A = tpu.scan <sum>, %scan3A_142#0 masked %broadcast_in_dim3A_145 : vector<16xi32>, vector<16xi1> -> vector<16xi32>
        %sub3A = arith.subi %masked_cumsum3A, %scan3A_142#0 : vector<16xi32>
        %add3A = vector.broadcast %scan3A_131 : i32 to vector<16xi32>
        %add3A_146 = arith.addi %add3A, %sub3A : vector<16xi32>
        %add3A_147 = arith.addi %add3A_146, %scan3A_142#1 : vector<16xi32>
        %swap3A = arith.index_cast %mul3A_133 : i32 to index
        %swap3A_148 = tpu.vector_load %arg7[%swap3A] {strides = array<i32>} : memref<256xi32, #tpu.memory_space<vmem>>, vector<16xi32>,
        tpu.vector_store %arg7[%swap3A], %add3A_147 {strides = array<i32>} : memref<256xi32, #tpu.memory_space<vmem>>, vector<16xi32>,
        %reduce_sum3A = arith.constant true
        %reduce_sum3A_149 = vector.broadcast %reduce_sum3A : i1 to vector<16xi1>
        %reduce_sum3A_150 = tpu.scan <sum>, %scan3A_142#0 masked %reduce_sum3A_149 : vector<16xi32>, vector<16xi1> -> vector<16xi32>
        %reduce_sum3A_151 = vector.extract %reduce_sum3A_150[15] : i32 from vector<16xi32>
        %add3A_152 = arith.addi %scan3A_131, %reduce_sum3A_151 : i32
        scf.yield %add3A_152 : i32
      }
      %scan3A_121 = arith.constant 16 : i32
      %scan3A_122 = arith.constant 0 : i32
      %scan3A_123 = arith.constant 255 : i32
      %scan3A_124 = arith.constant 0 : i32
      %scan3A_125 = arith.constant 800 : i32
      %scan3A_126 = arith.addi %scan3A_124, %scan3A_125 : i32
      %scan3A_127 = arith.constant 1 : i32
      scf.for %scan3A_130 = %scan3A_124 to %scan3A_126 step %scan3A_127  : i32 {
        %mul3A_131 = arith.constant 16 : i32
        %mul3A_132 = arith.muli %scan3A_130, %mul3A_131 : i32
        %get3A = arith.index_cast %mul3A_132 : i32 to index
        %get3A_133 = tpu.vector_load %arg4[%get3A] {strides = array<i32>} : memref<12800xi32, #tpu.memory_space<vmem>>, vector<16xi32>,
        %shift_right_logical3A = arith.shrui %get3A_133, %broadcast_in_dim3A_106 : vector<16xi32>
        %and3A = vector.broadcast %scan3A_123 : i32 to vector<16xi32>
        %and3A_134 = arith.andi %shift_right_logical3A, %and3A : vector<16xi32>
        %broadcast_in_dim3A_135 = arith.constant true
        %broadcast_in_dim3A_136 = vector.broadcast %broadcast_in_dim3A_135 : i1 to vector<16xi1>
        %unique3A, %unique3A_137 = tpu.scan_count mask(%broadcast_in_dim3A_136 : vector<16xi1>) value(%and3A_134 : vector<16xi32>) : vector<16xi1>, vector<16xi32>
        %gather3A = tpu.vector_load_idx %arg7[%and3A_134] : memref<256xi32, #tpu.memory_space<vmem>>[vector<16xi32>], vector<16xi32>,
        %add3A = arith.addi %gather3A, %unique3A_137 : vector<16xi32>
        %sub3A = arith.constant 1 : i32
        %sub3A_138 = vector.broadcast %sub3A : i32 to vector<16xi32>
        %sub3A_139 = arith.subi %add3A, %sub3A_138 : vector<16xi32>
        %swap3A = arith.index_cast %mul3A_132 : i32 to index
        %swap3A_140 = tpu.vector_load %arg6[%swap3A] {strides = array<i32>} : memref<12800xi32, #tpu.memory_space<vmem>>, vector<16xi32>,
        tpu.vector_store %arg6[%swap3A], %sub3A_139 {strides = array<i32>} : memref<12800xi32, #tpu.memory_space<vmem>>, vector<16xi32>,
        %add3A_141 = arith.addi %gather3A, %unique3A_137 : vector<16xi32>
        tpu.vector_store_idx %arg7[%and3A_134], %add3A_141 masked %unique3A : memref<256xi32, #tpu.memory_space<vmem>>[vector<16xi32>], vector<16xi32>, vector<16xi1>
      }
      %scan3A_128 = arith.constant 800 : i32
      "tpu.region"() ({
        %run_scoped3A = tpu.sem_alloc : memref<!tpu.dma_semaphore, #tpu.memory_space<semaphore_mem>>
        %dma_start3A = arith.constant 0 : i32
        %dma_start3A_130 = tpu.memref_slice %arg10[%dma_start3A] : memref<204800xi32, #tpu.memory_space<vmem_shared>> -> memref<204800xi32, #tpu.memory_space<vmem_shared>>
        tpu.enqueue_indirect_dma source(%arg5 : memref<12800xi32, #tpu.memory_space<vmem>>) target(%dma_start3A_130 : memref<204800xi32, #tpu.memory_space<vmem_shared>>) offsets(%arg6 : memref<12800xi32, #tpu.memory_space<vmem>>) semaphore(%run_scoped3A : memref<!tpu.dma_semaphore, #tpu.memory_space<semaphore_mem>>)
        %dma_wait3A = arith.constant 0 : i32
        %dma_wait3A_131 = tpu.memref_slice %arg10[%dma_wait3A] : memref<204800xi32, #tpu.memory_space<vmem_shared>> -> memref<204800xi32, #tpu.memory_space<vmem_shared>>
        tpu.wait_indirect_dma semaphore(%run_scoped3A : memref<!tpu.dma_semaphore, #tpu.memory_space<semaphore_mem>>) src(%arg5 : memref<12800xi32, #tpu.memory_space<vmem>>) dst(%dma_wait3A_131 : memref<204800xi32, #tpu.memory_space<vmem_shared>>)
        tpu.yield
      }) : () -> ()
      %barrier3A_129 = arith.constant 0 : index
      tpu.barrier barrier_id(%barrier3A_129)
      "tpu.region"() ({
        %run_scoped3A = tpu.sem_alloc : memref<!tpu.dma_semaphore, #tpu.memory_space<semaphore_mem>>
        %dma_start3A = tpu.memref_slice %arg10[%mul3A_2] : memref<204800xi32, #tpu.memory_space<vmem_shared>> -> memref<12800xi32, #tpu.memory_space<vmem_shared>>
        %dma_start3A_130 = tpu.memref_slice %arg10[%mul3A_2] : memref<204800xi32, #tpu.memory_space<vmem_shared>> -> memref<12800xi32, #tpu.memory_space<vmem_shared>>
        tpu.enqueue_dma source(%dma_start3A_130 : memref<12800xi32, #tpu.memory_space<vmem_shared>>) target(%arg5 : memref<12800xi32, #tpu.memory_space<vmem>>) target_semaphore(%run_scoped3A : memref<!tpu.dma_semaphore, #tpu.memory_space<semaphore_mem>>)
        %dma_wait3A = tpu.memref_slice %arg10[%mul3A_2] : memref<204800xi32, #tpu.memory_space<vmem_shared>> -> memref<12800xi32, #tpu.memory_space<vmem_shared>>
        %dma_wait3A_131 = tpu.memref_slice %arg10[%mul3A_2] : memref<204800xi32, #tpu.memory_space<vmem_shared>> -> memref<12800xi32, #tpu.memory_space<vmem_shared>>
        tpu.wait_dma2 semaphore(%run_scoped3A : memref<!tpu.dma_semaphore, #tpu.memory_space<semaphore_mem>>) src(%dma_wait3A_131 : memref<12800xi32, #tpu.memory_space<vmem_shared>>) dst(%arg5 : memref<12800xi32, #tpu.memory_space<vmem>>)
        tpu.yield
      }) : () -> ()
      "tpu.region"() ({
        %run_scoped3A = tpu.sem_alloc : memref<!tpu.dma_semaphore, #tpu.memory_space<semaphore_mem>>
        %dma_start3A = tpu.memref_slice %arg3[%mul3A_2] : memref<204800xi32, #tpu.memory_space<hbm>> -> memref<12800xi32, #tpu.memory_space<hbm>>
        %dma_start3A_130 = tpu.memref_slice %arg3[%mul3A_2] : memref<204800xi32, #tpu.memory_space<hbm>> -> memref<12800xi32, #tpu.memory_space<hbm>>
        tpu.enqueue_dma source(%arg5 : memref<12800xi32, #tpu.memory_space<vmem>>) target(%dma_start3A_130 : memref<12800xi32, #tpu.memory_space<hbm>>) target_semaphore(%run_scoped3A : memref<!tpu.dma_semaphore, #tpu.memory_space<semaphore_mem>>)
        %dma_wait3A = tpu.memref_slice %arg3[%mul3A_2] : memref<204800xi32, #tpu.memory_space<hbm>> -> memref<12800xi32, #tpu.memory_space<hbm>>
        %dma_wait3A_131 = tpu.memref_slice %arg3[%mul3A_2] : memref<204800xi32, #tpu.memory_space<hbm>> -> memref<12800xi32, #tpu.memory_space<hbm>>
        tpu.wait_dma2 semaphore(%run_scoped3A : memref<!tpu.dma_semaphore, #tpu.memory_space<semaphore_mem>>) src(%arg5 : memref<12800xi32, #tpu.memory_space<vmem>>) dst(%dma_wait3A_131 : memref<12800xi32, #tpu.memory_space<hbm>>)
        tpu.yield
      }) : () -> ()
    } else {
    }
    return
  }
}

#map = affine_map<(d0, d1) -> (0)>
module attributes {stable_mosaic.version = 14 : i64} {
  func.func @_triple_body(%arg0: i32, %arg1: i32, %arg2: memref<5000xf32, #tpu.memory_space<hbm>>, %arg3: memref<204800xi32, #tpu.memory_space<hbm>>, %arg4: memref<204800xi32, #tpu.memory_space<hbm>>, %arg5: memref<204800xf32, #tpu.memory_space<hbm>>, %arg6: memref<204800xi32, #tpu.memory_space<hbm>>, %arg7: memref<5000xf32, #tpu.memory_space<vmem>>, %arg8: memref<6400xi32, #tpu.memory_space<vmem>>, %arg9: memref<6400xi32, #tpu.memory_space<vmem>>, %arg10: memref<6400xf32, #tpu.memory_space<vmem>>, %arg11: memref<6400xi32, #tpu.memory_space<vmem>>) attributes {dimension_semantics = [#tpu.dimension_semantics<core_parallel>, #tpu.dimension_semantics<subcore_parallel>], iteration_bounds = array<i64: 2, 16>, scalar_prefetch = 0 : i64, scratch_operands = 5 : i64, tpu.core_type = #tpu.core_type<sc_vector_subcore>, window_params = [{transform_indices = #map}, {transform_indices = #map}, {transform_indices = #map}, {transform_indices = #map}, {transform_indices = #map}]} {
    %mul3A = arith.constant 2 : i32
    %mul3A_0 = arith.muli %arg1, %mul3A : i32
    %add3A = arith.addi %mul3A_0, %arg0 : i32
    %mul3A_1 = arith.constant 6400 : i32
    %mul3A_2 = arith.muli %add3A, %mul3A_1 : i32
    "tpu.region"() ({
      %run_scoped3A = tpu.sem_alloc : memref<!tpu.dma_semaphore, #tpu.memory_space<semaphore_mem>>
      tpu.enqueue_dma source(%arg2 : memref<5000xf32, #tpu.memory_space<hbm>>) target(%arg7 : memref<5000xf32, #tpu.memory_space<vmem>>) target_semaphore(%run_scoped3A : memref<!tpu.dma_semaphore, #tpu.memory_space<semaphore_mem>>)
      tpu.wait_dma2 semaphore(%run_scoped3A : memref<!tpu.dma_semaphore, #tpu.memory_space<semaphore_mem>>) src(%arg2 : memref<5000xf32, #tpu.memory_space<hbm>>) dst(%arg7 : memref<5000xf32, #tpu.memory_space<vmem>>)
      tpu.yield
    }) : () -> ()
    "tpu.region"() ({
      %run_scoped3A = tpu.sem_alloc : memref<!tpu.dma_semaphore, #tpu.memory_space<semaphore_mem>>
      %dma_start3A = tpu.memref_slice %arg3[%mul3A_2] : memref<204800xi32, #tpu.memory_space<hbm>> -> memref<6400xi32, #tpu.memory_space<hbm>>
      %dma_start3A_8 = tpu.memref_slice %arg3[%mul3A_2] : memref<204800xi32, #tpu.memory_space<hbm>> -> memref<6400xi32, #tpu.memory_space<hbm>>
      tpu.enqueue_dma source(%dma_start3A_8 : memref<6400xi32, #tpu.memory_space<hbm>>) target(%arg8 : memref<6400xi32, #tpu.memory_space<vmem>>) target_semaphore(%run_scoped3A : memref<!tpu.dma_semaphore, #tpu.memory_space<semaphore_mem>>)
      %dma_wait3A = tpu.memref_slice %arg3[%mul3A_2] : memref<204800xi32, #tpu.memory_space<hbm>> -> memref<6400xi32, #tpu.memory_space<hbm>>
      %dma_wait3A_9 = tpu.memref_slice %arg3[%mul3A_2] : memref<204800xi32, #tpu.memory_space<hbm>> -> memref<6400xi32, #tpu.memory_space<hbm>>
      tpu.wait_dma2 semaphore(%run_scoped3A : memref<!tpu.dma_semaphore, #tpu.memory_space<semaphore_mem>>) src(%dma_wait3A_9 : memref<6400xi32, #tpu.memory_space<hbm>>) dst(%arg8 : memref<6400xi32, #tpu.memory_space<vmem>>)
      tpu.yield
    }) : () -> ()
    "tpu.region"() ({
      %run_scoped3A = tpu.sem_alloc : memref<!tpu.dma_semaphore, #tpu.memory_space<semaphore_mem>>
      %dma_start3A = tpu.memref_slice %arg4[%mul3A_2] : memref<204800xi32, #tpu.memory_space<hbm>> -> memref<6400xi32, #tpu.memory_space<hbm>>
      %dma_start3A_8 = tpu.memref_slice %arg4[%mul3A_2] : memref<204800xi32, #tpu.memory_space<hbm>> -> memref<6400xi32, #tpu.memory_space<hbm>>
      tpu.enqueue_dma source(%dma_start3A_8 : memref<6400xi32, #tpu.memory_space<hbm>>) target(%arg9 : memref<6400xi32, #tpu.memory_space<vmem>>) target_semaphore(%run_scoped3A : memref<!tpu.dma_semaphore, #tpu.memory_space<semaphore_mem>>)
      %dma_wait3A = tpu.memref_slice %arg4[%mul3A_2] : memref<204800xi32, #tpu.memory_space<hbm>> -> memref<6400xi32, #tpu.memory_space<hbm>>
      %dma_wait3A_9 = tpu.memref_slice %arg4[%mul3A_2] : memref<204800xi32, #tpu.memory_space<hbm>> -> memref<6400xi32, #tpu.memory_space<hbm>>
      tpu.wait_dma2 semaphore(%run_scoped3A : memref<!tpu.dma_semaphore, #tpu.memory_space<semaphore_mem>>) src(%dma_wait3A_9 : memref<6400xi32, #tpu.memory_space<hbm>>) dst(%arg9 : memref<6400xi32, #tpu.memory_space<vmem>>)
      tpu.yield
    }) : () -> ()
    "tpu.region"() ({
      %run_scoped3A = tpu.sem_alloc : memref<!tpu.dma_semaphore, #tpu.memory_space<semaphore_mem>>
      %dma_start3A = tpu.memref_slice %arg5[%mul3A_2] : memref<204800xf32, #tpu.memory_space<hbm>> -> memref<6400xf32, #tpu.memory_space<hbm>>
      %dma_start3A_8 = tpu.memref_slice %arg5[%mul3A_2] : memref<204800xf32, #tpu.memory_space<hbm>> -> memref<6400xf32, #tpu.memory_space<hbm>>
      tpu.enqueue_dma source(%dma_start3A_8 : memref<6400xf32, #tpu.memory_space<hbm>>) target(%arg10 : memref<6400xf32, #tpu.memory_space<vmem>>) target_semaphore(%run_scoped3A : memref<!tpu.dma_semaphore, #tpu.memory_space<semaphore_mem>>)
      %dma_wait3A = tpu.memref_slice %arg5[%mul3A_2] : memref<204800xf32, #tpu.memory_space<hbm>> -> memref<6400xf32, #tpu.memory_space<hbm>>
      %dma_wait3A_9 = tpu.memref_slice %arg5[%mul3A_2] : memref<204800xf32, #tpu.memory_space<hbm>> -> memref<6400xf32, #tpu.memory_space<hbm>>
      tpu.wait_dma2 semaphore(%run_scoped3A : memref<!tpu.dma_semaphore, #tpu.memory_space<semaphore_mem>>) src(%dma_wait3A_9 : memref<6400xf32, #tpu.memory_space<hbm>>) dst(%arg10 : memref<6400xf32, #tpu.memory_space<vmem>>)
      tpu.yield
    }) : () -> ()
    %scan3A = arith.constant 0 : i32
    %scan3A_3 = arith.constant 0 : i32
    %scan3A_4 = arith.constant 400 : i32
    %scan3A_5 = arith.addi %scan3A_3, %scan3A_4 : i32
    %scan3A_6 = arith.constant 1 : i32
    scf.for %scan3A_8 = %scan3A_3 to %scan3A_5 step %scan3A_6  : i32 {
      %mul3A_9 = arith.constant 16 : i32
      %mul3A_10 = arith.muli %scan3A_8, %mul3A_9 : i32
      %get3A = arith.index_cast %mul3A_10 : i32 to index
      %get3A_11 = tpu.vector_load %arg8[%get3A] {strides = array<i32>} : memref<6400xi32, #tpu.memory_space<vmem>>, vector<16xi32>,
      %gather3A = tpu.vector_load_idx %arg7[%get3A_11] : memref<5000xf32, #tpu.memory_space<vmem>>[vector<16xi32>], vector<16xf32>,
      %get3A_12 = arith.index_cast %mul3A_10 : i32 to index
      %get3A_13 = tpu.vector_load %arg9[%get3A_12] {strides = array<i32>} : memref<6400xi32, #tpu.memory_space<vmem>>, vector<16xi32>,
      %gather3A_14 = tpu.vector_load_idx %arg7[%get3A_13] : memref<5000xf32, #tpu.memory_space<vmem>>[vector<16xi32>], vector<16xf32>,
      %get3A_15 = arith.index_cast %mul3A_10 : i32 to index
      %get3A_16 = tpu.vector_load %arg10[%get3A_15] {strides = array<i32>} : memref<6400xf32, #tpu.memory_space<vmem>>, vector<16xf32>,
      %mul3A_17 = arith.mulf %get3A_16, %gather3A : vector<16xf32>
      %mul3A_18 = arith.mulf %mul3A_17, %gather3A_14 : vector<16xf32>
      %bitcast3A = vector.bitcast %mul3A_18 : vector<16xf32> to vector<16xi32>
      %ge3A = arith.constant 0 : i32
      %ge3A_19 = vector.broadcast %ge3A : i32 to vector<16xi32>
      %ge3A_20 = arith.cmpi sge, %bitcast3A, %ge3A_19 : vector<16xi32>
      %not3A = arith.constant dense<-1> : vector<16xi32>
      %not3A_21 = arith.xori %bitcast3A, %not3A : vector<16xi32>
      %and3A = arith.constant 2147483647 : i32
      %and3A_22 = vector.broadcast %and3A : i32 to vector<16xi32>
      %and3A_23 = arith.andi %not3A_21, %and3A_22 : vector<16xi32>
      %select_n3A = arith.select %ge3A_20, %and3A_23, %bitcast3A : vector<16xi1>, vector<16xi32>
      %swap3A = arith.index_cast %mul3A_10 : i32 to index
      %swap3A_24 = tpu.vector_load %arg11[%swap3A] {strides = array<i32>} : memref<6400xi32, #tpu.memory_space<vmem>>, vector<16xi32>,
      tpu.vector_store %arg11[%swap3A], %select_n3A {strides = array<i32>} : memref<6400xi32, #tpu.memory_space<vmem>>, vector<16xi32>,
    }
    %scan3A_7 = arith.constant 400 : i32
    "tpu.region"() ({
      %run_scoped3A = tpu.sem_alloc : memref<!tpu.dma_semaphore, #tpu.memory_space<semaphore_mem>>
      %dma_start3A = tpu.memref_slice %arg6[%mul3A_2] : memref<204800xi32, #tpu.memory_space<hbm>> -> memref<6400xi32, #tpu.memory_space<hbm>>
      %dma_start3A_8 = tpu.memref_slice %arg6[%mul3A_2] : memref<204800xi32, #tpu.memory_space<hbm>> -> memref<6400xi32, #tpu.memory_space<hbm>>
      tpu.enqueue_dma source(%arg11 : memref<6400xi32, #tpu.memory_space<vmem>>) target(%dma_start3A_8 : memref<6400xi32, #tpu.memory_space<hbm>>) target_semaphore(%run_scoped3A : memref<!tpu.dma_semaphore, #tpu.memory_space<semaphore_mem>>)
      %dma_wait3A = tpu.memref_slice %arg6[%mul3A_2] : memref<204800xi32, #tpu.memory_space<hbm>> -> memref<6400xi32, #tpu.memory_space<hbm>>
      %dma_wait3A_9 = tpu.memref_slice %arg6[%mul3A_2] : memref<204800xi32, #tpu.memory_space<hbm>> -> memref<6400xi32, #tpu.memory_space<hbm>>
      tpu.wait_dma2 semaphore(%run_scoped3A : memref<!tpu.dma_semaphore, #tpu.memory_space<semaphore_mem>>) src(%arg11 : memref<6400xi32, #tpu.memory_space<vmem>>) dst(%dma_wait3A_9 : memref<6400xi32, #tpu.memory_space<hbm>>)
      tpu.yield
    }) : () -> ()
    return
  }
}

module attributes {stable_mosaic.version = 14 : i64} {
  func.func @_rel_body(%arg0: i32, %arg1: memref<2000x51xf32, #tpu.memory_space<vmem>>, %arg2: memref<2000x128xf32, #tpu.memory_space<vmem>>) attributes {dimension_semantics = [#tpu.dimension_semantics<arbitrary>], iteration_bounds = array<i64: 100>, scalar_prefetch = 0 : i64, scratch_operands = 0 : i64, tpu.core_type = #tpu.core_type<tc>, window_params = [{transform_indices = @transform_0, window_bounds = array<i64: 2000, 51>}, {transform_indices = @transform_1, window_bounds = array<i64: 2000, 128>}]} {
    %get3A = arith.constant 0 : index
    %get3A_0 = arith.constant 0 : index
    %get3A_1 = vector.load %arg1[%get3A, %get3A_0] : memref<2000x51xf32, #tpu.memory_space<vmem>>, vector<2000x51xf32>
    %reduce_max3A = arith.constant dense<0xFF800000> : vector<2000xf32>
    %reduce_max3A_2 = vector.multi_reduction <maximumf>, %get3A_1, %reduce_max3A [1] : vector<2000x51xf32> to vector<2000xf32>
    %broadcast_in_dim3A = vector.shape_cast %reduce_max3A_2 : vector<2000xf32> to vector<2000x1xf32>
    %sub3A = vector.broadcast %broadcast_in_dim3A : vector<2000x1xf32> to vector<2000x51xf32>
    %sub3A_3 = arith.subf %get3A_1, %sub3A : vector<2000x51xf32>
    %exp3A = math.exp %sub3A_3 : vector<2000x51xf32>
    %reduce_sum3A = arith.constant dense<0.000000e+00> : vector<2000xf32>
    %reduce_sum3A_4 = vector.multi_reduction <add>, %exp3A, %reduce_sum3A [1] : vector<2000x51xf32> to vector<2000xf32>
    %broadcast_in_dim3A_5 = vector.shape_cast %reduce_sum3A_4 : vector<2000xf32> to vector<2000x1xf32>
    %div3A = vector.broadcast %broadcast_in_dim3A_5 : vector<2000x1xf32> to vector<2000x51xf32>
    %div3A_6 = arith.divf %exp3A, %div3A : vector<2000x51xf32>
    %iota3A = tpu.iota {dimensions = array<i32: 1>} : vector<2000x51xi32>
    %le3A = arith.constant 49 : i32
    %le3A_7 = vector.broadcast %le3A : i32 to vector<2000x51xi32>
    %le3A_8 = arith.cmpi sle, %iota3A, %le3A_7 : vector<2000x51xi32>
    %jit3A = arith.constant 0xFF800000 : f32
    %broadcast_in_dim3A_9 = vector.broadcast %jit3A : f32 to vector<2000x51xf32>
    %select_n3A = arith.select %le3A_8, %div3A_6, %broadcast_in_dim3A_9 : vector<2000x51xi1>, vector<2000x51xf32>
    %reduce_max3A_10 = arith.constant dense<0xFF800000> : vector<2000xf32>
    %reduce_max3A_11 = vector.multi_reduction <maximumf>, %select_n3A, %reduce_max3A_10 [1] : vector<2000x51xf32> to vector<2000xf32>
    %broadcast_in_dim3A_12 = vector.shape_cast %reduce_max3A_11 : vector<2000xf32> to vector<2000x1xf32>
    %eq3A = vector.broadcast %broadcast_in_dim3A_12 : vector<2000x1xf32> to vector<2000x51xf32>
    %eq3A_13 = arith.cmpf oeq, %select_n3A, %eq3A : vector<2000x51xf32>
    %jit3A_14 = arith.constant 51 : i32
    %broadcast_in_dim3A_15 = vector.broadcast %jit3A_14 : i32 to vector<2000x51xi32>
    %select_n3A_16 = arith.select %eq3A_13, %iota3A, %broadcast_in_dim3A_15 : vector<2000x51xi1>, vector<2000x51xi32>
    %reduce_min3A = arith.constant dense<2147483647> : vector<2000xi32>
    %reduce_min3A_17 = vector.multi_reduction <minsi>, %select_n3A_16, %reduce_min3A [1] : vector<2000x51xi32> to vector<2000xi32>
    %broadcast_in_dim3A_18 = vector.shape_cast %reduce_min3A_17 : vector<2000xi32> to vector<2000x1xi32>
    %bitcast_convert_type3A = tpu.bitcast %broadcast_in_dim3A_18 : vector<2000x1xi32> -> vector<2000x1xf32>
    %broadcast_in_dim3A_19 = arith.constant 0.000000e+00 : f32
    %broadcast_in_dim3A_20 = vector.broadcast %broadcast_in_dim3A_19 : f32 to vector<2000x76xf32>
    %concatenate3A = tpu.concatenate %div3A_6, %bitcast_convert_type3A, %broadcast_in_dim3A_20 in 1 : vector<2000x51xf32>, vector<2000x1xf32>, vector<2000x76xf32> -> vector<2000x128xf32>
    %swap3A = arith.constant 0 : index
    %swap3A_21 = arith.constant 0 : index
    %swap3A_22 = vector.load %arg2[%swap3A, %swap3A_21] : memref<2000x128xf32, #tpu.memory_space<vmem>>, vector<2000x128xf32>
    tpu.vector_store %arg2[%swap3A, %swap3A_21], %concatenate3A {strides = array<i32>} : memref<2000x128xf32, #tpu.memory_space<vmem>>, vector<2000x128xf32>,
    return
  }
  func.func @transform_0(%arg0: i32) -> (i32, i32) {
    %c0_i32 = arith.constant 0 : i32
    %c0_i32_0 = arith.constant 0 : i32
    return %arg0, %c0_i32 : i32, i32
  }
  func.func @transform_1(%arg0: i32) -> (i32, i32) {
    %c0_i32 = arith.constant 0 : i32
    %c0_i32_0 = arith.constant 0 : i32
    return %arg0, %c0_i32 : i32, i32
  }
}

module attributes {stable_mosaic.version = 14 : i64} {
  func.func @_obj_body(%arg0: memref<5000x151xf32, #tpu.memory_space<vmem>>, %arg1: memref<5000x151xf32, #tpu.memory_space<vmem>>, %arg2: memref<5000x1xf32, #tpu.memory_space<vmem>>, %arg3: memref<5000x1xi32, #tpu.memory_space<vmem>>) attributes {dimension_semantics = [], scalar_prefetch = 0 : i64, scratch_operands = 0 : i64, tpu.core_type = #tpu.core_type<tc>} {
    %get3A = arith.constant 0 : index
    %get3A_0 = arith.constant 0 : index
    %get3A_1 = vector.load %arg0[%get3A, %get3A_0] : memref<5000x151xf32, #tpu.memory_space<vmem>>, vector<5000x151xf32>
    %reduce_max3A = arith.constant dense<0xFF800000> : vector<5000xf32>
    %reduce_max3A_2 = vector.multi_reduction <maximumf>, %get3A_1, %reduce_max3A [1] : vector<5000x151xf32> to vector<5000xf32>
    %broadcast_in_dim3A = vector.shape_cast %reduce_max3A_2 : vector<5000xf32> to vector<5000x1xf32>
    %sub3A = vector.broadcast %broadcast_in_dim3A : vector<5000x1xf32> to vector<5000x151xf32>
    %sub3A_3 = arith.subf %get3A_1, %sub3A : vector<5000x151xf32>
    %exp3A = math.exp %sub3A_3 : vector<5000x151xf32>
    %reduce_sum3A = arith.constant dense<0.000000e+00> : vector<5000xf32>
    %reduce_sum3A_4 = vector.multi_reduction <add>, %exp3A, %reduce_sum3A [1] : vector<5000x151xf32> to vector<5000xf32>
    %broadcast_in_dim3A_5 = vector.shape_cast %reduce_sum3A_4 : vector<5000xf32> to vector<5000x1xf32>
    %div3A = vector.broadcast %broadcast_in_dim3A_5 : vector<5000x1xf32> to vector<5000x151xf32>
    %div3A_6 = arith.divf %exp3A, %div3A : vector<5000x151xf32>
    %iota3A = tpu.iota {dimensions = array<i32: 1>} : vector<5000x151xi32>
    %eq3A = arith.constant 150 : i32
    %eq3A_7 = vector.broadcast %eq3A : i32 to vector<5000x151xi32>
    %eq3A_8 = arith.cmpi eq, %iota3A, %eq3A_7 : vector<5000x151xi32>
    %jit3A = arith.constant 0.000000e+00 : f32
    %broadcast_in_dim3A_9 = vector.broadcast %jit3A : f32 to vector<5000x151xf32>
    %select_n3A = arith.select %eq3A_8, %broadcast_in_dim3A_9, %div3A_6 : vector<5000x151xi1>, vector<5000x151xf32>
    %swap3A = arith.constant 0 : index
    %swap3A_10 = arith.constant 0 : index
    %swap3A_11 = vector.load %arg1[%swap3A, %swap3A_10] : memref<5000x151xf32, #tpu.memory_space<vmem>>, vector<5000x151xf32>
    tpu.vector_store %arg1[%swap3A, %swap3A_10], %select_n3A {strides = array<i32>} : memref<5000x151xf32, #tpu.memory_space<vmem>>, vector<5000x151xf32>,
    %le3A = arith.constant 149 : i32
    %le3A_12 = vector.broadcast %le3A : i32 to vector<5000x151xi32>
    %le3A_13 = arith.cmpi sle, %iota3A, %le3A_12 : vector<5000x151xi32>
    %jit3A_14 = arith.constant 0xFF800000 : f32
    %broadcast_in_dim3A_15 = vector.broadcast %jit3A_14 : f32 to vector<5000x151xf32>
    %select_n3A_16 = arith.select %le3A_13, %div3A_6, %broadcast_in_dim3A_15 : vector<5000x151xi1>, vector<5000x151xf32>
    %reduce_max3A_17 = arith.constant dense<0xFF800000> : vector<5000xf32>
    %reduce_max3A_18 = vector.multi_reduction <maximumf>, %select_n3A_16, %reduce_max3A_17 [1] : vector<5000x151xf32> to vector<5000xf32>
    %broadcast_in_dim3A_19 = vector.shape_cast %reduce_max3A_18 : vector<5000xf32> to vector<5000x1xf32>
    %swap3A_20 = arith.constant 0 : index
    %swap3A_21 = arith.constant 0 : index
    %swap3A_22 = vector.load %arg2[%swap3A_20, %swap3A_21] : memref<5000x1xf32, #tpu.memory_space<vmem>>, vector<5000x1xf32>
    tpu.vector_store %arg2[%swap3A_20, %swap3A_21], %broadcast_in_dim3A_19 {strides = array<i32>} : memref<5000x1xf32, #tpu.memory_space<vmem>>, vector<5000x1xf32>,
    %eq3A_23 = vector.broadcast %broadcast_in_dim3A_19 : vector<5000x1xf32> to vector<5000x151xf32>
    %eq3A_24 = arith.cmpf oeq, %select_n3A_16, %eq3A_23 : vector<5000x151xf32>
    %jit3A_25 = arith.constant 151 : i32
    %broadcast_in_dim3A_26 = vector.broadcast %jit3A_25 : i32 to vector<5000x151xi32>
    %select_n3A_27 = arith.select %eq3A_24, %iota3A, %broadcast_in_dim3A_26 : vector<5000x151xi1>, vector<5000x151xi32>
    %reduce_min3A = arith.constant dense<2147483647> : vector<5000xi32>
    %reduce_min3A_28 = vector.multi_reduction <minsi>, %select_n3A_27, %reduce_min3A [1] : vector<5000x151xi32> to vector<5000xi32>
    %broadcast_in_dim3A_29 = vector.shape_cast %reduce_min3A_28 : vector<5000xi32> to vector<5000x1xi32>
    %swap3A_30 = arith.constant 0 : index
    %swap3A_31 = arith.constant 0 : index
    %swap3A_32 = vector.load %arg3[%swap3A_30, %swap3A_31] : memref<5000x1xi32, #tpu.memory_space<vmem>>, vector<5000x1xi32>
    tpu.vector_store %arg3[%swap3A_30, %swap3A_31], %broadcast_in_dim3A_29 {strides = array<i32>} : memref<5000x1xi32, #tpu.memory_space<vmem>>, vector<5000x1xi32>,
    return
  }
}

</mosaic_0001>

<sc_bundles>
// kernel: kernel.10.cloned.1.call-start
scs
__scs_entry_jumppad:
0x0: {  	(pc) =	sbr.rel $0x88, $3  }
0x1: {  	(tag) =	ssettag $0x0;
	lr =	simm.s32 $0x1  }
0x2: {  	[smem:$0x3F9D] =	sst lr;
	_ =	strace $0xD0000000  }
0x3: {  	_ = 	snop  }
0x4: {  	_ = 	snop  }
0x5: {  	_ = 	snop  }
0x6: {  	_ = 	snop  }
0x7: {  	_ = 	snop  }
__scs_overlays_trampoline_lowered:
0x8: {  	[smem:$0x3FAC] =	sst s0  }
0x9: {  	[smem:$0x3FAD] =	sst s1  }
0xa: {  	[smem:$0x3FAE] =	sst s2  }
0xb: {  	[smem:$0x3FAF] =	sst s3  }
0xc: {  	[smem:$0x3FB0] =	sst s4  }
0xd: {  	[smem:$0x3FB1] =	sst s5  }
0xe: {  	[smem:$0x3FB2] =	sst s6  }
0xf: {  	[smem:$0x3FB3] =	sst s7  }
0x10: {  	[smem:$0x3FB4] =	sst s8  }
0x11: {  	[smem:$0x3FB5] =	sst s9;
	s0 =	simm.s32 @!p0 $0x0  }
0x12: {  	s1 =	sld [smem:$0x3F9B];
	s0 =	simm.s32 @p0 $0x1  }
0x13: {  	[smem:$0x3FB6] =	sst s0;
	s0 =	simm.s32 @!p1 $0x0  }
0x14: {  	s2 =	sld [smem:$0x3F9A];
	s0 =	simm.s32 @p1 $0x1  }
0x15: {  	[smem:$0x3FB7] =	sst s0;
	s0 =	simm.s32 @!p2 $0x0  }
0x16: {  	s3 =	sld [smem:$0x3FDB];
	s0 =	simm.s32 @p2 $0x1  }
0x17: {  	s4 =	simm.s32 $0x1BF5;
	[smem:$0x3FB9] =	sst s0  }
0x18: {  	s0 =	sld [smem:$0x3F9C];
	_ =	swait.ge [sflag:s4], $0x0  }
0x19: {  	s7 =	sld [smem:$0x3F9D]  }
0x1a: {  	s8 =	sadd.s32 $0xFFFFE003, lr  }
0x1b: {  	s9 =	sadd.s32 $0xFFFFFEF7, lr;
	s5 =	simm.s32 $0xFFFFFFFF;
	p2 =	slt.u32 s8, $0xFFFFF086  }
0x1c: {  	p1 =	slt.u32 s9, $0xF7A;
	s5 =	simm.s32 @!p2 $0x0  }
0x1d: {  	s5 =	simm.s32 @p1 $0x1;
	p0 =	seq.s32 s7, s2  }
0x1e: {  	s7 =	smul.u32 @!p0 $0xF7A, s2;
	p2 =	seq.s32 @!p0 s5, $0x0  }
0x1f: {  	s9 =	smul.u32 $0xF7A, s1;
	s8 =	simm.s32 @!p0 $0x1BF5;
	p2 =	por !p2, p0  }
0x20: {  	[sflag:s8] =	ssyncset.s32 @!p0 $0xFFFFF086;
	s6 =	sadd.s32 @!p0 s3, s7;
	s7 =	simm.s32 @!p0 $0x108  }
0x21: {  	s3 =	sadd.s32 s3, s9;
	s6 =	sadd.s32 @!p0 $0x88, s6;
	s7 =	simm.s32 @p2 $0x1082  }
0x22: {  	[simem:s7], [sflag:s8] =	dma.local @!p0 [hbm:s6], $0xF7A  }
0x23: {  	s9 =	sor.u32 $0xD0000000, s2;
	s6 =	simm.s32 $0x108;
	_ =	swait.ge @!p0 [sflag:s8], $0x0  }
0x24: {  	s3 =	sadd.s32 $0x88, s3;
	s6 =	simm.s32 @!p1 $0x1082;
	[sflag:s4] =	ssyncset.s32 $0xFFFFF086  }
0x25: {  	[simem:s6], [sflag:s4] =	dma.local [hbm:s3], $0xF7A  }
0x26: {  	[smem:$0x3F9D] =	sst s1;
	(tag) =	ssettag s2;
	_ =	strace s9  }
0x27: {  	s1 =	sld [smem:$0x3FAD]  }
0x28: {  	s2 =	sld [smem:$0x3FAE]  }
0x29: {  	s4 =	sld [smem:$0x3FB0]  }
0x2a: {  	p0 =	seq.s32 s5, $0x0;
	s5 =	sld [smem:$0x3FB1]  }
0x2b: {  	s6 =	sld [smem:$0x3FB2]  }
0x2c: {  	s7 =	sld [smem:$0x3FB3]  }
0x2d: {  	s3 =	simm.s32 $0x108;
	s8 =	sld [smem:$0x3FB4]  }
0x2e: {  	s3 =	simm.s32 @!p0 $0x1082;
	s9 =	sld [smem:$0x3FB5]  }
0x2f: {  	lr =	sadd.s32 s0, s3;
	s0 =	sld [smem:$0x3FAC]  }
0x30: {  	s3 =	sld [smem:$0x3FAF]  }
0x31: {  	[smem:$0x3FB8] =	sst s10  }
0x32: {  	s10 =	sld [smem:$0x3FB6];
	_ =	sdelay $0x3  }
0x33: {  	p0 =	seq.s32 s10, $0x1;
	s10 =	sld [smem:$0x3FB8];
	_ =	sdelay $0x3  }
0x34: {  	[smem:$0x3FB8] =	sst s10  }
0x35: {  	s10 =	sld [smem:$0x3FB7];
	_ =	sdelay $0x3  }
0x36: {  	p1 =	seq.s32 s10, $0x1;
	s10 =	sld [smem:$0x3FB8];
	_ =	sdelay $0x3  }
0x37: {  	[smem:$0x3FB8] =	sst s10  }
0x38: {  	s10 =	sld [smem:$0x3FB9]  }
0x39: {  	_ = 	snop;
	(pc) =	sbr.ind lr, $3  }
0x3a: {  	_ = 	snop  }
0x3b: {  	_ = 	snop  }
0x3c: {  	p2 =	seq.s32 s10, $0x1;
	s10 =	sld [smem:$0x3FB8]  }
0x3d: {  	_ =	shalt  }
0x3e: {  	_ =	shalt  }
0x3f: {  	_ =	shalt  }
0x40: {  	_ =	shalt  }
0x41: {  	_ =	shalt  }
0x42: {  	_ =	shalt  }
0x43: {  	_ =	shalt  }
0x44: {  	_ =	shalt  }
0x45: {  	_ =	shalt  }
0x46: {  	_ =	shalt  }
0x47: {  	_ =	shalt  }
0x48: {  	_ =	shalt  }
0x49: {  	_ =	shalt  }
0x4a: {  	_ =	shalt  }
0x4b: {  	_ =	shalt  }
0x4c: {  	_ =	shalt  }
0x4d: {  	_ =	shalt  }
0x4e: {  	_ =	shalt  }
0x4f: {  	_ =	shalt  }
0x50: {  	_ =	shalt  }
0x51: {  	_ =	shalt  }
0x52: {  	_ =	shalt  }
0x53: {  	_ =	shalt  }
0x54: {  	_ =	shalt  }
0x55: {  	_ =	shalt  }
0x56: {  	_ =	shalt  }
0x57: {  	_ =	shalt  }
0x58: {  	_ =	shalt  }
0x59: {  	_ =	shalt  }
0x5a: {  	_ =	shalt  }
0x5b: {  	_ =	shalt  }
0x5c: {  	_ =	shalt  }
0x5d: {  	_ =	shalt  }
0x5e: {  	_ =	shalt  }
0x5f: {  	_ =	shalt  }
0x60: {  	_ =	shalt  }
0x61: {  	_ =	shalt  }
0x62: {  	_ =	shalt  }
0x63: {  	_ =	shalt  }
0x64: {  	_ =	shalt  }
0x65: {  	_ =	shalt  }
0x66: {  	_ =	shalt  }
0x67: {  	_ =	shalt  }
0x68: {  	_ =	shalt  }
0x69: {  	_ =	shalt  }
0x6a: {  	_ =	shalt  }
0x6b: {  	_ =	shalt  }
0x6c: {  	_ =	shalt  }
0x6d: {  	_ =	shalt  }
0x6e: {  	_ =	shalt  }
0x6f: {  	_ =	shalt  }
0x70: {  	_ =	shalt  }
0x71: {  	_ =	shalt  }
0x72: {  	_ =	shalt  }
0x73: {  	_ =	shalt  }
0x74: {  	_ =	shalt  }
0x75: {  	_ =	shalt  }
0x76: {  	_ =	shalt  }
0x77: {  	_ =	shalt  }
0x78: {  	_ =	shalt  }
0x79: {  	_ =	shalt  }
0x7a: {  	_ =	shalt  }
0x7b: {  	_ =	shalt  }
0x7c: {  	_ =	shalt  }
0x7d: {  	_ =	shalt  }
0x7e: {  	_ =	shalt  }
0x7f: {  	_ =	shalt  }
0x80: {  	_ =	shalt  }
0x81: {  	_ =	shalt  }
0x82: {  	_ =	shalt  }
0x83: {  	_ =	shalt  }
0x84: {  	_ =	shalt  }
0x85: {  	_ =	shalt  }
0x86: {  	_ =	shalt  }
0x87: {  	_ =	shalt  }
.Lfunc_end0:
.L_simem_size_0:
called_computation.2_lowered:
.L_overlay_start_0:
0x88: {  	s2 =	sld [smem:$0x3FD9]  }
0x89: {  	s3 =	sld [smem:$0x3FFE];
	_ =	sdelay $0x1  }
0x8a: {  	s1 =	srdreg.scid  }
0x8b: {  	s0 =	sand.u32 $0x1, s1  }
0x8c: {  	s14 =	sshll.u32 s0, $0xA;
	s2 =	sadd.s32 s3, s2  }
0x8d: {  	s2 =	sadd.s32 s2, s14  }
0x8e: {  	[smem:$0x3FC4] =	sst s2  }
0x8f: {  	_ = 	snop  }
0x90: {  	s2 =	sld [smem:$0x3FD0];
	_ =	sdelay $0x2  }
0x91: {  	s15 =	simm.s32 $0xA;
	s4 =	simm.s32 $0x10  }
0x92: {  	[smem:s4], [sflag:s15] =	dma.local [hbm:s2], $0x1  }
0x93: {  	_ =	swait.eq [sflag:s15], $0x1  }
0x94: {  	[sflag:s15] =	ssyncset.done $0x0  }
0x95: {  	[sflag:s15] =	ssyncadd.s32 $0xFFFFFFFF  }
0x96: {  	s16 =	sld [smem:$0x14];
	(tm) =	ssettm $0x1  }
0x97: {  	s17 =	sld [smem:$0x3FFB];
	_ =	sdelay $0x3  }
0x98: {  	_ =	strace s17  }
0x99: {  	s3 =	sld [smem:$0x3FFC];
	_ =	sdelay $0x3  }
0x9a: {  	_ =	strace s3  }
0x9b: {  	s3 =	sld [smem:$0x3FFD];
	_ =	sdelay $0x3  }
0x9c: {  	_ =	strace s3  }
0x9d: {  	_ =	strace $0x8FFFFFFF  }
0x9e: {  	s18 =	sld [smem:$0x3FDB];
	_ =	sdelay $0x1  }
0x9f: {  	s19 =	simm.s32 $_scs_section_size  }
0xa0: {  	s5 =	simm.s32 $_size__tile_overlayer_lowered;
	s6 =	simm.s32 $_tile_overlayer_lowered  }
0xa1: {  	s22 =	simm.s32 $0x1BFF;
	s21 =	sshll.u32 s6, $0x1;
	s3 =	sadd.s32 s19, s18  }
0xa2: {  	s7 =	simm.s32 $0x0;
	s20 =	sshll.u32 s5, $0x1;
	s5 =	sadd.s32 s21, s3  }
0xa3: {  	[timem:s7], [sflag:s22] =	dma.local [hbm:s5], s20  }
0xa4: {  	_ =	swait.ge [sflag:s22], s20  }
0xa5: {  	s4 =	ssub.s32 $0x0, s20;
	[sflag:s22] =	ssyncset.done $0x0  }
0xa6: {  	[sflag:s22] =	ssyncadd.s32 s4;
	_ =	sdelay $0x1  }
0xa7: {  	s23 =	simm.s32 $0x1B8B  }
0xa8: {  	_ =	swait.ge [sflag:s23], $0x1  }
0xa9: {  	[sflag:s23] =	ssyncset.done $0x0  }
0xaa: {  	s25 =	simm.s32 $0x1B8E;
	s24 =	sld [smem:$0x3FFE];
	[sflag:s23] =	ssyncadd.s32 $0xFFFFFFFF  }
0xab: {  	s26 =	simm.s32 $execute0_lowered;
	[smem:$0x3FD2] =	sst s25  }
0xac: {  	s5 =	sshll.u32 s26, $0x1;
	_ =	strace $0x80000049;
	[dreg:$0x1] =	wrdreg $0xFFFFFFFF  }
0xad: {  	s28 =	simm.s32 $_size_execute0_lowered;
	s3 =	sadd.s32 s3, s5;
	[dreg:$0x0] =	wrdreg $0x0  }
0xae: {  	s5 =	sshll.u32 s28, $0x1;
	[dreg:$0x2] =	wrdreg s3  }
0xaf: {  	[dreg:$0x3] =	wrdreg s5  }
0xb0: {  	[dreg:$0x4] =	wrdreg $0xC0  }
0xb1: {  	_ =	task [dreg:s7], $0x5FFFF  }
0xb2: {  	[dreg:$0x1] =	wrdreg $0xFFFFFFFF  }
0xb3: {  	[dreg:$0x0] =	wrdreg $0x60  }
0xb4: {  	[dreg:$0x2] =	wrdreg s24  }
0xb5: {  	[dreg:$0x3] =	wrdreg s16  }
0xb6: {  	[dreg:$0x4] =	wrdreg $0x16F000  }
0xb7: {  	[dreg:$0x5] =	wrdreg $0x10B000  }
0xb8: {  	[dreg:$0x6] =	wrdreg $0x13D000  }
0xb9: {  	[dreg:$0x7] =	wrdreg $0xA7000  }
0xba: {  	[dreg:$0x8] =	wrdreg $0xD9000  }
0xbb: {  	[dreg:$0x9] =	wrdreg $0x9  }
0xbc: {  	_ =	task.clear_ibuf [dreg:s7], $0xAFFFF;
	_ =	strace $0x90000049  }
0xbd: {  	s29 =	simm.s32 $0x9;
	_ =	strace $0x8000004B  }
0xbe: {  	_ =	swait.ge [sflag:s29], $0x1  }
0xbf: {  	[sflag:s29] =	ssyncadd.s32 $0xFFFFFFFF  }
0xc0: {  	_ =	strace $0x9000004B  }
0xc1: {  	_ =	sfence  }
0xc2: {  	s30 =	sld [smem:$0x0];
	_ =	sdelay $0x2  }
0xc3: {  	s31 =	sshll.u32 s1, $0xD;
	s1 =	sshrl.u32 s1, $0x2  }
0xc4: {  	s3 =	sand.u32 $0x4000, s31;
	s1 =	sadd.s32 s1, s30  }
0xc5: {  	s0 =	sor.u32 s3, s0;
	s1 =	sshll.u32 s1, $0x11  }
0xc6: {  	s0 =	sor.u32 s1, s0  }
0xc7: {  	s0 =	sadd.s32 $0x8F2B, s0  }
0xc8: {  	[sflag:s0] =	ssyncadd.remote.s32 $0x1  }
0xc9: {  	_ =	sfence.sel $0xFFFF  }
0xca: {  	[dreg:$0x0] =	wrdreg $0xFFFFFFFF;
	(pc) =	sbr.abs _section_cstart, $3  }
0xcb: {  	[dreg:$0x1] =	wrdreg $0xFFFFFFFF  }
0xcc: {  	_ =	task.clear_ibuf [dreg:s7], $0x2FFFF;
	_ =	strace $0x9FFFFFFF  }
0xcd: {  	(tm) =	ssettm $0x7FFFFFFF  }
tec
execute0_lowered:
.L_overlay_start_1:
0x0: {  	(tag) =	ssettag $0x1  }
0x1: {  	s4 =	rddreg [dreg:$0x0]  }
0x2: {  	s3 =	rddreg [dreg:$0x1];
	s1 =	srdreg.scid  }
0x3: {  	s5 =	rddreg [dreg:$0x2];
	s1 =	sand.u32 $0x1, s1  }
0x4: {  	s8 =	rddreg [dreg:$0x3];
	p0 =	seq.s32 s1, $0x1  }
.Ltmp0:
0x5: {  	s7 =	rddreg [dreg:$0x4];
	(pc) =	sbr.rel @p0 .LBB2_36-.Ltmp0, $4  }
0x6: {  	s11 =	rddreg [dreg:$0x5]  }
0x7: {  	s2 =	rddreg [dreg:$0x6];
	s6 =	simm.s32 $0x0  }
0x8: {  	[smem:$0x7FF] =	sst s6  }
0x9: {  	s0 =	rddreg [dreg:$0x7];
	_ =	strace $0x8000004A;
	s1 =	stileid.u32  }
0xa: {  	s13 =	smul.u32 $0x3200, s1;
	s4 =	sadd.s32 $0x6200, s4;
	s9 =	sshll.u32 s1, $0x8  }
0xb: {  	s10 =	sshll.u32 s1, $0x7;
	s15 =	simm.s32 $0x1;
	s9 =	sand.u32 $0x800, s9  }
0xc: {  	s10 =	sand.u32 $0x380, s10;
	s14 =	sshrl.u32 s13, $0x3;
	s9 =	sadd.s32 s9, s5  }
0xd: {  	s12 =	sadd.s32 s13, s11;
	s4 =	sadd.s32 s4, s14;
	s3 =	sadd.s32 s3, s14  }
0xe: {  	[tilespmem:s6], [sflag:$0x1] =	stream.linear.gather [hbm4b:s4+s6], $0x3200, $0x38;
	[tilespmem:$0x17000] =	vst v63  }
0xf: {  	s14 =	simm.s32 $0x40;
	s6 =	sadd.s32 s10, s9;
	_ =	swait.ge [sflag:s15], $0x3200  }
0x10: {  	v0 =	vlaneseq.u32;
	s10 =	sadd.s32 s13, s8;
	s9 =	sadd.s32 s13, s7;
	[sflag:s15] =	ssyncset.done $0x0  }
0x11: {  	v1 =	vor.u32 s13, v0;
	s4 =	sadd.s32 s13, s2;
	[sflag:s15] =	ssyncadd.s32 $0xFFFFCE00;
	s15 =	simm.s32 $0x0  }
.LBB2_2:
0x12: {  	p0 =	sne.s32 s14, $0xC7C0  }
0x13: {  	[tilespmem:s15+$0x3200] =	vst v1;
	s13 =	sadd.s32 $0x10, s13;
	s15 =	smov.u32 s14;
	s14 =	sadd.s32 $0x40, s14  }
.Ltmp1:
0x14: {  	(pc) =	sbr.rel @p0 .LBB2_2-.Ltmp1, $2  }
0x15: {  	_ =	sdelay $0x2  }
0x16: {  	v1 =	vor.u32 s13, v0;
	s15 =	sshra.s32 s15, $0x2  }
0x17: {  	[tilespmem:s15+$0x3200] =	vst v1;
	v0 =	vimm.s32 $0x0  }
0x18: {  	[tilespmem:$0x9600] =	vst v0  }
0x19: {  	[tilespmem:$0x9610] =	vst v0  }
0x1a: {  	[tilespmem:$0x9620] =	vst v0  }
0x1b: {  	[tilespmem:$0x9630] =	vst v0  }
0x1c: {  	[tilespmem:$0x9640] =	vst v0  }
0x1d: {  	[tilespmem:$0x9650] =	vst v0  }
0x1e: {  	[tilespmem:$0x9660] =	vst v0  }
0x1f: {  	[tilespmem:$0x9670] =	vst v0  }
0x20: {  	[tilespmem:$0x9680] =	vst v0  }
0x21: {  	[tilespmem:$0x9690] =	vst v0  }
0x22: {  	[tilespmem:$0x96A0] =	vst v0  }
0x23: {  	[tilespmem:$0x96B0] =	vst v0  }
0x24: {  	[tilespmem:$0x96C0] =	vst v0  }
0x25: {  	[tilespmem:$0x96D0] =	vst v0  }
0x26: {  	[tilespmem:$0x96E0] =	vst v0  }
0x27: {  	s13 =	simm.s32 $0x9600;
	s15 =	simm.s32 $0x0;
	s14 =	simm.s32 $0x40;
	[tilespmem:$0x96F0] =	vst v0  }
.LBB2_4:
0x28: {  	p0 =	sne.s32 s14, $0xC7C0;
	v0 =	vld [tilespmem:s15+$0x0];
	_ =	sdelay $0x4  }
0x29: {  	v0 =	vand.u32 $0xFF, v0  }
0x2a: {  	(xrf1) =	vunique.msk.u32 $0xffff, v0;
	_ =	sdelay $0xc  }
0x2b: {  	v1 =	vld.idx.msk [tilespmem:v0+s13+$0x0], $0xffff  }
0x2c: {  	_, v2, vm0 =	vpop (xrf1);
	_ =	sdelay $0x1  }
.Ltmp2:
0x2d: {  	(pc) =	sbr.rel @p0 .LBB2_4-.Ltmp2, $3  }
0x2e: {  	_ =	sdelay $0x1  }
0x2f: {  	v1 =	vadd.s32 v1, v2  }
0x30: {  	s15 =	sshra.s32 s14, $0x2;
	s14 =	sadd.s32 $0x40, s14;
	[tilespmem:v0+s13+$0x0] =	vst.idx.msk vm0, v1  }
0x31: {  	v0 =	vld [tilespmem:s15+$0x0];
	_ =	sdelay $0x4  }
0x32: {  	v0 =	vand.u32 $0xFF, v0  }
0x33: {  	(xrf1) =	vunique.msk.u32 $0xffff, v0;
	_ =	sdelay $0xd  }
0x34: {  	v1 =	vld.idx.msk [tilespmem:v0+s13+$0x0], $0xffff;
	_, v2, vm0 =	vpop (xrf1);
	_ =	sdelay $0x4  }
0x35: {  	s28 =	simm.s32 $0x80;
	v1 =	vadd.s32 v1, v2  }
0x36: {  	s14 =	simm.s32 $0x400;
	s29 =	simm.s32 $0x9600;
	s30 =	simm.s32 $0x1;
	[tilespmem:v0+s13+$0x0] =	vst.idx.msk vm0, v1  }
0x37: {  	[spmem:s6] =	stream.strided.scatter [tilespmem:s29], [sflag:$0x1], $0x100, s14, s28, $0x38;
	[tilespmem:$0x17000] =	vst v63  }
0x38: {  	_ =	swait.ge [sflag:s30], $0x100  }
0x39: {  	[sflag:s30] =	ssyncset.done $0x0  }
0x3a: {  	[sflag:s30] =	ssyncadd.s32 $0xFFFFFF00  }
0x3b: {  	s31 =	simm.s32 $0x9700;
	[bflag:$0x0] =	sbarrier.arrive $0xFFFF  }
0x3c: {  	[tilespmem:s31], [sflag:$0x1] =	stream.linear.gather [spmem:s5], $0x1000, $0x38;
	[tilespmem:$0x17000] =	vst v63  }
0x3d: {  	_ =	swait.ge [sflag:s30], $0x1000  }
0x3e: {  	s15 =	simm.s32 $0x0;
	[sflag:s30] =	ssyncset.done $0x0  }
0x3f: {  	s13 =	simm.s32 $0x0;
	s14 =	simm.s32 $0x0;
	[sflag:s30] =	ssyncadd.s32 $0xFFFFF000  }
.LBB2_6:
0x40: {  	s16 =	sshll.u32 s15, $0x4  }
0x41: {  	s17 =	sand.u32 $0x70, s16  }
0x42: {  	s18 =	sshll.u32 s15, $0x7;
	v0 =	vmov s17  }
0x43: {  	s30 =	sand.u32 $0x400, s18  }
0x44: {  	s31 =	sand.u32 $0x800, s13;
	s17 =	sadd.s32 $0x9700, s30  }
0x45: {  	s19 =	sand.u32 $0x380, s13;
	s20 =	sadd.s32 s31, s17  }
0x46: {  	s21 =	simm.s32 $0x0;
	s19 =	sadd.s32 s19, s20  }
0x47: {  	v3 =	vimm.s32 $0x0;
	v2 =	vimm.s32 $0x0;
	s18 =	simm.s32 $0x1;
	s20 =	simm.s32 $0x100;
	v1 =	vld.idx.msk [tilespmem:v0+s19+$0x0 ss:$0x1], $0xffff;
	s19 =	simm.s32 $0x80  }
.LBB2_7:
0x48: {  	s22 =	sand.u32 $0x800, s20  }
0x49: {  	p0 =	sne.s32 s18, $0xF;
	s23 =	smov.u32 s18;
	s18 =	sadd.s32 $0x1, s18  }
0x4a: {  	s24 =	sand.u32 $0x380, s19;
	p1 =	slt.u32 s21, s1;
	s22 =	sadd.s32 s22, s17  }
.Ltmp3:
0x4b: {  	s22 =	sadd.s32 s24, s22;
	s24 =	simm.s32 $0x1;
	(pc) =	sbr.rel @p0 .LBB2_7-.Ltmp3, $3  }
0x4c: {  	s21 =	smov.u32 s23;
	s24 =	simm.s32 @!p1 $0x0  }
0x4d: {  	v3 =	vadd.s32 v3, v1;
	v4 =	vmul.u32 s24, v1;
	v1 =	vld.idx.msk [tilespmem:v0+s22+$0x0 ss:$0x1], $0xffff;
	_ =	sdelay $0x1  }
0x4e: {  	s19 =	sadd.s32 $0x80, s19;
	s20 =	sadd.s32 $0x100, s20;
	v2 =	vadd.s32 v2, v4  }
0x4f: {  	_ =	sdelay $0x1  }
0x50: {  	v0 =	vadd.s32 v3, v1  }
0x51: {  	(xrf0) =	vadd.scan.msk.s32 $0xffff, v0;
	_ =	sdelay $0x5  }
0x52: {  	v62, _, _ =	vpop (xrf0)  }
0x53: {  	(v2sf) =	vpush v62, $0xF;
	_ =	sdelay $0x8  }
0x54: {  	p0 =	slt.u32 s21, s1;
	s17 =	simm.s32 $0x1  }
0x55: {  	s15 =	sadd.s32 $0x1, s15;
	s17 =	simm.s32 @!p0 $0x0  }
0x56: {  	p0 =	sne.s32 s15, $0x10;
	v63 =	vmul.u32 s17, v1  }
.Ltmp4:
0x57: {  	_ = 	snop;
	(pc) =	sbr.rel @p0 .LBB2_6-.Ltmp4, $4  }
0x58: {  	v0 =	vsub.s32 s14, v0;
	v1 =	vadd.s32 v2, v63  }
0x59: {  	v0 =	vadd.s32 v1, v0  }
0x5a: {  	v0 =	vadd.s32 v62, v0;
	s31 =	spop (v2sf)  }
0x5b: {  	[tilespmem:s16+$0x9600] =	vst v0;
	s14 =	sadd.s32 s14, s31  }
0x5c: {  	s16 =	simm.s32 $0x0  }
0x5d: {  	v0 =	vld [tilespmem:s16+$0x0];
	_ =	sdelay $0x4  }
0x5e: {  	v0 =	vand.u32 $0xFF, v0  }
0x5f: {  	(xrf1) =	vunique.msk.u32 $0xffff, v0;
	_ =	sdelay $0x9  }
0x60: {  	s13 =	simm.s32 $0x9600  }
0x61: {  	v1 =	vld.idx.msk [tilespmem:v0+s13+$0x0], $0xffff;
	_ =	sdelay $0x2  }
0x62: {  	_, v2, vm0 =	vpop (xrf1);
	_ =	sdelay $0x1  }
0x63: {  	v1 =	vadd.s32 v1, v2  }
0x64: {  	v2 =	vadd.s32 $0xFFFFFFFF, v1  }
0x65: {  	s14 =	simm.s32 $0x40;
	s15 =	simm.s32 $0x80;
	[tilespmem:s16+$0x6400] =	vst v2  }
.LBB2_10:
0x66: {  	p0 =	sne.s32 s15, $0xC7C0  }
0x67: {  	s16 =	sshra.s32 s14, $0x2;
	[tilespmem:v0+s13+$0x0] =	vst.idx.msk vm0, v1;
	s14 =	smov.u32 s15;
	s15 =	sadd.s32 $0x40, s15  }
0x68: {  	v0 =	vld [tilespmem:s16+$0x0];
	_ =	sdelay $0x4  }
0x69: {  	v0 =	vand.u32 $0xFF, v0  }
0x6a: {  	(xrf1) =	vunique.msk.u32 $0xffff, v0;
	_ =	sdelay $0xa  }
0x6b: {  	v1 =	vld.idx.msk [tilespmem:v0+s13+$0x0], $0xffff;
	_ =	sdelay $0x2  }
0x6c: {  	_, v2, vm0 =	vpop (xrf1)  }
.Ltmp5:
0x6d: {  	(pc) =	sbr.rel @p0 .LBB2_10-.Ltmp5, $4  }
0x6e: {  	_ = 	snop  }
0x6f: {  	v1 =	vadd.s32 v1, v2  }
0x70: {  	v2 =	vadd.s32 $0xFFFFFFFF, v1  }
0x71: {  	[tilespmem:s16+$0x6400] =	vst v2  }
0x72: {  	_ =	sdelay $0x4  }
0x73: {  	s14 =	sshra.s32 s14, $0x2;
	[tilespmem:v0+s13+$0x0] =	vst.idx.msk vm0, v1  }
0x74: {  	v0 =	vld [tilespmem:s14+$0x0];
	_ =	sdelay $0x4  }
0x75: {  	v0 =	vand.u32 $0xFF, v0  }
0x76: {  	(xrf1) =	vunique.msk.u32 $0xffff, v0;
	_ =	sdelay $0xb  }
0x77: {  	v1 =	vld.idx.msk [tilespmem:v0+s13+$0x0], $0xffff;
	_ =	sdelay $0x1  }
0x78: {  	_, v2, vm15 =	vpop (xrf1);
	_ =	sdelay $0x2  }
0x79: {  	v1 =	vadd.s32 v1, v2  }
0x7a: {  	v2 =	vadd.s32 $0xFFFFFFFF, v1  }
0x7b: {  	s30 =	simm.s32 $0x3200;
	[tilespmem:s14+$0x6400] =	vst v2  }
0x7c: {  	s31 =	simm.s32 $0x6400;
	s15 =	simm.s32 $0x0;
	s16 =	simm.s32 $0x1;
	[tilespmem:v0+s13+$0x0] =	vst.idx.msk vm15, v1  }
0x7d: {  	[spmem:s8] =	stream.indirect.scatter [tilespmem:s15], [sflag:$0x1], $0x1, s31, s30, $0xb8;
	[tilespmem:$0x17000] =	vst v63  }
0x7e: {  	_ =	swait.ge [sflag:s16], $0x3200  }
0x7f: {  	[sflag:s16] =	ssyncset.done $0x0  }
0x80: {  	[sflag:s16] =	ssyncadd.s32 $0xFFFFCE00  }
0x81: {  	[spmem:s7] =	stream.indirect.scatter [tilespmem:s30], [sflag:$0x1], $0x1, s31, s30, $0xb8;
	[tilespmem:$0x17000] =	vst v63  }
0x82: {  	_ =	swait.ge [sflag:s16], $0x3200  }
0x83: {  	[sflag:s16] =	ssyncset.done $0x0  }
0x84: {  	[sflag:s16] =	ssyncadd.s32 $0xFFFFCE00  }
0x85: {  	[bflag:$0x0] =	sbarrier.arrive $0xFFFF  }
0x86: {  	[tilespmem:s15], [sflag:$0x1] =	stream.linear.gather [spmem:s10], $0x3200, $0x38;
	[tilespmem:$0x17000] =	vst v63  }
0x87: {  	_ =	swait.ge [sflag:s16], $0x3200  }
0x88: {  	[sflag:s16] =	ssyncset.done $0x0  }
0x89: {  	[sflag:s16] =	ssyncadd.s32 $0xFFFFCE00  }
0x8a: {  	[tilespmem:s30], [sflag:$0x1] =	stream.linear.gather [spmem:s9], $0x3200, $0x38;
	[tilespmem:$0x17000] =	vst v63  }
0x8b: {  	_ =	swait.ge [sflag:s16], $0x3200  }
0x8c: {  	[sflag:s16] =	ssyncset.done $0x0  }
0x8d: {  	v63 =	vimm.s32 $0x0;
	[sflag:s16] =	ssyncadd.s32 $0xFFFFCE00  }
0x8e: {  	[tilespmem:$0x9600] =	vst v63  }
0x8f: {  	[tilespmem:$0x9610] =	vst v63  }
0x90: {  	[tilespmem:$0x9620] =	vst v63  }
0x91: {  	[tilespmem:$0x9630] =	vst v63  }
0x92: {  	[tilespmem:$0x9640] =	vst v63  }
0x93: {  	[tilespmem:$0x9650] =	vst v63  }
0x94: {  	[tilespmem:$0x9660] =	vst v63  }
0x95: {  	[tilespmem:$0x9670] =	vst v63  }
0x96: {  	[tilespmem:$0x9680] =	vst v63  }
0x97: {  	[tilespmem:$0x9690] =	vst v63  }
0x98: {  	[tilespmem:$0x96A0] =	vst v63  }
0x99: {  	[tilespmem:$0x96B0] =	vst v63  }
0x9a: {  	[tilespmem:$0x96C0] =	vst v63  }
0x9b: {  	[tilespmem:$0x96D0] =	vst v63  }
0x9c: {  	[tilespmem:$0x96E0] =	vst v63  }
0x9d: {  	s14 =	simm.s32 $0x40;
	s13 =	simm.s32 $0x9600;
	s15 =	simm.s32 $0x0;
	[tilespmem:$0x96F0] =	vst v63  }
.LBB2_12:
0x9e: {  	p0 =	sne.s32 s14, $0xC7C0;
	v0 =	vld [tilespmem:s15+$0x0];
	_ =	sdelay $0x4  }
0x9f: {  	v0 =	vshrl.u32 v0, $0x8  }
0xa0: {  	v0 =	vand.u32 $0xFF, v0  }
0xa1: {  	(xrf1) =	vunique.msk.u32 $0xffff, v0;
	_ =	sdelay $0xc  }
0xa2: {  	v1 =	vld.idx.msk [tilespmem:v0+s13+$0x0], $0xffff  }
0xa3: {  	_, v2, vm0 =	vpop (xrf1);
	_ =	sdelay $0x1  }
.Ltmp6:
0xa4: {  	(pc) =	sbr.rel @p0 .LBB2_12-.Ltmp6, $3  }
0xa5: {  	_ =	sdelay $0x1  }
0xa6: {  	v1 =	vadd.s32 v1, v2  }
0xa7: {  	s15 =	sshra.s32 s14, $0x2;
	s14 =	sadd.s32 $0x40, s14;
	[tilespmem:v0+s13+$0x0] =	vst.idx.msk vm0, v1  }
0xa8: {  	v0 =	vld [tilespmem:s15+$0x0];
	_ =	sdelay $0x4  }
0xa9: {  	v0 =	vshrl.u32 v0, $0x8  }
0xaa: {  	v0 =	vand.u32 $0xFF, v0  }
0xab: {  	(xrf1) =	vunique.msk.u32 $0xffff, v0;
	_ =	sdelay $0xd  }
0xac: {  	v1 =	vld.idx.msk [tilespmem:v0+s13+$0x0], $0xffff;
	_, v2, vm0 =	vpop (xrf1);
	_ =	sdelay $0x4  }
0xad: {  	s28 =	simm.s32 $0x80;
	v1 =	vadd.s32 v1, v2  }
0xae: {  	s14 =	simm.s32 $0x400;
	s29 =	simm.s32 $0x9600;
	s30 =	simm.s32 $0x1;
	[tilespmem:v0+s13+$0x0] =	vst.idx.msk vm0, v1  }
0xaf: {  	[spmem:s6] =	stream.strided.scatter [tilespmem:s29], [sflag:$0x1], $0x100, s14, s28, $0x38;
	[tilespmem:$0x17000] =	vst v63  }
0xb0: {  	_ =	swait.ge [sflag:s30], $0x100  }
0xb1: {  	[sflag:s30] =	ssyncset.done $0x0  }
0xb2: {  	[sflag:s30] =	ssyncadd.s32 $0xFFFFFF00  }
0xb3: {  	s31 =	simm.s32 $0x9700;
	[bflag:$0x0] =	sbarrier.arrive $0xFFFF  }
0xb4: {  	[tilespmem:s31], [sflag:$0x1] =	stream.linear.gather [spmem:s5], $0x1000, $0x38;
	[tilespmem:$0x17000] =	vst v63  }
0xb5: {  	_ =	swait.ge [sflag:s30], $0x1000  }
0xb6: {  	s15 =	simm.s32 $0x0;
	[sflag:s30] =	ssyncset.done $0x0  }
0xb7: {  	s13 =	simm.s32 $0x0;
	s14 =	simm.s32 $0x0;
	[sflag:s30] =	ssyncadd.s32 $0xFFFFF000  }
.LBB2_14:
0xb8: {  	s16 =	sshll.u32 s15, $0x4  }
0xb9: {  	s17 =	sand.u32 $0x70, s16  }
0xba: {  	s18 =	sshll.u32 s15, $0x7;
	v0 =	vmov s17  }
0xbb: {  	s30 =	sand.u32 $0x400, s18  }
0xbc: {  	s31 =	sand.u32 $0x800, s13;
	s17 =	sadd.s32 $0x9700, s30  }
0xbd: {  	s19 =	sand.u32 $0x380, s13;
	s20 =	sadd.s32 s31, s17  }
0xbe: {  	s21 =	simm.s32 $0x0;
	s19 =	sadd.s32 s19, s20  }
0xbf: {  	v3 =	vimm.s32 $0x0;
	v2 =	vimm.s32 $0x0;
	s18 =	simm.s32 $0x1;
	s20 =	simm.s32 $0x100;
	v1 =	vld.idx.msk [tilespmem:v0+s19+$0x0 ss:$0x1], $0xffff;
	s19 =	simm.s32 $0x80  }
.LBB2_15:
0xc0: {  	s22 =	sand.u32 $0x800, s20  }
0xc1: {  	p0 =	sne.s32 s18, $0xF;
	s23 =	smov.u32 s18;
	s18 =	sadd.s32 $0x1, s18  }
0xc2: {  	s24 =	sand.u32 $0x380, s19;
	p1 =	slt.u32 s21, s1;
	s22 =	sadd.s32 s22, s17  }
.Ltmp7:
0xc3: {  	s22 =	sadd.s32 s24, s22;
	s24 =	simm.s32 $0x1;
	(pc) =	sbr.rel @p0 .LBB2_15-.Ltmp7, $3  }
0xc4: {  	s21 =	smov.u32 s23;
	s24 =	simm.s32 @!p1 $0x0  }
0xc5: {  	v3 =	vadd.s32 v3, v1;
	v4 =	vmul.u32 s24, v1;
	v1 =	vld.idx.msk [tilespmem:v0+s22+$0x0 ss:$0x1], $0xffff;
	_ =	sdelay $0x1  }
0xc6: {  	s19 =	sadd.s32 $0x80, s19;
	s20 =	sadd.s32 $0x100, s20;
	v2 =	vadd.s32 v2, v4  }
0xc7: {  	_ =	sdelay $0x1  }
0xc8: {  	v0 =	vadd.s32 v3, v1  }
0xc9: {  	(xrf0) =	vadd.scan.msk.s32 $0xffff, v0;
	_ =	sdelay $0x5  }
0xca: {  	v62, _, _ =	vpop (xrf0)  }
0xcb: {  	(v2sf) =	vpush v62, $0xF;
	_ =	sdelay $0x8  }
0xcc: {  	p0 =	slt.u32 s21, s1;
	s17 =	simm.s32 $0x1  }
0xcd: {  	s15 =	sadd.s32 $0x1, s15;
	s17 =	simm.s32 @!p0 $0x0  }
0xce: {  	p0 =	sne.s32 s15, $0x10;
	v63 =	vmul.u32 s17, v1  }
.Ltmp8:
0xcf: {  	_ = 	snop;
	(pc) =	sbr.rel @p0 .LBB2_14-.Ltmp8, $4  }
0xd0: {  	v0 =	vsub.s32 s14, v0;
	v1 =	vadd.s32 v2, v63  }
0xd1: {  	v0 =	vadd.s32 v1, v0  }
0xd2: {  	v0 =	vadd.s32 v62, v0;
	s31 =	spop (v2sf)  }
0xd3: {  	[tilespmem:s16+$0x9600] =	vst v0;
	s14 =	sadd.s32 s14, s31  }
0xd4: {  	s16 =	simm.s32 $0x0  }
0xd5: {  	v0 =	vld [tilespmem:s16+$0x0];
	_ =	sdelay $0x4  }
0xd6: {  	v0 =	vshrl.u32 v0, $0x8  }
0xd7: {  	v0 =	vand.u32 $0xFF, v0  }
0xd8: {  	(xrf1) =	vunique.msk.u32 $0xffff, v0;
	_ =	sdelay $0x9  }
0xd9: {  	s13 =	simm.s32 $0x9600  }
0xda: {  	v1 =	vld.idx.msk [tilespmem:v0+s13+$0x0], $0xffff;
	_ =	sdelay $0x2  }
0xdb: {  	_, v2, vm0 =	vpop (xrf1);
	_ =	sdelay $0x1  }
0xdc: {  	v1 =	vadd.s32 v1, v2  }
0xdd: {  	v2 =	vadd.s32 $0xFFFFFFFF, v1  }
0xde: {  	s14 =	simm.s32 $0x40;
	s15 =	simm.s32 $0x80;
	[tilespmem:s16+$0x6400] =	vst v2  }
.LBB2_18:
0xdf: {  	p0 =	sne.s32 s15, $0xC7C0  }
0xe0: {  	s16 =	sshra.s32 s14, $0x2;
	[tilespmem:v0+s13+$0x0] =	vst.idx.msk vm0, v1;
	s14 =	smov.u32 s15;
	s15 =	sadd.s32 $0x40, s15  }
0xe1: {  	v0 =	vld [tilespmem:s16+$0x0];
	_ =	sdelay $0x4  }
0xe2: {  	v0 =	vshrl.u32 v0, $0x8  }
0xe3: {  	v0 =	vand.u32 $0xFF, v0  }
0xe4: {  	(xrf1) =	vunique.msk.u32 $0xffff, v0;
	_ =	sdelay $0xa  }
0xe5: {  	v1 =	vld.idx.msk [tilespmem:v0+s13+$0x0], $0xffff;
	_ =	sdelay $0x2  }
0xe6: {  	_, v2, vm0 =	vpop (xrf1)  }
.Ltmp9:
0xe7: {  	(pc) =	sbr.rel @p0 .LBB2_18-.Ltmp9, $4  }
0xe8: {  	_ = 	snop  }
0xe9: {  	v1 =	vadd.s32 v1, v2  }
0xea: {  	v2 =	vadd.s32 $0xFFFFFFFF, v1  }
0xeb: {  	[tilespmem:s16+$0x6400] =	vst v2  }
0xec: {  	_ =	sdelay $0x4  }
0xed: {  	s14 =	sshra.s32 s14, $0x2;
	[tilespmem:v0+s13+$0x0] =	vst.idx.msk vm0, v1  }
0xee: {  	v0 =	vld [tilespmem:s14+$0x0];
	_ =	sdelay $0x4  }
0xef: {  	v0 =	vshrl.u32 v0, $0x8  }
0xf0: {  	v0 =	vand.u32 $0xFF, v0  }
0xf1: {  	(xrf1) =	vunique.msk.u32 $0xffff, v0;
	_ =	sdelay $0xb  }
0xf2: {  	v1 =	vld.idx.msk [tilespmem:v0+s13+$0x0], $0xffff;
	_ =	sdelay $0x1  }
0xf3: {  	_, v2, vm15 =	vpop (xrf1);
	_ =	sdelay $0x2  }
0xf4: {  	v1 =	vadd.s32 v1, v2  }
0xf5: {  	v2 =	vadd.s32 $0xFFFFFFFF, v1  }
0xf6: {  	s29 =	simm.s32 $0x3200;
	[tilespmem:s14+$0x6400] =	vst v2  }
0xf7: {  	s30 =	simm.s32 $0x6400;
	s15 =	simm.s32 $0x0;
	s31 =	simm.s32 $0x1;
	[tilespmem:v0+s13+$0x0] =	vst.idx.msk vm15, v1  }
0xf8: {  	[spmem:s11] =	stream.indirect.scatter [tilespmem:s15], [sflag:$0x1], $0x1, s30, s29, $0xb8;
	[tilespmem:$0x17000] =	vst v63  }
0xf9: {  	_ =	swait.ge [sflag:s31], $0x3200  }
0xfa: {  	[sflag:s31] =	ssyncset.done $0x0  }
0xfb: {  	[sflag:s31] =	ssyncadd.s32 $0xFFFFCE00  }
0xfc: {  	[spmem:s2] =	stream.indirect.scatter [tilespmem:s29], [sflag:$0x1], $0x1, s30, s29, $0xb8;
	[tilespmem:$0x17000] =	vst v63  }
0xfd: {  	_ =	swait.ge [sflag:s31], $0x3200  }
0xfe: {  	[sflag:s31] =	ssyncset.done $0x0  }
0xff: {  	[sflag:s31] =	ssyncadd.s32 $0xFFFFCE00  }
0x100: {  	[bflag:$0x0] =	sbarrier.arrive $0xFFFF  }
0x101: {  	[tilespmem:s15], [sflag:$0x1] =	stream.linear.gather [spmem:s12], $0x3200, $0x38;
	[tilespmem:$0x17000] =	vst v63  }
0x102: {  	_ =	swait.ge [sflag:s31], $0x3200  }
0x103: {  	[sflag:s31] =	ssyncset.done $0x0  }
0x104: {  	[sflag:s31] =	ssyncadd.s32 $0xFFFFCE00  }
0x105: {  	[tilespmem:s29], [sflag:$0x1] =	stream.linear.gather [spmem:s4], $0x3200, $0x38;
	[tilespmem:$0x17000] =	vst v63  }
0x106: {  	_ =	swait.ge [sflag:s31], $0x3200  }
0x107: {  	[sflag:s31] =	ssyncset.done $0x0  }
0x108: {  	v63 =	vimm.s32 $0x0;
	[sflag:s31] =	ssyncadd.s32 $0xFFFFCE00  }
0x109: {  	[tilespmem:$0x9600] =	vst v63  }
0x10a: {  	[tilespmem:$0x9610] =	vst v63  }
0x10b: {  	[tilespmem:$0x9620] =	vst v63  }
0x10c: {  	[tilespmem:$0x9630] =	vst v63  }
0x10d: {  	[tilespmem:$0x9640] =	vst v63  }
0x10e: {  	[tilespmem:$0x9650] =	vst v63  }
0x10f: {  	[tilespmem:$0x9660] =	vst v63  }
0x110: {  	[tilespmem:$0x9670] =	vst v63  }
0x111: {  	[tilespmem:$0x9680] =	vst v63  }
0x112: {  	[tilespmem:$0x9690] =	vst v63  }
0x113: {  	[tilespmem:$0x96A0] =	vst v63  }
0x114: {  	[tilespmem:$0x96B0] =	vst v63  }
0x115: {  	[tilespmem:$0x96C0] =	vst v63  }
0x116: {  	[tilespmem:$0x96D0] =	vst v63  }
0x117: {  	[tilespmem:$0x96E0] =	vst v63  }
0x118: {  	s13 =	simm.s32 $0x0;
	s11 =	simm.s32 $0x9600;
	s12 =	simm.s32 $0x40;
	[tilespmem:$0x96F0] =	vst v63  }
.LBB2_20:
0x119: {  	p0 =	sne.s32 s12, $0xC7C0;
	v0 =	vld [tilespmem:s13+$0x0];
	_ =	sdelay $0x4  }
0x11a: {  	v0 =	vshrl.u32 v0, $0x10  }
0x11b: {  	v0 =	vand.u32 $0xFF, v0  }
0x11c: {  	(xrf1) =	vunique.msk.u32 $0xffff, v0;
	_ =	sdelay $0xc  }
0x11d: {  	v1 =	vld.idx.msk [tilespmem:v0+s11+$0x0], $0xffff  }
0x11e: {  	_, v2, vm0 =	vpop (xrf1);
	_ =	sdelay $0x1  }
.Ltmp10:
0x11f: {  	(pc) =	sbr.rel @p0 .LBB2_20-.Ltmp10, $3  }
0x120: {  	_ =	sdelay $0x1  }
0x121: {  	v1 =	vadd.s32 v1, v2  }
0x122: {  	s13 =	sshra.s32 s12, $0x2;
	s12 =	sadd.s32 $0x40, s12;
	[tilespmem:v0+s11+$0x0] =	vst.idx.msk vm0, v1  }
0x123: {  	v0 =	vld [tilespmem:s13+$0x0];
	_ =	sdelay $0x4  }
0x124: {  	v0 =	vshrl.u32 v0, $0x10  }
0x125: {  	v0 =	vand.u32 $0xFF, v0  }
0x126: {  	(xrf1) =	vunique.msk.u32 $0xffff, v0;
	_ =	sdelay $0xd  }
0x127: {  	v1 =	vld.idx.msk [tilespmem:v0+s11+$0x0], $0xffff;
	_, v2, vm0 =	vpop (xrf1);
	_ =	sdelay $0x4  }
0x128: {  	s28 =	simm.s32 $0x80;
	v1 =	vadd.s32 v1, v2  }
0x129: {  	s12 =	simm.s32 $0x400;
	s29 =	simm.s32 $0x9600;
	s30 =	simm.s32 $0x1;
	[tilespmem:v0+s11+$0x0] =	vst.idx.msk vm0, v1  }
0x12a: {  	[spmem:s6] =	stream.strided.scatter [tilespmem:s29], [sflag:$0x1], $0x100, s12, s28, $0x38;
	[tilespmem:$0x17000] =	vst v63  }
0x12b: {  	_ =	swait.ge [sflag:s30], $0x100  }
0x12c: {  	[sflag:s30] =	ssyncset.done $0x0  }
0x12d: {  	[sflag:s30] =	ssyncadd.s32 $0xFFFFFF00  }
0x12e: {  	s31 =	simm.s32 $0x9700;
	[bflag:$0x0] =	sbarrier.arrive $0xFFFF  }
0x12f: {  	[tilespmem:s31], [sflag:$0x1] =	stream.linear.gather [spmem:s5], $0x1000, $0x38;
	[tilespmem:$0x17000] =	vst v63  }
0x130: {  	_ =	swait.ge [sflag:s30], $0x1000  }
0x131: {  	s13 =	simm.s32 $0x0;
	[sflag:s30] =	ssyncset.done $0x0  }
0x132: {  	s11 =	simm.s32 $0x0;
	s12 =	simm.s32 $0x0;
	[sflag:s30] =	ssyncadd.s32 $0xFFFFF000  }
.LBB2_22:
0x133: {  	s14 =	sshll.u32 s13, $0x4  }
0x134: {  	s15 =	sand.u32 $0x70, s14  }
0x135: {  	s16 =	sshll.u32 s13, $0x7;
	v0 =	vmov s15  }
0x136: {  	s30 =	sand.u32 $0x400, s16  }
0x137: {  	s31 =	sand.u32 $0x800, s11;
	s15 =	sadd.s32 $0x9700, s30  }
0x138: {  	s17 =	sand.u32 $0x380, s11;
	s18 =	sadd.s32 s31, s15  }
0x139: {  	s19 =	simm.s32 $0x0;
	s17 =	sadd.s32 s17, s18  }
0x13a: {  	v3 =	vimm.s32 $0x0;
	v2 =	vimm.s32 $0x0;
	s16 =	simm.s32 $0x1;
	s18 =	simm.s32 $0x100;
	v1 =	vld.idx.msk [tilespmem:v0+s17+$0x0 ss:$0x1], $0xffff;
	s17 =	simm.s32 $0x80  }
.LBB2_23:
0x13b: {  	s20 =	sand.u32 $0x800, s18  }
0x13c: {  	p0 =	sne.s32 s16, $0xF;
	s21 =	smov.u32 s16;
	s16 =	sadd.s32 $0x1, s16  }
0x13d: {  	s22 =	sand.u32 $0x380, s17;
	p1 =	slt.u32 s19, s1;
	s20 =	sadd.s32 s20, s15  }
.Ltmp11:
0x13e: {  	s20 =	sadd.s32 s22, s20;
	s22 =	simm.s32 $0x1;
	(pc) =	sbr.rel @p0 .LBB2_23-.Ltmp11, $3  }
0x13f: {  	s19 =	smov.u32 s21;
	s22 =	simm.s32 @!p1 $0x0  }
0x140: {  	v3 =	vadd.s32 v3, v1;
	v4 =	vmul.u32 s22, v1;
	v1 =	vld.idx.msk [tilespmem:v0+s20+$0x0 ss:$0x1], $0xffff;
	_ =	sdelay $0x1  }
0x141: {  	s17 =	sadd.s32 $0x80, s17;
	s18 =	sadd.s32 $0x100, s18;
	v2 =	vadd.s32 v2, v4  }
0x142: {  	_ =	sdelay $0x1  }
0x143: {  	v0 =	vadd.s32 v3, v1  }
0x144: {  	(xrf0) =	vadd.scan.msk.s32 $0xffff, v0;
	_ =	sdelay $0x5  }
0x145: {  	v62, _, _ =	vpop (xrf0)  }
0x146: {  	(v2sf) =	vpush v62, $0xF;
	_ =	sdelay $0x8  }
0x147: {  	p0 =	slt.u32 s19, s1;
	s15 =	simm.s32 $0x1  }
0x148: {  	s13 =	sadd.s32 $0x1, s13;
	s15 =	simm.s32 @!p0 $0x0  }
0x149: {  	p0 =	sne.s32 s13, $0x10;
	v63 =	vmul.u32 s15, v1  }
.Ltmp12:
0x14a: {  	_ = 	snop;
	(pc) =	sbr.rel @p0 .LBB2_22-.Ltmp12, $4  }
0x14b: {  	v0 =	vsub.s32 s12, v0;
	v1 =	vadd.s32 v2, v63  }
0x14c: {  	v0 =	vadd.s32 v1, v0  }
0x14d: {  	v0 =	vadd.s32 v62, v0;
	s31 =	spop (v2sf)  }
0x14e: {  	[tilespmem:s14+$0x9600] =	vst v0;
	s12 =	sadd.s32 s12, s31  }
0x14f: {  	s14 =	simm.s32 $0x0  }
0x150: {  	v0 =	vld [tilespmem:s14+$0x0];
	_ =	sdelay $0x4  }
0x151: {  	v0 =	vshrl.u32 v0, $0x10  }
0x152: {  	v0 =	vand.u32 $0xFF, v0  }
0x153: {  	(xrf1) =	vunique.msk.u32 $0xffff, v0;
	_ =	sdelay $0x9  }
0x154: {  	s11 =	simm.s32 $0x9600  }
0x155: {  	v1 =	vld.idx.msk [tilespmem:v0+s11+$0x0], $0xffff;
	_ =	sdelay $0x2  }
0x156: {  	_, v2, vm0 =	vpop (xrf1);
	_ =	sdelay $0x1  }
0x157: {  	v1 =	vadd.s32 v1, v2  }
0x158: {  	v2 =	vadd.s32 $0xFFFFFFFF, v1  }
0x159: {  	s12 =	simm.s32 $0x40;
	s13 =	simm.s32 $0x80;
	[tilespmem:s14+$0x6400] =	vst v2  }
.LBB2_26:
0x15a: {  	p0 =	sne.s32 s13, $0xC7C0  }
0x15b: {  	s14 =	sshra.s32 s12, $0x2;
	[tilespmem:v0+s11+$0x0] =	vst.idx.msk vm0, v1;
	s12 =	smov.u32 s13;
	s13 =	sadd.s32 $0x40, s13  }
0x15c: {  	v0 =	vld [tilespmem:s14+$0x0];
	_ =	sdelay $0x4  }
0x15d: {  	v0 =	vshrl.u32 v0, $0x10  }
0x15e: {  	v0 =	vand.u32 $0xFF, v0  }
0x15f: {  	(xrf1) =	vunique.msk.u32 $0xffff, v0;
	_ =	sdelay $0xa  }
0x160: {  	v1 =	vld.idx.msk [tilespmem:v0+s11+$0x0], $0xffff;
	_ =	sdelay $0x2  }
0x161: {  	_, v2, vm0 =	vpop (xrf1)  }
.Ltmp13:
0x162: {  	(pc) =	sbr.rel @p0 .LBB2_26-.Ltmp13, $4  }
0x163: {  	_ = 	snop  }
0x164: {  	v1 =	vadd.s32 v1, v2  }
0x165: {  	v2 =	vadd.s32 $0xFFFFFFFF, v1  }
0x166: {  	[tilespmem:s14+$0x6400] =	vst v2  }
0x167: {  	_ =	sdelay $0x4  }
0x168: {  	s12 =	sshra.s32 s12, $0x2;
	[tilespmem:v0+s11+$0x0] =	vst.idx.msk vm0, v1  }
0x169: {  	v0 =	vld [tilespmem:s12+$0x0];
	_ =	sdelay $0x4  }
0x16a: {  	v0 =	vshrl.u32 v0, $0x10  }
0x16b: {  	v0 =	vand.u32 $0xFF, v0  }
0x16c: {  	(xrf1) =	vunique.msk.u32 $0xffff, v0;
	_ =	sdelay $0xb  }
0x16d: {  	v1 =	vld.idx.msk [tilespmem:v0+s11+$0x0], $0xffff;
	_ =	sdelay $0x1  }
0x16e: {  	_, v2, vm15 =	vpop (xrf1);
	_ =	sdelay $0x2  }
0x16f: {  	v1 =	vadd.s32 v1, v2  }
0x170: {  	v2 =	vadd.s32 $0xFFFFFFFF, v1  }
0x171: {  	s29 =	simm.s32 $0x3200;
	[tilespmem:s12+$0x6400] =	vst v2  }
0x172: {  	s30 =	simm.s32 $0x6400;
	s13 =	simm.s32 $0x0;
	s31 =	simm.s32 $0x1;
	[tilespmem:v0+s11+$0x0] =	vst.idx.msk vm15, v1  }
0x173: {  	[spmem:s8] =	stream.indirect.scatter [tilespmem:s13], [sflag:$0x1], $0x1, s30, s29, $0xb8;
	[tilespmem:$0x17000] =	vst v63  }
0x174: {  	_ =	swait.ge [sflag:s31], $0x3200  }
0x175: {  	[sflag:s31] =	ssyncset.done $0x0  }
0x176: {  	[sflag:s31] =	ssyncadd.s32 $0xFFFFCE00  }
0x177: {  	[spmem:s7] =	stream.indirect.scatter [tilespmem:s29], [sflag:$0x1], $0x1, s30, s29, $0xb8;
	[tilespmem:$0x17000] =	vst v63  }
0x178: {  	_ =	swait.ge [sflag:s31], $0x3200  }
0x179: {  	[sflag:s31] =	ssyncset.done $0x0  }
0x17a: {  	[sflag:s31] =	ssyncadd.s32 $0xFFFFCE00  }
0x17b: {  	[bflag:$0x0] =	sbarrier.arrive $0xFFFF  }
0x17c: {  	[tilespmem:s13], [sflag:$0x1] =	stream.linear.gather [spmem:s10], $0x3200, $0x38;
	[tilespmem:$0x17000] =	vst v63  }
0x17d: {  	_ =	swait.ge [sflag:s31], $0x3200  }
0x17e: {  	[sflag:s31] =	ssyncset.done $0x0  }
0x17f: {  	[sflag:s31] =	ssyncadd.s32 $0xFFFFCE00  }
0x180: {  	[tilespmem:s29], [sflag:$0x1] =	stream.linear.gather [spmem:s9], $0x3200, $0x38;
	[tilespmem:$0x17000] =	vst v63  }
0x181: {  	_ =	swait.ge [sflag:s31], $0x3200  }
0x182: {  	[sflag:s31] =	ssyncset.done $0x0  }
0x183: {  	v63 =	vimm.s32 $0x0;
	[sflag:s31] =	ssyncadd.s32 $0xFFFFCE00  }
0x184: {  	[tilespmem:$0x9600] =	vst v63  }
0x185: {  	[tilespmem:$0x9610] =	vst v63  }
0x186: {  	[tilespmem:$0x9620] =	vst v63  }
0x187: {  	[tilespmem:$0x9630] =	vst v63  }
0x188: {  	[tilespmem:$0x9640] =	vst v63  }
0x189: {  	[tilespmem:$0x9650] =	vst v63  }
0x18a: {  	[tilespmem:$0x9660] =	vst v63  }
0x18b: {  	[tilespmem:$0x9670] =	vst v63  }
0x18c: {  	[tilespmem:$0x9680] =	vst v63  }
0x18d: {  	[tilespmem:$0x9690] =	vst v63  }
0x18e: {  	[tilespmem:$0x96A0] =	vst v63  }
0x18f: {  	[tilespmem:$0x96B0] =	vst v63  }
0x190: {  	[tilespmem:$0x96C0] =	vst v63  }
0x191: {  	[tilespmem:$0x96D0] =	vst v63  }
0x192: {  	[tilespmem:$0x96E0] =	vst v63  }
0x193: {  	s8 =	simm.s32 $0x40;
	s7 =	simm.s32 $0x9600;
	s9 =	simm.s32 $0x0;
	[tilespmem:$0x96F0] =	vst v63  }
.LBB2_28:
0x194: {  	p0 =	sne.s32 s8, $0xC7C0;
	v0 =	vld [tilespmem:s9+$0x0];
	_ =	sdelay $0x4  }
0x195: {  	v0 =	vshrl.u32 v0, $0x18  }
0x196: {  	(xrf1) =	vunique.msk.u32 $0xffff, v0;
	_ =	sdelay $0xc  }
0x197: {  	v1 =	vld.idx.msk [tilespmem:v0+s7+$0x0], $0xffff  }
0x198: {  	_, v2, vm0 =	vpop (xrf1);
	_ =	sdelay $0x1  }
.Ltmp14:
0x199: {  	(pc) =	sbr.rel @p0 .LBB2_28-.Ltmp14, $3  }
0x19a: {  	_ =	sdelay $0x1  }
0x19b: {  	v1 =	vadd.s32 v1, v2  }
0x19c: {  	s9 =	sshra.s32 s8, $0x2;
	s8 =	sadd.s32 $0x40, s8;
	[tilespmem:v0+s7+$0x0] =	vst.idx.msk vm0, v1  }
0x19d: {  	v0 =	vld [tilespmem:s9+$0x0];
	_ =	sdelay $0x4  }
0x19e: {  	v0 =	vshrl.u32 v0, $0x18  }
0x19f: {  	(xrf1) =	vunique.msk.u32 $0xffff, v0;
	_ =	sdelay $0xd  }
0x1a0: {  	v1 =	vld.idx.msk [tilespmem:v0+s7+$0x0], $0xffff;
	_, v2, vm0 =	vpop (xrf1);
	_ =	sdelay $0x4  }
0x1a1: {  	s28 =	simm.s32 $0x80;
	v1 =	vadd.s32 v1, v2  }
0x1a2: {  	s8 =	simm.s32 $0x400;
	s29 =	simm.s32 $0x9600;
	s30 =	simm.s32 $0x1;
	[tilespmem:v0+s7+$0x0] =	vst.idx.msk vm0, v1  }
0x1a3: {  	[spmem:s6] =	stream.strided.scatter [tilespmem:s29], [sflag:$0x1], $0x100, s8, s28, $0x38;
	[tilespmem:$0x17000] =	vst v63  }
0x1a4: {  	_ =	swait.ge [sflag:s30], $0x100  }
0x1a5: {  	[sflag:s30] =	ssyncset.done $0x0  }
0x1a6: {  	[sflag:s30] =	ssyncadd.s32 $0xFFFFFF00  }
0x1a7: {  	s31 =	simm.s32 $0x9700;
	[bflag:$0x0] =	sbarrier.arrive $0xFFFF  }
0x1a8: {  	[tilespmem:s31], [sflag:$0x1] =	stream.linear.gather [spmem:s5], $0x1000, $0x38;
	[tilespmem:$0x17000] =	vst v63  }
0x1a9: {  	_ =	swait.ge [sflag:s30], $0x1000  }
0x1aa: {  	s7 =	simm.s32 $0x0;
	[sflag:s30] =	ssyncset.done $0x0  }
0x1ab: {  	s6 =	simm.s32 $0x0;
	s5 =	simm.s32 $0x0;
	[sflag:s30] =	ssyncadd.s32 $0xFFFFF000  }
.LBB2_30:
0x1ac: {  	s8 =	sshll.u32 s7, $0x4  }
0x1ad: {  	s9 =	sand.u32 $0x70, s8  }
0x1ae: {  	s10 =	sshll.u32 s7, $0x7;
	v0 =	vmov s9  }
0x1af: {  	s30 =	sand.u32 $0x400, s10  }
0x1b0: {  	s31 =	sand.u32 $0x800, s5;
	s9 =	sadd.s32 $0x9700, s30  }
0x1b1: {  	s11 =	sand.u32 $0x380, s5;
	s12 =	sadd.s32 s31, s9  }
0x1b2: {  	s13 =	simm.s32 $0x0;
	s11 =	sadd.s32 s11, s12  }
0x1b3: {  	v3 =	vimm.s32 $0x0;
	v2 =	vimm.s32 $0x0;
	s10 =	simm.s32 $0x1;
	s12 =	simm.s32 $0x100;
	v1 =	vld.idx.msk [tilespmem:v0+s11+$0x0 ss:$0x1], $0xffff;
	s11 =	simm.s32 $0x80  }
.LBB2_31:
0x1b4: {  	s14 =	sand.u32 $0x800, s12  }
0x1b5: {  	p0 =	sne.s32 s10, $0xF;
	s15 =	smov.u32 s10;
	s10 =	sadd.s32 $0x1, s10  }
0x1b6: {  	s16 =	sand.u32 $0x380, s11;
	p1 =	slt.u32 s13, s1;
	s14 =	sadd.s32 s14, s9  }
.Ltmp15:
0x1b7: {  	s14 =	sadd.s32 s16, s14;
	s16 =	simm.s32 $0x1;
	(pc) =	sbr.rel @p0 .LBB2_31-.Ltmp15, $3  }
0x1b8: {  	s13 =	smov.u32 s15;
	s16 =	simm.s32 @!p1 $0x0  }
0x1b9: {  	v3 =	vadd.s32 v3, v1;
	v4 =	vmul.u32 s16, v1;
	v1 =	vld.idx.msk [tilespmem:v0+s14+$0x0 ss:$0x1], $0xffff;
	_ =	sdelay $0x1  }
0x1ba: {  	s11 =	sadd.s32 $0x80, s11;
	s12 =	sadd.s32 $0x100, s12;
	v2 =	vadd.s32 v2, v4  }
0x1bb: {  	_ =	sdelay $0x1  }
0x1bc: {  	v0 =	vadd.s32 v3, v1  }
0x1bd: {  	(xrf0) =	vadd.scan.msk.s32 $0xffff, v0;
	_ =	sdelay $0x5  }
0x1be: {  	v62, _, _ =	vpop (xrf0)  }
0x1bf: {  	(v2sf) =	vpush v62, $0xF;
	_ =	sdelay $0x8  }
0x1c0: {  	p0 =	slt.u32 s13, s1;
	s9 =	simm.s32 $0x1  }
0x1c1: {  	s7 =	sadd.s32 $0x1, s7;
	s9 =	simm.s32 @!p0 $0x0  }
0x1c2: {  	p0 =	sne.s32 s7, $0x10;
	v63 =	vmul.u32 s9, v1  }
.Ltmp16:
0x1c3: {  	_ = 	snop;
	(pc) =	sbr.rel @p0 .LBB2_30-.Ltmp16, $4  }
0x1c4: {  	v0 =	vsub.s32 s6, v0;
	v1 =	vadd.s32 v2, v63  }
0x1c5: {  	v0 =	vadd.s32 v1, v0  }
0x1c6: {  	v0 =	vadd.s32 v62, v0;
	s31 =	spop (v2sf)  }
0x1c7: {  	[tilespmem:s8+$0x9600] =	vst v0;
	s6 =	sadd.s32 s6, s31  }
0x1c8: {  	s8 =	simm.s32 $0x0  }
0x1c9: {  	v0 =	vld [tilespmem:s8+$0x0];
	_ =	sdelay $0x4  }
0x1ca: {  	v0 =	vshrl.u32 v0, $0x18  }
0x1cb: {  	(xrf1) =	vunique.msk.u32 $0xffff, v0;
	_ =	sdelay $0x9  }
0x1cc: {  	s5 =	simm.s32 $0x9600  }
0x1cd: {  	v1 =	vld.idx.msk [tilespmem:v0+s5+$0x0], $0xffff;
	_ =	sdelay $0x2  }
0x1ce: {  	_, v2, vm0 =	vpop (xrf1);
	_ =	sdelay $0x1  }
0x1cf: {  	v1 =	vadd.s32 v1, v2  }
0x1d0: {  	v2 =	vadd.s32 $0xFFFFFFFF, v1  }
0x1d1: {  	s6 =	simm.s32 $0x40;
	s7 =	simm.s32 $0x80;
	[tilespmem:s8+$0x6400] =	vst v2  }
.LBB2_34:
0x1d2: {  	p0 =	sne.s32 s7, $0xC7C0  }
0x1d3: {  	s8 =	sshra.s32 s6, $0x2;
	[tilespmem:v0+s5+$0x0] =	vst.idx.msk vm0, v1;
	s6 =	smov.u32 s7;
	s7 =	sadd.s32 $0x40, s7  }
0x1d4: {  	v0 =	vld [tilespmem:s8+$0x0];
	_ =	sdelay $0x4  }
0x1d5: {  	v0 =	vshrl.u32 v0, $0x18  }
0x1d6: {  	(xrf1) =	vunique.msk.u32 $0xffff, v0;
	_ =	sdelay $0xa  }
0x1d7: {  	v1 =	vld.idx.msk [tilespmem:v0+s5+$0x0], $0xffff;
	_ =	sdelay $0x2  }
0x1d8: {  	_, v2, vm0 =	vpop (xrf1)  }
.Ltmp17:
0x1d9: {  	(pc) =	sbr.rel @p0 .LBB2_34-.Ltmp17, $4  }
0x1da: {  	_ = 	snop  }
0x1db: {  	v1 =	vadd.s32 v1, v2  }
0x1dc: {  	v2 =	vadd.s32 $0xFFFFFFFF, v1  }
0x1dd: {  	[tilespmem:s8+$0x6400] =	vst v2  }
0x1de: {  	_ =	sdelay $0x4  }
0x1df: {  	s6 =	sshra.s32 s6, $0x2;
	[tilespmem:v0+s5+$0x0] =	vst.idx.msk vm0, v1  }
0x1e0: {  	v0 =	vld [tilespmem:s6+$0x0];
	_ =	sdelay $0x4  }
0x1e1: {  	v0 =	vshrl.u32 v0, $0x18  }
0x1e2: {  	(xrf1) =	vunique.msk.u32 $0xffff, v0;
	_ =	sdelay $0xb  }
0x1e3: {  	v1 =	vld.idx.msk [tilespmem:v0+s5+$0x0], $0xffff;
	_ =	sdelay $0x1  }
0x1e4: {  	_, v2, vm15 =	vpop (xrf1);
	_ =	sdelay $0x2  }
0x1e5: {  	v1 =	vadd.s32 v1, v2  }
0x1e6: {  	v2 =	vadd.s32 $0xFFFFFFFF, v1  }
0x1e7: {  	[tilespmem:s6+$0x6400] =	vst v2  }
0x1e8: {  	s28 =	simm.s32 $0x6400;
	s29 =	simm.s32 $0x3200;
	s30 =	simm.s32 $0x1;
	[tilespmem:v0+s5+$0x0] =	vst.idx.msk vm15, v1  }
0x1e9: {  	[spmem:s2] =	stream.indirect.scatter [tilespmem:s29], [sflag:$0x1], $0x1, s28, s29, $0xb8;
	[tilespmem:$0x17000] =	vst v63  }
0x1ea: {  	_ =	swait.ge [sflag:s30], $0x3200  }
0x1eb: {  	[sflag:s30] =	ssyncset.done $0x0  }
0x1ec: {  	[sflag:s30] =	ssyncadd.s32 $0xFFFFCE00  }
0x1ed: {  	[bflag:$0x0] =	sbarrier.arrive $0xFFFF  }
0x1ee: {  	[tilespmem:s29], [sflag:$0x1] =	stream.linear.gather [spmem:s4], $0x3200, $0x38;
	[tilespmem:$0x17000] =	vst v63  }
0x1ef: {  	_ =	swait.ge [sflag:s30], $0x3200  }
0x1f0: {  	[sflag:s30] =	ssyncset.done $0x0  }
0x1f1: {  	s31 =	simm.s32 $0x0;
	[sflag:s30] =	ssyncadd.s32 $0xFFFFCE00  }
0x1f2: {  	[hbm4b:s3+s31] =	stream.linear.scatter [tilespmem:s29], [sflag:$0x1], $0x3200, $0x38;
	[tilespmem:$0x17000] =	vst v63  }
0x1f3: {  	_ =	swait.ge [sflag:s30], $0x3200  }
0x1f4: {  	[sflag:s30] =	ssyncset.done $0x0  }
0x1f5: {  	[sflag:s30] =	ssyncadd.s32 $0xFFFFCE00  }
.LBB2_36:
0x1f6: {  	_ =	sfence.sel $0x180000  }
0x1f7: {  	[bflag:$0x0] =	sbarrier.arrive $0xFFFF  }
0x1f8: {  	p0 =	sne.s32 s1, $0x0;
	_ =	strace $0x9000004A  }
0x1f9: {  	s0 =	sadd.s32 @!p0 $0x100000, s0;
	[bflag:$0x2] =	sbarrier.arrive $0xFFFF  }
0x1fa: {  	[sflag:s0] =	ssyncadd.tile.s32 @!p0 $0x1;
	_ =	shalt  }
.Lfunc_end2:
_tile_overlayer_lowered:
.L_overlay_start_2:
0x1fb: {  	(tag) =	ssettag $0x2  }
0x1fc: {  	s0 =	rddreg [dreg:$0x0];
	s2 =	stileid.u32  }
0x1fd: {  	s1 =	rddreg [dreg:$0x1];
	p0 =	sne.s32 s2, $0x0  }
0x1fe: {  	s3 =	rddreg [dreg:$0x2];
	[bflag:$0x3] =	sbarrier.arrive $0xFFFF;
	s2 =	simm.s32 @!p0 $0x1C01  }
0x1ff: {  	[timem:s3], [sflag:s2] =	dma.local @!p0 [hbm:s0], s1  }
0x200: {  	s0 =	simm.s32 @!p0 $0x1  }
0x201: {  	_ =	swait.ge @!p0 [sflag:s0], s1  }
0x202: {  	s1 =	ssub.s32 @!p0 $0x0, s1;
	[sflag:s0] =	ssyncset.done @!p0 $0x0  }
0x203: {  	[sflag:s0] =	ssyncadd.s32 @!p0 s1  }
0x204: {  	[bflag:$0x3] =	sbarrier.arrive $0xFFFF  }
0x205: {  	_ =	shalt  }

// kernel: kernel.13.cloned.1.call-start
scs
__scs_entry_jumppad:
0x0: {  	(pc) =	sbr.rel $0x88, $3  }
0x1: {  	(tag) =	ssettag $0x0;
	lr =	simm.s32 $0x1  }
0x2: {  	[smem:$0x3F9D] =	sst lr;
	_ =	strace $0xD0000000  }
0x3: {  	_ = 	snop  }
0x4: {  	_ = 	snop  }
0x5: {  	_ = 	snop  }
0x6: {  	_ = 	snop  }
0x7: {  	_ = 	snop  }
__scs_overlays_trampoline_lowered:
0x8: {  	[smem:$0x3FAC] =	sst s0  }
0x9: {  	[smem:$0x3FAD] =	sst s1  }
0xa: {  	[smem:$0x3FAE] =	sst s2  }
0xb: {  	[smem:$0x3FAF] =	sst s3  }
0xc: {  	[smem:$0x3FB0] =	sst s4  }
0xd: {  	[smem:$0x3FB1] =	sst s5  }
0xe: {  	[smem:$0x3FB2] =	sst s6  }
0xf: {  	[smem:$0x3FB3] =	sst s7  }
0x10: {  	[smem:$0x3FB4] =	sst s8  }
0x11: {  	[smem:$0x3FB5] =	sst s9;
	s0 =	simm.s32 @!p0 $0x0  }
0x12: {  	s1 =	sld [smem:$0x3F9B];
	s0 =	simm.s32 @p0 $0x1  }
0x13: {  	[smem:$0x3FB6] =	sst s0;
	s0 =	simm.s32 @!p1 $0x0  }
0x14: {  	s2 =	sld [smem:$0x3F9A];
	s0 =	simm.s32 @p1 $0x1  }
0x15: {  	[smem:$0x3FB7] =	sst s0;
	s0 =	simm.s32 @!p2 $0x0  }
0x16: {  	s3 =	sld [smem:$0x3FDB];
	s0 =	simm.s32 @p2 $0x1  }
0x17: {  	s4 =	simm.s32 $0x1BF5;
	[smem:$0x3FB9] =	sst s0  }
0x18: {  	s0 =	sld [smem:$0x3F9C];
	_ =	swait.ge [sflag:s4], $0x0  }
0x19: {  	s7 =	sld [smem:$0x3F9D]  }
0x1a: {  	s8 =	sadd.s32 $0xFFFFE003, lr  }
0x1b: {  	s9 =	sadd.s32 $0xFFFFFEF7, lr;
	s5 =	simm.s32 $0xFFFFFFFF;
	p2 =	slt.u32 s8, $0xFFFFF086  }
0x1c: {  	p1 =	slt.u32 s9, $0xF7A;
	s5 =	simm.s32 @!p2 $0x0  }
0x1d: {  	s5 =	simm.s32 @p1 $0x1;
	p0 =	seq.s32 s7, s2  }
0x1e: {  	s7 =	smul.u32 @!p0 $0xF7A, s2;
	p2 =	seq.s32 @!p0 s5, $0x0  }
0x1f: {  	s9 =	smul.u32 $0xF7A, s1;
	s8 =	simm.s32 @!p0 $0x1BF5;
	p2 =	por !p2, p0  }
0x20: {  	[sflag:s8] =	ssyncset.s32 @!p0 $0xFFFFF086;
	s6 =	sadd.s32 @!p0 s3, s7;
	s7 =	simm.s32 @!p0 $0x108  }
0x21: {  	s3 =	sadd.s32 s3, s9;
	s6 =	sadd.s32 @!p0 $0x88, s6;
	s7 =	simm.s32 @p2 $0x1082  }
0x22: {  	[simem:s7], [sflag:s8] =	dma.local @!p0 [hbm:s6], $0xF7A  }
0x23: {  	s9 =	sor.u32 $0xD0000000, s2;
	s6 =	simm.s32 $0x108;
	_ =	swait.ge @!p0 [sflag:s8], $0x0  }
0x24: {  	s3 =	sadd.s32 $0x88, s3;
	s6 =	simm.s32 @!p1 $0x1082;
	[sflag:s4] =	ssyncset.s32 $0xFFFFF086  }
0x25: {  	[simem:s6], [sflag:s4] =	dma.local [hbm:s3], $0xF7A  }
0x26: {  	[smem:$0x3F9D] =	sst s1;
	(tag) =	ssettag s2;
	_ =	strace s9  }
0x27: {  	s1 =	sld [smem:$0x3FAD]  }
0x28: {  	s2 =	sld [smem:$0x3FAE]  }
0x29: {  	s4 =	sld [smem:$0x3FB0]  }
0x2a: {  	p0 =	seq.s32 s5, $0x0;
	s5 =	sld [smem:$0x3FB1]  }
0x2b: {  	s6 =	sld [smem:$0x3FB2]  }
0x2c: {  	s7 =	sld [smem:$0x3FB3]  }
0x2d: {  	s3 =	simm.s32 $0x108;
	s8 =	sld [smem:$0x3FB4]  }
0x2e: {  	s3 =	simm.s32 @!p0 $0x1082;
	s9 =	sld [smem:$0x3FB5]  }
0x2f: {  	lr =	sadd.s32 s0, s3;
	s0 =	sld [smem:$0x3FAC]  }
0x30: {  	s3 =	sld [smem:$0x3FAF]  }
0x31: {  	[smem:$0x3FB8] =	sst s10  }
0x32: {  	s10 =	sld [smem:$0x3FB6];
	_ =	sdelay $0x3  }
0x33: {  	p0 =	seq.s32 s10, $0x1;
	s10 =	sld [smem:$0x3FB8];
	_ =	sdelay $0x3  }
0x34: {  	[smem:$0x3FB8] =	sst s10  }
0x35: {  	s10 =	sld [smem:$0x3FB7];
	_ =	sdelay $0x3  }
0x36: {  	p1 =	seq.s32 s10, $0x1;
	s10 =	sld [smem:$0x3FB8];
	_ =	sdelay $0x3  }
0x37: {  	[smem:$0x3FB8] =	sst s10  }
0x38: {  	s10 =	sld [smem:$0x3FB9]  }
0x39: {  	_ = 	snop;
	(pc) =	sbr.ind lr, $3  }
0x3a: {  	_ = 	snop  }
0x3b: {  	_ = 	snop  }
0x3c: {  	p2 =	seq.s32 s10, $0x1;
	s10 =	sld [smem:$0x3FB8]  }
0x3d: {  	_ =	shalt  }
0x3e: {  	_ =	shalt  }
0x3f: {  	_ =	shalt  }
0x40: {  	_ =	shalt  }
0x41: {  	_ =	shalt  }
0x42: {  	_ =	shalt  }
0x43: {  	_ =	shalt  }
0x44: {  	_ =	shalt  }
0x45: {  	_ =	shalt  }
0x46: {  	_ =	shalt  }
0x47: {  	_ =	shalt  }
0x48: {  	_ =	shalt  }
0x49: {  	_ =	shalt  }
0x4a: {  	_ =	shalt  }
0x4b: {  	_ =	shalt  }
0x4c: {  	_ =	shalt  }
0x4d: {  	_ =	shalt  }
0x4e: {  	_ =	shalt  }
0x4f: {  	_ =	shalt  }
0x50: {  	_ =	shalt  }
0x51: {  	_ =	shalt  }
0x52: {  	_ =	shalt  }
0x53: {  	_ =	shalt  }
0x54: {  	_ =	shalt  }
0x55: {  	_ =	shalt  }
0x56: {  	_ =	shalt  }
0x57: {  	_ =	shalt  }
0x58: {  	_ =	shalt  }
0x59: {  	_ =	shalt  }
0x5a: {  	_ =	shalt  }
0x5b: {  	_ =	shalt  }
0x5c: {  	_ =	shalt  }
0x5d: {  	_ =	shalt  }
0x5e: {  	_ =	shalt  }
0x5f: {  	_ =	shalt  }
0x60: {  	_ =	shalt  }
0x61: {  	_ =	shalt  }
0x62: {  	_ =	shalt  }
0x63: {  	_ =	shalt  }
0x64: {  	_ =	shalt  }
0x65: {  	_ =	shalt  }
0x66: {  	_ =	shalt  }
0x67: {  	_ =	shalt  }
0x68: {  	_ =	shalt  }
0x69: {  	_ =	shalt  }
0x6a: {  	_ =	shalt  }
0x6b: {  	_ =	shalt  }
0x6c: {  	_ =	shalt  }
0x6d: {  	_ =	shalt  }
0x6e: {  	_ =	shalt  }
0x6f: {  	_ =	shalt  }
0x70: {  	_ =	shalt  }
0x71: {  	_ =	shalt  }
0x72: {  	_ =	shalt  }
0x73: {  	_ =	shalt  }
0x74: {  	_ =	shalt  }
0x75: {  	_ =	shalt  }
0x76: {  	_ =	shalt  }
0x77: {  	_ =	shalt  }
0x78: {  	_ =	shalt  }
0x79: {  	_ =	shalt  }
0x7a: {  	_ =	shalt  }
0x7b: {  	_ =	shalt  }
0x7c: {  	_ =	shalt  }
0x7d: {  	_ =	shalt  }
0x7e: {  	_ =	shalt  }
0x7f: {  	_ =	shalt  }
0x80: {  	_ =	shalt  }
0x81: {  	_ =	shalt  }
0x82: {  	_ =	shalt  }
0x83: {  	_ =	shalt  }
0x84: {  	_ =	shalt  }
0x85: {  	_ =	shalt  }
0x86: {  	_ =	shalt  }
0x87: {  	_ =	shalt  }
.Lfunc_end0:
.L_simem_size_0:
called_computation.3_lowered:
.L_overlay_start_0:
0x88: {  	s2 =	sld [smem:$0x3FD9]  }
0x89: {  	s3 =	sld [smem:$0x3FFE];
	_ =	sdelay $0x1  }
0x8a: {  	s1 =	srdreg.scid  }
0x8b: {  	s0 =	sand.u32 $0x1, s1  }
0x8c: {  	s14 =	sshll.u32 s0, $0xA;
	s2 =	sadd.s32 s3, s2  }
0x8d: {  	s2 =	sadd.s32 s2, s14  }
0x8e: {  	[smem:$0x3FC4] =	sst s2  }
0x8f: {  	_ = 	snop  }
0x90: {  	s2 =	sld [smem:$0x3FD0];
	_ =	sdelay $0x2  }
0x91: {  	s15 =	simm.s32 $0xA;
	s4 =	simm.s32 $0x10  }
0x92: {  	[smem:s4], [sflag:s15] =	dma.local [hbm:s2], $0x1  }
0x93: {  	_ =	swait.eq [sflag:s15], $0x1  }
0x94: {  	s16 =	sld [smem:$0x14];
	[sflag:s15] =	ssyncset.done $0x0  }
0x95: {  	s17 =	sld [smem:$0x15];
	[sflag:s15] =	ssyncadd.s32 $0xFFFFFFFF  }
0x96: {  	s18 =	sld [smem:$0x16];
	(tm) =	ssettm $0x1  }
0x97: {  	s5 =	sld [smem:$0x3FFB];
	_ =	sdelay $0x3  }
0x98: {  	_ =	strace s5  }
0x99: {  	s5 =	sld [smem:$0x3FFC];
	_ =	sdelay $0x3  }
0x9a: {  	_ =	strace s5  }
0x9b: {  	s5 =	sld [smem:$0x3FFD];
	_ =	sdelay $0x3  }
0x9c: {  	_ =	strace s5  }
0x9d: {  	_ =	strace $0x8FFFFFFF  }
0x9e: {  	s19 =	sld [smem:$0x3FDB];
	_ =	sdelay $0x1  }
0x9f: {  	s6 =	simm.s32 $_scs_section_size  }
0xa0: {  	s7 =	simm.s32 $_size__tile_overlayer_lowered;
	s8 =	simm.s32 $_tile_overlayer_lowered  }
0xa1: {  	s22 =	simm.s32 $0x1BFF;
	s21 =	sshll.u32 s8, $0x1;
	s5 =	sadd.s32 s6, s19  }
0xa2: {  	s9 =	simm.s32 $0x0;
	s20 =	sshll.u32 s7, $0x1;
	s7 =	sadd.s32 s21, s5  }
0xa3: {  	[timem:s9], [sflag:s22] =	dma.local [hbm:s7], s20  }
0xa4: {  	_ =	swait.ge [sflag:s22], s20  }
0xa5: {  	s6 =	ssub.s32 $0x0, s20;
	[sflag:s22] =	ssyncset.done $0x0  }
0xa6: {  	[sflag:s22] =	ssyncadd.s32 s6;
	_ =	sdelay $0x1  }
0xa7: {  	s23 =	simm.s32 $0x1B8B  }
0xa8: {  	_ =	swait.ge [sflag:s23], $0x1  }
0xa9: {  	[sflag:s23] =	ssyncset.done $0x0  }
0xaa: {  	s25 =	simm.s32 $0x1B8E;
	s24 =	sld [smem:$0x3FFE];
	[sflag:s23] =	ssyncadd.s32 $0xFFFFFFFF  }
0xab: {  	s26 =	simm.s32 $execute0_lowered;
	[smem:$0x3FD2] =	sst s25  }
0xac: {  	s7 =	sshll.u32 s26, $0x1;
	_ =	strace $0x8000004C;
	[dreg:$0x1] =	wrdreg $0xFFFFFFFF  }
0xad: {  	s28 =	simm.s32 $_size_execute0_lowered;
	s5 =	sadd.s32 s5, s7;
	[dreg:$0x0] =	wrdreg $0x0  }
0xae: {  	s7 =	sshll.u32 s28, $0x1;
	[dreg:$0x2] =	wrdreg s5  }
0xaf: {  	[dreg:$0x3] =	wrdreg s7  }
0xb0: {  	[dreg:$0x4] =	wrdreg $0xC0  }
0xb1: {  	_ =	task [dreg:s9], $0x5FFFF  }
0xb2: {  	[dreg:$0x1] =	wrdreg $0xFFFFFFFF  }
0xb3: {  	[dreg:$0x0] =	wrdreg $0x60  }
0xb4: {  	[dreg:$0x2] =	wrdreg s16  }
0xb5: {  	[dreg:$0x3] =	wrdreg s24  }
0xb6: {  	[dreg:$0x4] =	wrdreg s18  }
0xb7: {  	[dreg:$0x5] =	wrdreg s17  }
0xb8: {  	[dreg:$0x6] =	wrdreg $0x9  }
0xb9: {  	_ =	task.clear_ibuf [dreg:s9], $0x7FFFF;
	_ =	strace $0x9000004C  }
0xba: {  	s29 =	simm.s32 $0x9;
	_ =	strace $0x8000004E  }
0xbb: {  	_ =	swait.ge [sflag:s29], $0x1  }
0xbc: {  	[sflag:s29] =	ssyncadd.s32 $0xFFFFFFFF  }
0xbd: {  	_ =	strace $0x9000004E  }
0xbe: {  	_ =	sfence  }
0xbf: {  	s30 =	sld [smem:$0x0];
	_ =	sdelay $0x2  }
0xc0: {  	s31 =	sshll.u32 s1, $0xD;
	s1 =	sshrl.u32 s1, $0x2  }
0xc1: {  	s3 =	sand.u32 $0x4000, s31;
	s1 =	sadd.s32 s1, s30  }
0xc2: {  	s0 =	sor.u32 s3, s0;
	s1 =	sshll.u32 s1, $0x11  }
0xc3: {  	s0 =	sor.u32 s1, s0  }
0xc4: {  	s0 =	sadd.s32 $0x8F2B, s0  }
0xc5: {  	[sflag:s0] =	ssyncadd.remote.s32 $0x1  }
0xc6: {  	_ =	sfence.sel $0xFFFF  }
0xc7: {  	[dreg:$0x0] =	wrdreg $0xFFFFFFFF;
	(pc) =	sbr.abs _section_cstart, $3  }
0xc8: {  	[dreg:$0x1] =	wrdreg $0xFFFFFFFF  }
0xc9: {  	_ =	task.clear_ibuf [dreg:s9], $0x2FFFF;
	_ =	strace $0x9FFFFFFF  }
0xca: {  	(tm) =	ssettm $0x7FFFFFFF  }
0xcb: {  	_ =	shalt  }
tec
execute0_lowered:
.L_overlay_start_1:
0x0: {  	(tag) =	ssettag $0x1  }
0x1: {  	s1 =	rddreg [dreg:$0x0]  }
0x2: {  	s2 =	rddreg [dreg:$0x1]  }
0x3: {  	s3 =	rddreg [dreg:$0x2]  }
0x4: {  	s5 =	rddreg [dreg:$0x3]  }
0x5: {  	s0 =	rddreg [dreg:$0x4];
	s7 =	srdreg.scid  }
0x6: {  	s6 =	simm.s32 $0x0;
	s4 =	stileid.u32;
	s7 =	sand.u32 $0x1, s7  }
0x7: {  	[smem:$0x7FF] =	sst s6;
	s11 =	smul.u32 $0x3200, s4;
	s9 =	ssub.s32 $0x2, s7  }
0x8: {  	s8 =	sadd.s32 $0xC400, s2;
	s12 =	smul.u32 $0x1900, s7;
	s10 =	sshrl.u32 s9, $0x1  }
0x9: {  	_ =	strace $0x8000004D;
	s7 =	sadd.s32 $0x319A00, s2;
	s10 =	ssub.s32 s9, s10  }
0xa: {  	s9 =	sadd.s32 $0x6200, s2;
	s11 =	sadd.s32 s12, s11;
	s10 =	smax.u32 s10, $0x1  }
.LBB2_1:
0xb: {  	s12 =	sadd.s32 $0x0, s11  }
0xc: {  	p0 =	sgt.u32 s12, $0x30D3F  }
0xd: {  	s12 =	smin.u32 @!p0 s12, $0x30AC0  }
0xe: {  	s13 =	sshrl.u32 @!p0 s12, $0x3;
	p0 =	por p0, p0  }
0xf: {  	s14 =	sadd.s32 @!p0 s1, s13;
	s15 =	simm.s32 @!p0 $0x0;
	s16 =	simm.s32 @!p0 $0x4  }
0x10: {  	[tilespmem:s15], [sflag:$0x4] =	stream.linear.gather @!p0 [hbm4b:s14+s15], $0x280, $0x38;
	[tilespmem:$0x14780] =	vst v63  }
0x11: {  	_ =	swait.ge @!p0 [sflag:s16], $0x280  }
0x12: {  	[sflag:s16] =	ssyncset.done @!p0 $0x0  }
0x13: {  	s14 =	simm.s32 @!p0 $0x280;
	[sflag:s16] =	ssyncadd.s32 @!p0 $0xFFFFFD80  }
0x14: {  	[tilespmem:s14], [sflag:$0x1] =	stream.indirect.gather @!p0 [hbm4b:s7+s14], $0x80, s15, s14, $0xb8;
	[tilespmem:$0x14780] =	vst v63  }
0x15: {  	s17 =	simm.s32 @!p0 $0x14280  }
0x16: {  	[tilespmem:s17], [sflag:$0x2] =	stream.indirect.gather @!p0 [hbm4b:s3+s14], $0x1, s15, s14, $0xb8;
	[tilespmem:$0x14780] =	vst v63  }
0x17: {  	s18 =	simm.s32 @!p0 $0x14500;
	s19 =	simm.s32 @!p0 $0x1  }
0x18: {  	[tilespmem:s18], [sflag:$0x2] =	stream.indirect.gather @!p0 [hbm4b:s2+s14], $0x1, s15, s14, $0xb8;
	[tilespmem:$0x14780] =	vst v63  }
0x19: {  	_ =	swait.ge @!p0 [sflag:s19], $0x14000  }
0x1a: {  	[sflag:s19] =	ssyncset.done @!p0 $0x0  }
0x1b: {  	[sflag:s19] =	ssyncadd.s32 @!p0 $0xFFFEC000;
	s19 =	simm.s32 @!p0 $0x2  }
0x1c: {  	_ =	swait.ge @!p0 [sflag:s19], $0x280  }
0x1d: {  	[sflag:s19] =	ssyncset.done @!p0 $0x0  }
0x1e: {  	[sflag:s19] =	ssyncadd.s32 @!p0 $0xFFFFFD80  }
0x1f: {  	_ =	swait.ge @!p0 [sflag:s19], $0x280  }
0x20: {  	s12 =	sshll.u32 @!p0 s12, $0x4;
	[sflag:s19] =	ssyncset.done @!p0 $0x0  }
0x21: {  	s12 =	sadd.s32 @!p0 s8, s12;
	[sflag:s19] =	ssyncadd.s32 @!p0 $0xFFFFFD80  }
0x22: {  	[hbm4b:s12+s15] =	stream.linear.scatter @!p0 [tilespmem:s14], [sflag:$0x4], $0x14000, $0x38;
	[tilespmem:$0x14780] =	vst v63  }
0x23: {  	_ =	swait.ge @!p0 [sflag:s16], $0x14000  }
0x24: {  	[sflag:s16] =	ssyncset.done @!p0 $0x0  }
0x25: {  	s12 =	sadd.s32 @!p0 s5, s13;
	[sflag:s16] =	ssyncadd.s32 @!p0 $0xFFFEC000  }
0x26: {  	[hbm4b:s12+s15] =	stream.linear.scatter @!p0 [tilespmem:s17], [sflag:$0x4], $0x280, $0x38;
	[tilespmem:$0x14780] =	vst v63  }
0x27: {  	_ =	swait.ge @!p0 [sflag:s16], $0x280  }
0x28: {  	s14 =	simm.s32 @!p0 $0x3;
	[sflag:s16] =	ssyncset.done @!p0 $0x0  }
0x29: {  	s12 =	sadd.s32 @!p0 s9, s13;
	s13 =	sadd.s32 $0x280, s11;
	[sflag:s16] =	ssyncadd.s32 @!p0 $0xFFFFFD80  }
0x2a: {  	[hbm4b:s12+s15] =	stream.linear.scatter @!p0 [tilespmem:s18], [sflag:$0x3], $0x280, $0x38;
	[tilespmem:$0x14780] =	vst v63  }
0x2b: {  	p2 =	sgt.u32 s13, $0x30D3F;
	_ =	swait.ge @!p0 [sflag:s14], $0x280  }
0x2c: {  	s13 =	smin.u32 @!p2 s13, $0x30AC0;
	s12 =	simm.s32 $0x500;
	[sflag:s14] =	ssyncset.done @!p0 $0x0  }
.LBB2_2:
0x2d: {  	s16 =	sshrl.u32 @!p2 s13, $0x3;
	[sflag:s14] =	ssyncadd.s32 @!p0 $0xFFFFFD80  }
0x2e: {  	s14 =	smov.u32 s12;
	s12 =	sadd.s32 $0x280, s12;
	p0 =	por p2, p2  }
0x2f: {  	s17 =	sadd.s32 @!p0 s1, s16;
	s15 =	simm.s32 @!p0 $0x0;
	s18 =	simm.s32 @!p0 $0x4  }
0x30: {  	[tilespmem:s15], [sflag:$0x4] =	stream.linear.gather @!p0 [hbm4b:s17+s15], $0x280, $0x38;
	[tilespmem:$0x14780] =	vst v63  }
0x31: {  	s17 =	sadd.s32 @!p0 s5, s16;
	s16 =	sadd.s32 @!p0 s9, s16;
	_ =	swait.ge @!p0 [sflag:s18], $0x280  }
0x32: {  	p1 =	sne.s32 s12, $0x1900;
	[sflag:s18] =	ssyncset.done @!p0 $0x0  }
0x33: {  	s19 =	simm.s32 @!p0 $0x280;
	[sflag:s18] =	ssyncadd.s32 @!p0 $0xFFFFFD80  }
0x34: {  	[tilespmem:s19], [sflag:$0x1] =	stream.indirect.gather @!p0 [hbm4b:s7+s19], $0x80, s15, s19, $0xb8;
	[tilespmem:$0x14780] =	vst v63  }
0x35: {  	s20 =	simm.s32 @!p0 $0x14280  }
0x36: {  	[tilespmem:s20], [sflag:$0x2] =	stream.indirect.gather @!p0 [hbm4b:s3+s19], $0x1, s15, s19, $0xb8;
	[tilespmem:$0x14780] =	vst v63  }
0x37: {  	s21 =	simm.s32 @!p0 $0x14500;
	s22 =	simm.s32 @!p0 $0x1  }
0x38: {  	[tilespmem:s21], [sflag:$0x2] =	stream.indirect.gather @!p0 [hbm4b:s2+s19], $0x1, s15, s19, $0xb8;
	[tilespmem:$0x14780] =	vst v63  }
0x39: {  	_ =	swait.ge @!p0 [sflag:s22], $0x14000  }
0x3a: {  	[sflag:s22] =	ssyncset.done @!p0 $0x0  }
0x3b: {  	[sflag:s22] =	ssyncadd.s32 @!p0 $0xFFFEC000;
	s22 =	simm.s32 @!p0 $0x2  }
0x3c: {  	_ =	swait.ge @!p0 [sflag:s22], $0x280  }
0x3d: {  	[sflag:s22] =	ssyncset.done @!p0 $0x0  }
0x3e: {  	[sflag:s22] =	ssyncadd.s32 @!p0 $0xFFFFFD80  }
0x3f: {  	_ =	swait.ge @!p0 [sflag:s22], $0x280  }
0x40: {  	s13 =	sshll.u32 @!p0 s13, $0x4;
	[sflag:s22] =	ssyncset.done @!p0 $0x0  }
0x41: {  	s13 =	sadd.s32 @!p0 s8, s13;
	[sflag:s22] =	ssyncadd.s32 @!p0 $0xFFFFFD80  }
0x42: {  	[hbm4b:s13+s15] =	stream.linear.scatter @!p0 [tilespmem:s19], [sflag:$0x4], $0x14000, $0x38;
	[tilespmem:$0x14780] =	vst v63  }
0x43: {  	_ =	swait.ge @!p0 [sflag:s18], $0x14000  }
0x44: {  	[sflag:s18] =	ssyncset.done @!p0 $0x0  }
0x45: {  	[sflag:s18] =	ssyncadd.s32 @!p0 $0xFFFEC000  }
0x46: {  	[hbm4b:s17+s15] =	stream.linear.scatter @!p0 [tilespmem:s20], [sflag:$0x4], $0x280, $0x38;
	[tilespmem:$0x14780] =	vst v63  }
0x47: {  	_ =	swait.ge @!p0 [sflag:s18], $0x280  }
.Ltmp0:
0x48: {  	[sflag:s18] =	ssyncset.done @!p0 $0x0;
	(pc) =	sbr.rel @p1 .LBB2_2-.Ltmp0, $4  }
0x49: {  	s13 =	sadd.s32 s14, s11;
	s14 =	simm.s32 @!p0 $0x3;
	[sflag:s18] =	ssyncadd.s32 @!p0 $0xFFFFFD80  }
0x4a: {  	[hbm4b:s16+s15] =	stream.linear.scatter @!p0 [tilespmem:s21], [sflag:$0x3], $0x280, $0x38;
	[tilespmem:$0x14780] =	vst v63  }
0x4b: {  	p2 =	sgt.u32 s13, $0x30D3F;
	_ =	swait.ge @!p0 [sflag:s14], $0x280  }
0x4c: {  	s13 =	smin.u32 @!p2 s13, $0x30AC0;
	[sflag:s14] =	ssyncset.done @!p0 $0x0  }
0x4d: {  	s12 =	sshrl.u32 @!p2 s13, $0x3;
	[sflag:s14] =	ssyncadd.s32 @!p0 $0xFFFFFD80;
	p0 =	por p2, p2  }
0x4e: {  	s14 =	sadd.s32 @!p0 s1, s12;
	s15 =	simm.s32 @!p0 $0x0;
	s16 =	simm.s32 @!p0 $0x4  }
0x4f: {  	[tilespmem:s15], [sflag:$0x4] =	stream.linear.gather @!p0 [hbm4b:s14+s15], $0x280, $0x38;
	[tilespmem:$0x14780] =	vst v63  }
0x50: {  	_ =	swait.ge @!p0 [sflag:s16], $0x280  }
0x51: {  	[sflag:s16] =	ssyncset.done @!p0 $0x0  }
0x52: {  	s14 =	simm.s32 @!p0 $0x280;
	[sflag:s16] =	ssyncadd.s32 @!p0 $0xFFFFFD80  }
0x53: {  	[tilespmem:s14], [sflag:$0x1] =	stream.indirect.gather @!p0 [hbm4b:s7+s14], $0x80, s15, s14, $0xb8;
	[tilespmem:$0x14780] =	vst v63  }
0x54: {  	s17 =	simm.s32 @!p0 $0x14280  }
0x55: {  	[tilespmem:s17], [sflag:$0x2] =	stream.indirect.gather @!p0 [hbm4b:s3+s14], $0x1, s15, s14, $0xb8;
	[tilespmem:$0x14780] =	vst v63  }
0x56: {  	s18 =	simm.s32 @!p0 $0x14500;
	s19 =	simm.s32 @!p0 $0x1  }
0x57: {  	[tilespmem:s18], [sflag:$0x2] =	stream.indirect.gather @!p0 [hbm4b:s2+s14], $0x1, s15, s14, $0xb8;
	[tilespmem:$0x14780] =	vst v63  }
0x58: {  	_ =	swait.ge @!p0 [sflag:s19], $0x14000  }
0x59: {  	[sflag:s19] =	ssyncset.done @!p0 $0x0  }
0x5a: {  	[sflag:s19] =	ssyncadd.s32 @!p0 $0xFFFEC000;
	s19 =	simm.s32 @!p0 $0x2  }
0x5b: {  	_ =	swait.ge @!p0 [sflag:s19], $0x280  }
0x5c: {  	[sflag:s19] =	ssyncset.done @!p0 $0x0  }
0x5d: {  	[sflag:s19] =	ssyncadd.s32 @!p0 $0xFFFFFD80  }
0x5e: {  	_ =	swait.ge @!p0 [sflag:s19], $0x280  }
0x5f: {  	s13 =	sshll.u32 @!p0 s13, $0x4;
	[sflag:s19] =	ssyncset.done @!p0 $0x0  }
0x60: {  	s13 =	sadd.s32 @!p0 s8, s13;
	[sflag:s19] =	ssyncadd.s32 @!p0 $0xFFFFFD80  }
0x61: {  	[hbm4b:s13+s15] =	stream.linear.scatter @!p0 [tilespmem:s14], [sflag:$0x4], $0x14000, $0x38;
	[tilespmem:$0x14780] =	vst v63  }
0x62: {  	_ =	swait.ge @!p0 [sflag:s16], $0x14000  }
0x63: {  	[sflag:s16] =	ssyncset.done @!p0 $0x0  }
0x64: {  	s13 =	sadd.s32 @!p0 s5, s12;
	[sflag:s16] =	ssyncadd.s32 @!p0 $0xFFFEC000  }
0x65: {  	[hbm4b:s13+s15] =	stream.linear.scatter @!p0 [tilespmem:s17], [sflag:$0x4], $0x280, $0x38;
	[tilespmem:$0x14780] =	vst v63  }
0x66: {  	s6 =	sadd.s32 $0x1, s6;
	_ =	swait.ge @!p0 [sflag:s16], $0x280  }
0x67: {  	p1 =	sne.s32 s6, s10;
	s12 =	sadd.s32 @!p0 s9, s12;
	[sflag:s16] =	ssyncset.done @!p0 $0x0  }
.Ltmp1:
0x68: {  	s13 =	simm.s32 @!p0 $0x3;
	[sflag:s16] =	ssyncadd.s32 @!p0 $0xFFFFFD80;
	(pc) =	sbr.rel @p1 .LBB2_1-.Ltmp1, $4  }
0x69: {  	[hbm4b:s12+s15] =	stream.linear.scatter @!p0 [tilespmem:s18], [sflag:$0x3], $0x280, $0x38;
	[tilespmem:$0x14780] =	vst v63  }
0x6a: {  	_ =	swait.ge @!p0 [sflag:s13], $0x280  }
0x6b: {  	[sflag:s13] =	ssyncset.done @!p0 $0x0  }
0x6c: {  	[sflag:s13] =	ssyncadd.s32 @!p0 $0xFFFFFD80  }
0x6d: {  	_ =	sfence.sel $0x180000  }
0x6e: {  	[bflag:$0x0] =	sbarrier.arrive $0xFFFF  }
0x6f: {  	p0 =	sne.s32 s4, $0x0;
	_ =	strace $0x9000004D  }
0x70: {  	s0 =	sadd.s32 @!p0 $0x100000, s0;
	[bflag:$0x2] =	sbarrier.arrive $0xFFFF  }
0x71: {  	[sflag:s0] =	ssyncadd.tile.s32 @!p0 $0x1;
	_ =	shalt  }
.Lfunc_end2:
_tile_overlayer_lowered:
.L_overlay_start_2:
0x72: {  	(tag) =	ssettag $0x2  }
0x73: {  	s0 =	rddreg [dreg:$0x0];
	s2 =	stileid.u32  }
0x74: {  	s1 =	rddreg [dreg:$0x1];
	p0 =	sne.s32 s2, $0x0  }
0x75: {  	s3 =	rddreg [dreg:$0x2];
	[bflag:$0x3] =	sbarrier.arrive $0xFFFF;
	s2 =	simm.s32 @!p0 $0x1C03  }
0x76: {  	[timem:s3], [sflag:s2] =	dma.local @!p0 [hbm:s0], s1  }
0x77: {  	s0 =	simm.s32 @!p0 $0x3  }
0x78: {  	_ =	swait.ge @!p0 [sflag:s0], s1  }
0x79: {  	s1 =	ssub.s32 @!p0 $0x0, s1;
	[sflag:s0] =	ssyncset.done @!p0 $0x0  }
0x7a: {  	[sflag:s0] =	ssyncadd.s32 @!p0 s1  }
0x7b: {  	[bflag:$0x3] =	sbarrier.arrive $0xFFFF  }
0x7c: {  	_ =	shalt  }

// kernel: kernel.7.cloned.1.call-start
scs
__scs_entry_jumppad:
0x0: {  	(pc) =	sbr.rel $0x88, $3  }
0x1: {  	(tag) =	ssettag $0x0;
	lr =	simm.s32 $0x1  }
0x2: {  	[smem:$0x3F9D] =	sst lr;
	_ =	strace $0xD0000000  }
0x3: {  	_ = 	snop  }
0x4: {  	_ = 	snop  }
0x5: {  	_ = 	snop  }
0x6: {  	_ = 	snop  }
0x7: {  	_ = 	snop  }
__scs_overlays_trampoline_lowered:
0x8: {  	[smem:$0x3FAC] =	sst s0  }
0x9: {  	[smem:$0x3FAD] =	sst s1  }
0xa: {  	[smem:$0x3FAE] =	sst s2  }
0xb: {  	[smem:$0x3FAF] =	sst s3  }
0xc: {  	[smem:$0x3FB0] =	sst s4  }
0xd: {  	[smem:$0x3FB1] =	sst s5  }
0xe: {  	[smem:$0x3FB2] =	sst s6  }
0xf: {  	[smem:$0x3FB3] =	sst s7  }
0x10: {  	[smem:$0x3FB4] =	sst s8  }
0x11: {  	[smem:$0x3FB5] =	sst s9;
	s0 =	simm.s32 @!p0 $0x0  }
0x12: {  	s1 =	sld [smem:$0x3F9B];
	s0 =	simm.s32 @p0 $0x1  }
0x13: {  	[smem:$0x3FB6] =	sst s0;
	s0 =	simm.s32 @!p1 $0x0  }
0x14: {  	s2 =	sld [smem:$0x3F9A];
	s0 =	simm.s32 @p1 $0x1  }
0x15: {  	[smem:$0x3FB7] =	sst s0;
	s0 =	simm.s32 @!p2 $0x0  }
0x16: {  	s3 =	sld [smem:$0x3FDB];
	s0 =	simm.s32 @p2 $0x1  }
0x17: {  	s4 =	simm.s32 $0x1BF5;
	[smem:$0x3FB9] =	sst s0  }
0x18: {  	s0 =	sld [smem:$0x3F9C];
	_ =	swait.ge [sflag:s4], $0x0  }
0x19: {  	s7 =	sld [smem:$0x3F9D]  }
0x1a: {  	s8 =	sadd.s32 $0xFFFFE003, lr  }
0x1b: {  	s9 =	sadd.s32 $0xFFFFFEF7, lr;
	s5 =	simm.s32 $0xFFFFFFFF;
	p2 =	slt.u32 s8, $0xFFFFF086  }
0x1c: {  	p1 =	slt.u32 s9, $0xF7A;
	s5 =	simm.s32 @!p2 $0x0  }
0x1d: {  	s5 =	simm.s32 @p1 $0x1;
	p0 =	seq.s32 s7, s2  }
0x1e: {  	s7 =	smul.u32 @!p0 $0xF7A, s2;
	p2 =	seq.s32 @!p0 s5, $0x0  }
0x1f: {  	s9 =	smul.u32 $0xF7A, s1;
	s8 =	simm.s32 @!p0 $0x1BF5;
	p2 =	por !p2, p0  }
0x20: {  	[sflag:s8] =	ssyncset.s32 @!p0 $0xFFFFF086;
	s6 =	sadd.s32 @!p0 s3, s7;
	s7 =	simm.s32 @!p0 $0x108  }
0x21: {  	s3 =	sadd.s32 s3, s9;
	s6 =	sadd.s32 @!p0 $0x88, s6;
	s7 =	simm.s32 @p2 $0x1082  }
0x22: {  	[simem:s7], [sflag:s8] =	dma.local @!p0 [hbm:s6], $0xF7A  }
0x23: {  	s9 =	sor.u32 $0xD0000000, s2;
	s6 =	simm.s32 $0x108;
	_ =	swait.ge @!p0 [sflag:s8], $0x0  }
0x24: {  	s3 =	sadd.s32 $0x88, s3;
	s6 =	simm.s32 @!p1 $0x1082;
	[sflag:s4] =	ssyncset.s32 $0xFFFFF086  }
0x25: {  	[simem:s6], [sflag:s4] =	dma.local [hbm:s3], $0xF7A  }
0x26: {  	[smem:$0x3F9D] =	sst s1;
	(tag) =	ssettag s2;
	_ =	strace s9  }
0x27: {  	s1 =	sld [smem:$0x3FAD]  }
0x28: {  	s2 =	sld [smem:$0x3FAE]  }
0x29: {  	s4 =	sld [smem:$0x3FB0]  }
0x2a: {  	p0 =	seq.s32 s5, $0x0;
	s5 =	sld [smem:$0x3FB1]  }
0x2b: {  	s6 =	sld [smem:$0x3FB2]  }
0x2c: {  	s7 =	sld [smem:$0x3FB3]  }
0x2d: {  	s3 =	simm.s32 $0x108;
	s8 =	sld [smem:$0x3FB4]  }
0x2e: {  	s3 =	simm.s32 @!p0 $0x1082;
	s9 =	sld [smem:$0x3FB5]  }
0x2f: {  	lr =	sadd.s32 s0, s3;
	s0 =	sld [smem:$0x3FAC]  }
0x30: {  	s3 =	sld [smem:$0x3FAF]  }
0x31: {  	[smem:$0x3FB8] =	sst s10  }
0x32: {  	s10 =	sld [smem:$0x3FB6];
	_ =	sdelay $0x3  }
0x33: {  	p0 =	seq.s32 s10, $0x1;
	s10 =	sld [smem:$0x3FB8];
	_ =	sdelay $0x3  }
0x34: {  	[smem:$0x3FB8] =	sst s10  }
0x35: {  	s10 =	sld [smem:$0x3FB7];
	_ =	sdelay $0x3  }
0x36: {  	p1 =	seq.s32 s10, $0x1;
	s10 =	sld [smem:$0x3FB8];
	_ =	sdelay $0x3  }
0x37: {  	[smem:$0x3FB8] =	sst s10  }
0x38: {  	s10 =	sld [smem:$0x3FB9]  }
0x39: {  	_ = 	snop;
	(pc) =	sbr.ind lr, $3  }
0x3a: {  	_ = 	snop  }
0x3b: {  	_ = 	snop  }
0x3c: {  	p2 =	seq.s32 s10, $0x1;
	s10 =	sld [smem:$0x3FB8]  }
0x3d: {  	_ =	shalt  }
0x3e: {  	_ =	shalt  }
0x3f: {  	_ =	shalt  }
0x40: {  	_ =	shalt  }
0x41: {  	_ =	shalt  }
0x42: {  	_ =	shalt  }
0x43: {  	_ =	shalt  }
0x44: {  	_ =	shalt  }
0x45: {  	_ =	shalt  }
0x46: {  	_ =	shalt  }
0x47: {  	_ =	shalt  }
0x48: {  	_ =	shalt  }
0x49: {  	_ =	shalt  }
0x4a: {  	_ =	shalt  }
0x4b: {  	_ =	shalt  }
0x4c: {  	_ =	shalt  }
0x4d: {  	_ =	shalt  }
0x4e: {  	_ =	shalt  }
0x4f: {  	_ =	shalt  }
0x50: {  	_ =	shalt  }
0x51: {  	_ =	shalt  }
0x52: {  	_ =	shalt  }
0x53: {  	_ =	shalt  }
0x54: {  	_ =	shalt  }
0x55: {  	_ =	shalt  }
0x56: {  	_ =	shalt  }
0x57: {  	_ =	shalt  }
0x58: {  	_ =	shalt  }
0x59: {  	_ =	shalt  }
0x5a: {  	_ =	shalt  }
0x5b: {  	_ =	shalt  }
0x5c: {  	_ =	shalt  }
0x5d: {  	_ =	shalt  }
0x5e: {  	_ =	shalt  }
0x5f: {  	_ =	shalt  }
0x60: {  	_ =	shalt  }
0x61: {  	_ =	shalt  }
0x62: {  	_ =	shalt  }
0x63: {  	_ =	shalt  }
0x64: {  	_ =	shalt  }
0x65: {  	_ =	shalt  }
0x66: {  	_ =	shalt  }
0x67: {  	_ =	shalt  }
0x68: {  	_ =	shalt  }
0x69: {  	_ =	shalt  }
0x6a: {  	_ =	shalt  }
0x6b: {  	_ =	shalt  }
0x6c: {  	_ =	shalt  }
0x6d: {  	_ =	shalt  }
0x6e: {  	_ =	shalt  }
0x6f: {  	_ =	shalt  }
0x70: {  	_ =	shalt  }
0x71: {  	_ =	shalt  }
0x72: {  	_ =	shalt  }
0x73: {  	_ =	shalt  }
0x74: {  	_ =	shalt  }
0x75: {  	_ =	shalt  }
0x76: {  	_ =	shalt  }
0x77: {  	_ =	shalt  }
0x78: {  	_ =	shalt  }
0x79: {  	_ =	shalt  }
0x7a: {  	_ =	shalt  }
0x7b: {  	_ =	shalt  }
0x7c: {  	_ =	shalt  }
0x7d: {  	_ =	shalt  }
0x7e: {  	_ =	shalt  }
0x7f: {  	_ =	shalt  }
0x80: {  	_ =	shalt  }
0x81: {  	_ =	shalt  }
0x82: {  	_ =	shalt  }
0x83: {  	_ =	shalt  }
0x84: {  	_ =	shalt  }
0x85: {  	_ =	shalt  }
0x86: {  	_ =	shalt  }
0x87: {  	_ =	shalt  }
.Lfunc_end0:
.L_simem_size_0:
called_computation.1_lowered:
.L_overlay_start_0:
0x88: {  	s2 =	sld [smem:$0x3FD9]  }
0x89: {  	s3 =	sld [smem:$0x3FFE];
	_ =	sdelay $0x1  }
0x8a: {  	s1 =	srdreg.scid  }
0x8b: {  	s0 =	sand.u32 $0x1, s1  }
0x8c: {  	s14 =	sshll.u32 s0, $0xA;
	s2 =	sadd.s32 s3, s2  }
0x8d: {  	s2 =	sadd.s32 s2, s14  }
0x8e: {  	[smem:$0x3FC4] =	sst s2  }
0x8f: {  	_ = 	snop  }
0x90: {  	s2 =	sld [smem:$0x3FD0];
	_ =	sdelay $0x2  }
0x91: {  	s15 =	simm.s32 $0xA;
	s4 =	simm.s32 $0x10  }
0x92: {  	[smem:s4], [sflag:s15] =	dma.local [hbm:s2], $0x1  }
0x93: {  	_ =	swait.eq [sflag:s15], $0x1  }
0x94: {  	s16 =	sld [smem:$0x12]  }
0x95: {  	s17 =	sld [smem:$0x13];
	[sflag:s15] =	ssyncset.done $0x0  }
0x96: {  	s5 =	sld [smem:$0x14];
	[sflag:s15] =	ssyncadd.s32 $0xFFFFFFFF  }
0x97: {  	s18 =	sld [smem:$0x15];
	(tm) =	ssettm $0x1  }
0x98: {  	s6 =	sld [smem:$0x3FFB];
	_ =	sdelay $0x3  }
0x99: {  	_ =	strace s6  }
0x9a: {  	s6 =	sld [smem:$0x3FFC];
	_ =	sdelay $0x3  }
0x9b: {  	_ =	strace s6  }
0x9c: {  	s6 =	sld [smem:$0x3FFD];
	_ =	sdelay $0x3  }
0x9d: {  	_ =	strace s6  }
0x9e: {  	_ =	strace $0x8FFFFFFF  }
0x9f: {  	s19 =	sld [smem:$0x3FDB];
	_ =	sdelay $0x1  }
0xa0: {  	s7 =	simm.s32 $_scs_section_size  }
0xa1: {  	s8 =	simm.s32 $_size__tile_overlayer_lowered;
	s9 =	simm.s32 $_tile_overlayer_lowered  }
0xa2: {  	s22 =	simm.s32 $0x1BFF;
	s21 =	sshll.u32 s9, $0x1;
	s6 =	sadd.s32 s7, s19  }
0xa3: {  	s10 =	simm.s32 $0x0;
	s20 =	sshll.u32 s8, $0x1;
	s8 =	sadd.s32 s21, s6  }
0xa4: {  	[timem:s10], [sflag:s22] =	dma.local [hbm:s8], s20  }
0xa5: {  	_ =	swait.ge [sflag:s22], s20  }
0xa6: {  	s7 =	ssub.s32 $0x0, s20;
	[sflag:s22] =	ssyncset.done $0x0  }
0xa7: {  	[sflag:s22] =	ssyncadd.s32 s7;
	_ =	sdelay $0x1  }
0xa8: {  	s23 =	simm.s32 $0x1B8B  }
0xa9: {  	_ =	swait.ge [sflag:s23], $0x1  }
0xaa: {  	[sflag:s23] =	ssyncset.done $0x0  }
0xab: {  	s25 =	simm.s32 $0x1B8E;
	s24 =	sld [smem:$0x3FFE];
	[sflag:s23] =	ssyncadd.s32 $0xFFFFFFFF  }
0xac: {  	s26 =	simm.s32 $execute0_lowered;
	[smem:$0x3FD2] =	sst s25  }
0xad: {  	s8 =	sshll.u32 s26, $0x1;
	_ =	strace $0x80000046;
	[dreg:$0x1] =	wrdreg $0xFFFFFFFF  }
0xae: {  	s28 =	simm.s32 $_size_execute0_lowered;
	s6 =	sadd.s32 s6, s8;
	[dreg:$0x0] =	wrdreg $0x0  }
0xaf: {  	s8 =	sshll.u32 s28, $0x1;
	[dreg:$0x2] =	wrdreg s6  }
0xb0: {  	[dreg:$0x3] =	wrdreg s8  }
0xb1: {  	[dreg:$0x4] =	wrdreg $0xC0  }
0xb2: {  	_ =	task [dreg:s10], $0x5FFFF  }
0xb3: {  	[dreg:$0x1] =	wrdreg $0xFFFFFFFF  }
0xb4: {  	[dreg:$0x0] =	wrdreg $0x60  }
0xb5: {  	[dreg:$0x2] =	wrdreg s16  }
0xb6: {  	[dreg:$0x3] =	wrdreg s5  }
0xb7: {  	[dreg:$0x4] =	wrdreg s17  }
0xb8: {  	[dreg:$0x5] =	wrdreg s18  }
0xb9: {  	[dreg:$0x6] =	wrdreg s24  }
0xba: {  	[dreg:$0x7] =	wrdreg $0x9  }
0xbb: {  	_ =	task.clear_ibuf [dreg:s10], $0x8FFFF;
	_ =	strace $0x90000046  }
0xbc: {  	s29 =	simm.s32 $0x9;
	_ =	strace $0x80000048  }
0xbd: {  	_ =	swait.ge [sflag:s29], $0x1  }
0xbe: {  	[sflag:s29] =	ssyncadd.s32 $0xFFFFFFFF  }
0xbf: {  	_ =	strace $0x90000048  }
0xc0: {  	_ =	sfence  }
0xc1: {  	s30 =	sld [smem:$0x0];
	_ =	sdelay $0x2  }
0xc2: {  	s31 =	sshll.u32 s1, $0xD;
	s1 =	sshrl.u32 s1, $0x2  }
0xc3: {  	s3 =	sand.u32 $0x4000, s31;
	s1 =	sadd.s32 s1, s30  }
0xc4: {  	s0 =	sor.u32 s3, s0;
	s1 =	sshll.u32 s1, $0x11  }
0xc5: {  	s0 =	sor.u32 s1, s0  }
0xc6: {  	s0 =	sadd.s32 $0x8F2B, s0  }
0xc7: {  	[sflag:s0] =	ssyncadd.remote.s32 $0x1  }
0xc8: {  	_ =	sfence.sel $0xFFFF  }
0xc9: {  	[dreg:$0x0] =	wrdreg $0xFFFFFFFF;
	(pc) =	sbr.abs _section_cstart, $3  }
0xca: {  	[dreg:$0x1] =	wrdreg $0xFFFFFFFF  }
0xcb: {  	_ =	task.clear_ibuf [dreg:s10], $0x2FFFF;
	_ =	strace $0x9FFFFFFF  }
0xcc: {  	(tm) =	ssettm $0x7FFFFFFF  }
0xcd: {  	_ =	shalt  }
tec
execute0_lowered:
.L_overlay_start_1:
0x0: {  	(tag) =	ssettag $0x1  }
0x1: {  	s1 =	rddreg [dreg:$0x0]  }
0x2: {  	s4 =	rddreg [dreg:$0x1]  }
0x3: {  	s5 =	rddreg [dreg:$0x2];
	s2 =	srdreg.scid  }
0x4: {  	s0 =	stileid.u32;
	s6 =	rddreg [dreg:$0x3]  }
0x5: {  	s8 =	rddreg [dreg:$0x4];
	s3 =	simm.s32 $0x0;
	s11 =	simm.s32 $0x2D00  }
0x6: {  	s12 =	simm.s32 $0x4600;
	s7 =	sand.u32 $0x1, s2;
	s31 =	sshll.u32 s0, $0x1  }
0x7: {  	s13 =	simm.s32 $0x5F00;
	s14 =	simm.s32 $0x0;
	s9 =	sor.u32 s7, s31  }
0x8: {  	[smem:$0x7FF] =	sst s3;
	s7 =	ssub.s32 $0x2, s7;
	s9 =	smul.u32 $0x320, s9  }
0x9: {  	s2 =	rddreg [dreg:$0x5];
	_ =	strace $0x80000047;
	s10 =	sshrl.u32 s7, $0x1  }
0xa: {  	s10 =	ssub.s32 s7, s10;
	s8 =	sadd.s32 s9, s8;
	s4 =	sadd.s32 s4, s9  }
0xb: {  	s5 =	sadd.s32 s5, s9;
	s6 =	sadd.s32 s6, s9;
	s9 =	simm.s32 $0x1  }
0xc: {  	s7 =	sadd.s32 $0x6200, s8;
	s8 =	smax.u32 s10, $0x1;
	s10 =	simm.s32 $0x1400  }
.LBB2_1:
0xd: {  	[tilespmem:s3], [sflag:$0x1] =	stream.linear.gather [hbm4b:s1+s3], $0x1400, $0x38;
	[tilespmem:$0x7800] =	vst v63  }
0xe: {  	_ =	swait.ge [sflag:s9], $0x1400  }
0xf: {  	[sflag:s9] =	ssyncset.done $0x0  }
0x10: {  	[sflag:s9] =	ssyncadd.s32 $0xFFFFEC00  }
0x11: {  	[tilespmem:s10], [sflag:$0x1] =	stream.linear.gather [hbm4b:s4+s3], $0x1900, $0x38;
	[tilespmem:$0x7800] =	vst v63  }
0x12: {  	_ =	swait.ge [sflag:s9], $0x1900  }
0x13: {  	[sflag:s9] =	ssyncset.done $0x0  }
0x14: {  	[sflag:s9] =	ssyncadd.s32 $0xFFFFE700  }
0x15: {  	[tilespmem:s11], [sflag:$0x1] =	stream.linear.gather [hbm4b:s5+s3], $0x1900, $0x38;
	[tilespmem:$0x7800] =	vst v63  }
0x16: {  	_ =	swait.ge [sflag:s9], $0x1900  }
0x17: {  	[sflag:s9] =	ssyncset.done $0x0  }
0x18: {  	[sflag:s9] =	ssyncadd.s32 $0xFFFFE700  }
0x19: {  	[tilespmem:s12], [sflag:$0x1] =	stream.linear.gather [hbm4b:s6+s3], $0x1900, $0x38;
	[tilespmem:$0x7800] =	vst v63  }
0x1a: {  	_ =	swait.ge [sflag:s9], $0x1900  }
0x1b: {  	[sflag:s9] =	ssyncset.done $0x0  }
0x1c: {  	s15 =	simm.s32 $0x0;
	[sflag:s9] =	ssyncadd.s32 $0xFFFFE700  }
0x1d: {  	v0 =	vld [tilespmem:s15+$0x1400];
	_ =	sdelay $0x1  }
0x1e: {  	v1 =	vld [tilespmem:s15+$0x2D00];
	_ =	sdelay $0x4  }
0x1f: {  	v2 =	vld [tilespmem:s15+$0x4600]  }
0x20: {  	v0 =	vld.idx.msk [tilespmem:v0+s3+$0x0], $0xffff;
	_ =	sdelay $0x1  }
0x21: {  	v1 =	vld.idx.msk [tilespmem:v1+s3+$0x0], $0xffff;
	_ =	sdelay $0x1  }
0x22: {  	s16 =	simm.s32 $0x10;
	s17 =	simm.s32 $0x80  }
.LBB2_2:
0x23: {  	p0 =	sne.s32 s17, $0x63C0;
	v3 =	vld [tilespmem:s16+$0x1400];
	v0 =	vmul.f32 v2, v0;
	_ =	sdelay $0x1  }
0x24: {  	v4 =	vld [tilespmem:s16+$0x2D00];
	v0 =	vmul.f32 v0, v1;
	_ =	sdelay $0x1  }
0x25: {  	v1 =	vand.u32 $0x7FFFFFFF, v0  }
0x26: {  	vm0 =	vlt.s32 v0, $0x0;
	v1 =	vxor.u32 $0x7FFFFFFF, v1  }
0x27: {  	v0 =	vsel vm0, v0, v1  }
0x28: {  	[tilespmem:s15+$0x5F00] =	vst v0;
	s15 =	smov.u32 s16  }
0x29: {  	v0 =	vld.idx.msk [tilespmem:v3+s3+$0x0], $0xffff  }
.Ltmp0:
0x2a: {  	v2 =	vld [tilespmem:s15+$0x4600];
	(pc) =	sbr.rel @p0 .LBB2_2-.Ltmp0, $2  }
0x2b: {  	v1 =	vld.idx.msk [tilespmem:v4+s3+$0x0], $0xffff;
	_ =	sdelay $0x2  }
0x2c: {  	s16 =	sshra.s32 s17, $0x2;
	s17 =	sadd.s32 $0x40, s17  }
0x2d: {  	v3 =	vld [tilespmem:s16+$0x1400];
	v0 =	vmul.f32 v2, v0;
	_ =	sdelay $0x1  }
0x2e: {  	v0 =	vmul.f32 v0, v1  }
0x2f: {  	v61 =	vld [tilespmem:s16+$0x2D00]  }
0x30: {  	v62 =	vand.u32 $0x7FFFFFFF, v0  }
0x31: {  	vm0 =	vlt.s32 v0, $0x0;
	v2 =	vxor.u32 $0x7FFFFFFF, v62  }
0x32: {  	v0 =	vsel vm0, v0, v2  }
0x33: {  	[tilespmem:s15+$0x5F00] =	vst v0  }
0x34: {  	v0 =	vld.idx.msk [tilespmem:v3+s3+$0x0], $0xffff  }
0x35: {  	v63 =	vld [tilespmem:s16+$0x4600];
	_ =	sdelay $0x1  }
0x36: {  	v1 =	vld.idx.msk [tilespmem:v61+s3+$0x0], $0xffff;
	_ =	sdelay $0x2  }
0x37: {  	v0 =	vmul.f32 v63, v0;
	_ =	sdelay $0x1  }
0x38: {  	v0 =	vmul.f32 v0, v1;
	_ =	sdelay $0x1  }
0x39: {  	v1 =	vand.u32 $0x7FFFFFFF, v0  }
0x3a: {  	s14 =	sadd.s32 $0x1, s14;
	vm15 =	vlt.s32 v0, $0x0;
	v1 =	vxor.u32 $0x7FFFFFFF, v1  }
0x3b: {  	p0 =	sne.s32 s14, s8;
	v0 =	vsel vm15, v0, v1  }
.Ltmp1:
0x3c: {  	[tilespmem:s16+$0x5F00] =	vst v0;
	(pc) =	sbr.rel @p0 .LBB2_1-.Ltmp1, $4  }
0x3d: {  	[hbm4b:s7+s3] =	stream.linear.scatter [tilespmem:s13], [sflag:$0x1], $0x1900, $0x38;
	[tilespmem:$0x7800] =	vst v63  }
0x3e: {  	_ =	swait.ge [sflag:s9], $0x1900  }
0x3f: {  	[sflag:s9] =	ssyncset.done $0x0  }
0x40: {  	[sflag:s9] =	ssyncadd.s32 $0xFFFFE700  }
0x41: {  	_ =	sfence.sel $0x180000  }
0x42: {  	[bflag:$0x0] =	sbarrier.arrive $0xFFFF  }
0x43: {  	p0 =	sne.s32 s0, $0x0;
	_ =	strace $0x90000047  }
0x44: {  	s0 =	sadd.s32 @!p0 $0x100000, s2;
	[bflag:$0x2] =	sbarrier.arrive $0xFFFF  }
0x45: {  	[sflag:s0] =	ssyncadd.tile.s32 @!p0 $0x1;
	_ =	shalt  }
.Lfunc_end2:
_tile_overlayer_lowered:
.L_overlay_start_2:
0x46: {  	(tag) =	ssettag $0x2  }
0x47: {  	s0 =	rddreg [dreg:$0x0];
	s2 =	stileid.u32  }
0x48: {  	s1 =	rddreg [dreg:$0x1];
	p0 =	sne.s32 s2, $0x0  }
0x49: {  	s3 =	rddreg [dreg:$0x2];
	[bflag:$0x3] =	sbarrier.arrive $0xFFFF;
	s2 =	simm.s32 @!p0 $0x1C01  }
0x4a: {  	[timem:s3], [sflag:s2] =	dma.local @!p0 [hbm:s0], s1  }
0x4b: {  	s0 =	simm.s32 @!p0 $0x1  }
0x4c: {  	_ =	swait.ge @!p0 [sflag:s0], s1  }
0x4d: {  	s1 =	ssub.s32 @!p0 $0x0, s1;
	[sflag:s0] =	ssyncset.done @!p0 $0x0  }
0x4e: {  	[sflag:s0] =	ssyncadd.s32 @!p0 s1  }
0x4f: {  	[bflag:$0x3] =	sbarrier.arrive $0xFFFF  }
0x50: {  	_ =	shalt  }

// kernel: sparse-core-data-format-call.cloned.1.call-start
scs
called_computation_lowered:
.L_overlay_start_0:
0x0: {  	s2 =	sld [smem:$0x3FD9]  }
0x1: {  	s3 =	sld [smem:$0x3FFE];
	_ =	sdelay $0x1  }
0x2: {  	s1 =	srdreg.scid  }
0x3: {  	s0 =	sand.u32 $0x1, s1  }
0x4: {  	s15 =	sshll.u32 s0, $0xA;
	s2 =	sadd.s32 s3, s2  }
0x5: {  	s2 =	sadd.s32 s2, s15  }
0x6: {  	[smem:$0x3FC4] =	sst s2  }
0x7: {  	_ = 	snop  }
0x8: {  	s2 =	sld [smem:$0x3FD0];
	_ =	sdelay $0x2  }
0x9: {  	s16 =	simm.s32 $0xA;
	s4 =	simm.s32 $0x10  }
0xa: {  	[smem:s4], [sflag:s16] =	dma.local [hbm:s2], $0x1  }
0xb: {  	_ =	swait.eq [sflag:s16], $0x1  }
0xc: {  	[sflag:s16] =	ssyncset.done $0x0  }
0xd: {  	[sflag:s16] =	ssyncadd.s32 $0xFFFFFFFF  }
0xe: {  	s17 =	sld [smem:$0x15];
	(tm) =	ssettm $0x1  }
0xf: {  	s18 =	sld [smem:$0x3FFB];
	_ =	sdelay $0x3  }
0x10: {  	_ =	strace s18  }
0x11: {  	s3 =	sld [smem:$0x3FFC];
	_ =	sdelay $0x3  }
0x12: {  	_ =	strace s3  }
0x13: {  	s3 =	sld [smem:$0x3FFD];
	_ =	sdelay $0x3  }
0x14: {  	_ =	strace s3  }
0x15: {  	_ =	strace $0x8FFFFFFF  }
0x16: {  	s19 =	sld [smem:$0x3FDB];
	_ =	sdelay $0x1  }
0x17: {  	s20 =	simm.s32 $_scs_section_size  }
0x18: {  	s5 =	simm.s32 $_size__tile_overlayer_lowered;
	s6 =	simm.s32 $_tile_overlayer_lowered  }
0x19: {  	s23 =	simm.s32 $0x1BFF;
	s22 =	sshll.u32 s6, $0x1;
	s3 =	sadd.s32 s20, s19  }
0x1a: {  	s7 =	simm.s32 $0x0;
	s21 =	sshll.u32 s5, $0x1;
	s5 =	sadd.s32 s22, s3  }
0x1b: {  	[timem:s7], [sflag:s23] =	dma.local [hbm:s5], s21  }
0x1c: {  	_ =	swait.ge [sflag:s23], s21  }
0x1d: {  	s4 =	ssub.s32 $0x0, s21;
	[sflag:s23] =	ssyncset.done $0x0  }
0x1e: {  	[sflag:s23] =	ssyncadd.s32 s4;
	_ =	sdelay $0x1  }
0x1f: {  	s24 =	simm.s32 $0x1B8B  }
0x20: {  	_ =	swait.ge [sflag:s24], $0x1  }
0x21: {  	[sflag:s24] =	ssyncset.done $0x0  }
0x22: {  	s26 =	simm.s32 $0x1B8E;
	s25 =	sld [smem:$0x3FFE];
	[sflag:s24] =	ssyncadd.s32 $0xFFFFFFFF  }
0x23: {  	s27 =	simm.s32 $execute0_lowered;
	[smem:$0x3FD2] =	sst s26  }
0x24: {  	s5 =	sshll.u32 s27, $0x1;
	_ =	strace $0x8000004F;
	[dreg:$0x1] =	wrdreg $0xFFFFFFFF  }
0x25: {  	s28 =	simm.s32 $_size_execute0_lowered;
	s3 =	sadd.s32 s3, s5;
	[dreg:$0x0] =	wrdreg $0x0  }
0x26: {  	s5 =	sshll.u32 s28, $0x1;
	[dreg:$0x2] =	wrdreg s3  }
0x27: {  	[dreg:$0x3] =	wrdreg s5  }
0x28: {  	[dreg:$0x4] =	wrdreg $0xC0  }
0x29: {  	_ =	task [dreg:s7], $0x5FFFF  }
0x2a: {  	[dreg:$0x1] =	wrdreg $0xFFFFFFFF  }
0x2b: {  	[dreg:$0x0] =	wrdreg $0x60  }
0x2c: {  	[dreg:$0x2] =	wrdreg s25  }
0x2d: {  	[dreg:$0x3] =	wrdreg s17  }
0x2e: {  	[dreg:$0x4] =	wrdreg $0x9  }
0x2f: {  	_ =	task.clear_ibuf [dreg:s7], $0x5FFFF;
	_ =	strace $0x9000004F  }
0x30: {  	s29 =	simm.s32 $0x9;
	_ =	strace $0x80000051  }
0x31: {  	_ =	swait.ge [sflag:s29], $0x1  }
0x32: {  	[sflag:s29] =	ssyncadd.s32 $0xFFFFFFFF  }
0x33: {  	_ =	strace $0x90000051  }
0x34: {  	_ =	sfence  }
0x35: {  	s30 =	sld [smem:$0x0];
	_ =	sdelay $0x2  }
0x36: {  	s31 =	sshll.u32 s1, $0xD;
	s1 =	sshrl.u32 s1, $0x2  }
0x37: {  	s3 =	sand.u32 $0x4000, s31;
	s1 =	sadd.s32 s1, s30  }
0x38: {  	s0 =	sor.u32 s3, s0;
	s1 =	sshll.u32 s1, $0x11  }
0x39: {  	s0 =	sor.u32 s1, s0  }
0x3a: {  	s0 =	sadd.s32 $0x8F2B, s0  }
0x3b: {  	[sflag:s0] =	ssyncadd.remote.s32 $0x1  }
0x3c: {  	_ =	sfence.sel $0xFFFF  }
0x3d: {  	[dreg:$0x0] =	wrdreg $0xFFFFFFFF;
	(pc) =	sbr.abs _section_cstart, $3  }
0x3e: {  	[dreg:$0x1] =	wrdreg $0xFFFFFFFF  }
0x3f: {  	_ =	task.clear_ibuf [dreg:s7], $0x2FFFF;
	_ =	strace $0x9FFFFFFF  }
0x40: {  	(tm) =	ssettm $0x7FFFFFFF  }
0x41: {  	_ =	shalt  }
tec
execute0_lowered:
.L_overlay_start_1:
0x0: {  	(tag) =	ssettag $0x1  }
0x1: {  	s4 =	rddreg [dreg:$0x0]  }
0x2: {  	s0 =	srdreg.scid;
	s2 =	rddreg [dreg:$0x1]  }
0x3: {  	s1 =	stileid.u32;
	s5 =	simm.s32 $0x1;
	s0 =	sshll.u32 s0, $0x4  }
0x4: {  	s7 =	simm.s32 $0x2;
	s12 =	simm.s32 $0x0;
	s3 =	sand.u32 $0x10, s0  }
.Ltmp0:
0x5: {  	s8 =	simm.s32 $0x186C00;
	s3 =	sor.u32 s1, s3;
	(pc) =	sbr.rel .LBB1_1-.Ltmp0, $4  }
0x6: {  	s10 =	simm.s32 $0x0;
	s11 =	simm.s32 $0x0;
	s3 =	sshll.u32 s3, $0x7  }
0x7: {  	s0 =	rddreg [dreg:$0x2];
	_ =	strace $0x80000050;
	s6 =	ssub.s32 $0x30D00, s3  }
0x8: {  	s4 =	sadd.s32 $0xC400, s4;
	[sflag:s5] =	ssyncpa.u1 $0x0;
	s6 =	sshrl.u32 s6, $0xC  }
0x9: {  	[sflag:s7] =	ssyncpa.u1 $0x0;
	s9 =	smov.u32 s3;
	s7 =	sadd.s32 $0x2, s6  }
.LBB1_5:
0xa: {  	[tilespmem:s22+$0x0 ss:$0x81] =	vst.msk $0xffff, v3;
	s15 =	sadd.s32 s18, s20  }
0xb: {  	s31 =	sadd.s32 s18, s21;
	[tilespmem:s15+$0x0 ss:$0x81] =	vst.msk $0xffff, v1  }
0xc: {  	[tilespmem:s31+$0x0 ss:$0x81] =	vst.msk $0xffff, v2  }
.LBB1_6:
0xd: {  	s15 =	sshll.u32 s10, $0x3  }
0xe: {  	s15 =	sand.u32 $0xFFFFFC00, s15  }
0xf: {  	s16 =	sshrl.u32 s15, $0x7  }
0x10: {  	s16 =	smulhi.u32 $0xA7B7EF, s16;
	_ =	sdelay $0x1  }
0x11: {  	s16 =	sshrl.u32 s16, $0x2  }
0x12: {  	s17 =	smul.u32 $0x4925, s16  }
0x13: {  	p0 =	sgt.s32 s10, $0x30D00;
	s20 =	smov.u32 s10  }
0x14: {  	s20 =	simm.s32 @!p0 $0x30D00;
	s17 =	sshrl.u32 s17, $0x14  }
0x15: {  	s18 =	sand.u32 $0x7F, s10;
	s13 =	sadd.s32 s13, s20;
	s17 =	smul.u32 $0x38, s17  }
0x16: {  	s15 =	sor.u32 s18, s15;
	s30 =	sadd.s32 $0xFFFCF300, s13;
	s19 =	smul.u32 $0x30D80, s16  }
0x17: {  	s13 =	ssub.s32 $0x30D80, s13;
	p0 =	sgt.s32 s30, $0x7F;
	s16 =	ssub.s32 s16, s17  }
0x18: {  	s13 =	smul.u32 $0xE0, s13;
	s15 =	ssub.s32 s15, s19;
	s16 =	sand.u32 $0xFFFF, s16  }
0x19: {  	s31 =	sshrl.u32 s15, $0x3;
	s15 =	sand.u32 $0x7, s15;
	s16 =	smul.u32 $0x61B0, s16  }
0x1a: {  	s13 =	sshrl.u32 s13, $0x2;
	s15 =	sshll.u32 s15, $0x12;
	s17 =	sadd.s32 s2, s31  }
0x1b: {  	s13 =	simm.s32 @p0 $0x0;
	s15 =	sor.u32 $0x400, s15;
	s16 =	sadd.s32 s16, s17  }
0x1c: {  	[hbm4b:s16+s15] =	stream.strided.scatter [tilespmem:s14], [sflag:$0x2], s13, s8, s15, $0x20;
	[tilespmem:$0x8080] =	vst v63  }
.LBB1_7:
0x1d: {  	p0 =	slt.u32 s11, $0x2  }
0x1e: {  	p1 =	sgt.s32 @!p0 s12, $0x30D00  }
0x1f: {  	s13 =	smov.u32 s12;
	s14 =	sshra.s32 @!p0 s12, $0x1F;
	p1 =	por !p1, p0  }
0x20: {  	s12 =	sand.u32 @!p0 s14, s12;
	s13 =	simm.s32 @p1 $0x30D00  }
0x21: {  	s12 =	ssub.s32 @!p0 s13, s12  }
0x22: {  	s13 =	ssub.s32 @!p0 $0x30D80, s12  }
0x23: {  	s12 =	sadd.s32 @!p0 $0xFFFCF300, s12;
	s13 =	smul.u32 @!p0 $0xE0, s13  }
0x24: {  	p1 =	sgt.s32 @!p0 s12, $0x7F  }
0x25: {  	s14 =	sadd.s32 $0x1000, s9;
	p1 =	por !p1, p0;
	s12 =	sshrl.u32 @!p0 s13, $0x2  }
0x26: {  	s12 =	simm.s32 @!p1 $0x0;
	p1 =	sgt.s32 s14, $0x30D3F  }
0x27: {  	s14 =	smov.u32 @p1 s3;
	p1 =	sne.s32 s11, s7  }
.Ltmp1:
0x28: {  	_ = 	snop;
	(pc) =	sbr.rel @!p1 .LBB1_8-.Ltmp1, $4  }
0x29: {  	s13 =	simm.s32 @!p0 $0x2  }
0x2a: {  	_ =	swait.ge @!p0 [sflag:s13], s12;
	s15 =	ssub.s32 @!p0 $0x0, s12  }
0x2b: {  	s12 =	smov.u32 s10;
	s11 =	sadd.s32 $0x1, s11;
	[sflag:s13] =	ssyncset.done @!p0 $0x0  }
0x2c: {  	s10 =	smov.u32 s9;
	s9 =	smov.u32 s14;
	[sflag:s13] =	ssyncadd.s32 @!p0 s15  }
.LBB1_1:
0x2d: {  	p0 =	sgt.u32 s11, s6  }
0x2e: {  	s14 =	smov.u32 s9;
	p1 =	sgt.s32 @!p0 s9, $0x30CC0  }
0x2f: {  	s13 =	sand.u32 @!p0 $0x1FFFFFF, s9;
	s15 =	sshra.s32 @!p0 s9, $0x1F;
	p1 =	por !p1, p0  }
0x30: {  	s16 =	smulhi.u32 @!p0 $0x14F8B59, s13;
	s15 =	sand.u32 @!p0 s15, s9;
	s14 =	simm.s32 @p1 $0x30CC0  }
0x31: {  	s14 =	ssub.s32 @!p0 s14, s15  }
0x32: {  	s15 =	sshrl.u32 @!p0 s16, $0xA;
	s14 =	sadd.s32 @!p0 $0xFFFCF340, s14  }
0x33: {  	s16 =	sxor.u32 @!p0 $0xFFFFFFFF, s11;
	s15 =	smul.u32 @!p0 $0x30D40, s15;
	s17 =	sshll.u32 @!p0 s14, $0x8  }
0x34: {  	s16 =	sshll.u32 @!p0 s16, $0xD;
	p1 =	sgt.s32 @!p0 s14, $0x7F;
	s14 =	ssub.s32 @!p0 $0x8000, s17  }
0x35: {  	s13 =	ssub.s32 @!p0 s13, s15;
	p1 =	por !p1, p0;
	s15 =	sand.u32 @!p0 $0x2000, s16  }
0x36: {  	s16 =	simm.s32 @!p0 $0x40;
	s14 =	sshrl.u32 @!p0 s14, $0x2;
	s13 =	sshll.u32 @!p0 s13, $0x4  }
0x37: {  	s17 =	simm.s32 @!p0 $0x80;
	s14 =	simm.s32 @!p1 $0x0;
	s13 =	sadd.s32 @!p0 s4, s13  }
0x38: {  	[tilespmem:s15], [sflag:$0x1] =	stream.strided.gather @!p0 [hbm4b:s13+s16], s14, s17, s16, $0x38;
	[tilespmem:$0x8080] =	vst v63  }
0x39: {  	p0 =	seq.s32 s11, $0x0  }
0x3a: {  	p1 =	sge.u32 @!p0 s11, s7  }
0x3b: {  	p0 =	por p0, p1  }
.Ltmp2:
0x3c: {  	_ = 	snop;
	(pc) =	sbr.rel @p0 .LBB1_7-.Ltmp2, $1  }
0x3d: {  	_ =	sdelay $0x3  }
0x3e: {  	s13 =	ssub.s32 $0x0, s10  }
0x3f: {  	s14 =	sshra.s32 s10, $0x1F;
	p0 =	sgt.s32 s10, $0x30CC0;
	s15 =	smov.u32 s10  }
0x40: {  	s13 =	sand.u32 s13, s14;
	s15 =	simm.s32 @!p0 $0x30CC0  }
0x41: {  	s14 =	sadd.s32 s13, s15  }
0x42: {  	s17 =	sadd.s32 $0x80, s10;
	s14 =	sadd.s32 $0xFFFCF340, s14  }
0x43: {  	p1 =	slt.s32 s17, $0x30D40;
	s31 =	sshll.u32 s14, $0x8  }
0x44: {  	s17 =	simm.s32 @!p1 $0x30D40;
	s15 =	ssub.s32 $0x8000, s31  }
0x45: {  	p0 =	sgt.s32 s14, $0x7F;
	s14 =	sshrl.u32 s15, $0x2;
	s15 =	ssub.s32 s17, s10  }
0x46: {  	s14 =	simm.s32 @p0 $0x0;
	p0 =	slt.s32 s15, $0x1  }
.Ltmp3:
0x47: {  	_ = 	snop;
	(pc) =	sbr.rel @p0 .LBB1_6-.Ltmp3, $4  }
0x48: {  	s16 =	sand.u32 $0x1, s11  }
0x49: {  	s18 =	smul.u32 $0x2040, s16;
	_ =	swait.ge [sflag:s5], s14  }
0x4a: {  	s14 =	ssub.s32 $0x0, s14;
	[sflag:s5] =	ssyncset.done $0x0  }
0x4b: {  	[sflag:s5] =	ssyncadd.s32 s14;
	s14 =	sor.u32 $0x4000, s18  }
0x4c: {  	s16 =	sshll.u32 s16, $0xD  }
0x4d: {  	s17 =	simm.s32 $0x0;
	v0 =	vmov s16  }
0x4e: {  	s20 =	simm.s32 $0x10;
	s18 =	sand.u32 $0x38, s17  }
0x4f: {  	s22 =	simm.s32 $0x30;
	s20 =	sand.u32 $0x38, s20;
	s23 =	smul.u32 $0x204, s18  }
0x50: {  	s16 =	simm.s32 $0x0;
	s22 =	sand.u32 $0x38, s22;
	s20 =	smul.u32 $0x204, s20  }
0x51: {  	s19 =	sxor.u32 $0x20, s18;
	s21 =	sand.u32 $0x1FC0, s16;
	s22 =	smul.u32 $0x204, s22  }
0x52: {  	p0 =	sne.s32 s15, $0x1;
	s19 =	smul.u32 $0x204, s19;
	v4 =	vld.idx.msk [tilespmem:v0+s21+$0x20 ss:$0x1], $0xffff  }
.Ltmp4:
0x53: {  	s17 =	simm.s32 $0x1;
	v3 =	vld.idx.msk [tilespmem:v0+s21+$0x0 ss:$0x1], $0xffff;
	(pc) =	sbr.rel @!p0 .LBB1_5-.Ltmp4, $4  }
0x54: {  	s18 =	sand.u32 $0x7F, s16;
	s23 =	sshrl.u32 s23, $0x2;
	s19 =	sshrl.u32 s19, $0x2;
	v1 =	vld.idx.msk [tilespmem:v0+s21+$0x10 ss:$0x1], $0xffff  }
0x55: {  	s20 =	sshrl.u32 s20, $0x2;
	s24 =	sshrl.u32 s22, $0x2;
	s19 =	sadd.s32 s19, s14;
	v2 =	vld.idx.msk [tilespmem:v0+s21+$0x30 ss:$0x1], $0xffff  }
0x56: {  	s23 =	sadd.s32 s23, s14;
	s20 =	sadd.s32 s20, s14;
	s19 =	sadd.s32 s18, s19  }
0x57: {  	s22 =	sadd.s32 s18, s23;
	s21 =	sadd.s32 s24, s14;
	[tilespmem:s19+$0x0 ss:$0x81] =	vst.msk $0xffff, v4;
	s19 =	simm.s32 $0x1808  }
.LBB1_4:
0x58: {  	s23 =	sadd.s32 $0xFFFFE800, s19;
	s24 =	sadd.s32 $0xFFFFF000, s19  }
0x59: {  	[tilespmem:s22+$0x0 ss:$0x81] =	vst.msk $0xffff, v3;
	s22 =	smov.u32 s17;
	s17 =	sadd.s32 $0x1, s17;
	s16 =	sadd.s32 $0x40, s16  }
0x5a: {  	s27 =	sshrl.u32 s19, $0x7;
	s23 =	sshrl.u32 s23, $0x7;
	p0 =	sne.s32 s15, s17  }
0x5b: {  	s25 =	sand.u32 $0x1FC0, s16;
	s24 =	sshrl.u32 s24, $0x7;
	s23 =	sand.u32 $0x38, s23  }
0x5c: {  	s24 =	sand.u32 $0x38, s24;
	v4 =	vld.idx.msk [tilespmem:v0+s25+$0x20 ss:$0x1], $0xffff;
	s26 =	sxor.u32 $0x20, s23;
	s23 =	smul.u32 $0x204, s23  }
0x5d: {  	s20 =	sadd.s32 s18, s20;
	s27 =	sand.u32 $0x38, s27;
	v3 =	vld.idx.msk [tilespmem:v0+s25+$0x0 ss:$0x1], $0xffff;
	s26 =	smul.u32 $0x204, s26  }
0x5e: {  	s18 =	sadd.s32 s18, s21;
	[tilespmem:s20+$0x0 ss:$0x81] =	vst.msk $0xffff, v1;
	v1 =	vld.idx.msk [tilespmem:v0+s25+$0x10 ss:$0x1], $0xffff;
	s20 =	smul.u32 $0x204, s24  }
.Ltmp5:
0x5f: {  	s21 =	sshrl.u32 s26, $0x2;
	[tilespmem:s18+$0x0 ss:$0x81] =	vst.msk $0xffff, v2;
	v2 =	vld.idx.msk [tilespmem:v0+s25+$0x30 ss:$0x1], $0xffff;
	(pc) =	sbr.rel @p0 .LBB1_4-.Ltmp5, $4  }
0x60: {  	s18 =	sand.u32 $0x7F, s22;
	s22 =	smul.u32 $0x204, s27;
	s21 =	sadd.s32 s21, s14  }
0x61: {  	s23 =	sshrl.u32 s23, $0x2;
	s20 =	sshrl.u32 s20, $0x2;
	s21 =	sadd.s32 s18, s21  }
0x62: {  	s23 =	sadd.s32 s23, s14;
	s20 =	sadd.s32 s20, s14;
	[tilespmem:s21+$0x0 ss:$0x81] =	vst.msk $0xffff, v4;
	s21 =	sshrl.u32 s22, $0x2  }
0x63: {  	s19 =	sadd.s32 $0x8, s19;
	s22 =	sadd.s32 s18, s23;
	s21 =	sadd.s32 s21, s14  }
.Ltmp6:
0x64: {  	_ = 	snop;
	(pc) =	sbr.rel .LBB1_5-.Ltmp6, $1  }
0x65: {  	_ =	sdelay $0x3  }
.LBB1_8:
0x66: {  	_ =	sfence.sel $0x180000  }
0x67: {  	s2 =	simm.s32 $0x1;
	[bflag:$0x0] =	sbarrier.arrive $0xFFFF  }
0x68: {  	s31 =	simm.s32 $0x2;
	[sflag:s2] =	ssyncpa.u1 $0x1  }
0x69: {  	[sflag:s31] =	ssyncpa.u1 $0x1  }
0x6a: {  	p0 =	sne.s32 s1, $0x0;
	_ =	strace $0x90000050  }
0x6b: {  	s0 =	sadd.s32 @!p0 $0x100000, s0;
	[bflag:$0x2] =	sbarrier.arrive $0xFFFF  }
0x6c: {  	[sflag:s0] =	ssyncadd.tile.s32 @!p0 $0x1;
	_ =	shalt  }
.Lfunc_end1:
_tile_overlayer_lowered:
.L_overlay_start_2:
0x6d: {  	(tag) =	ssettag $0x2  }
0x6e: {  	s0 =	rddreg [dreg:$0x0];
	s2 =	stileid.u32  }
0x6f: {  	s1 =	rddreg [dreg:$0x1];
	p0 =	sne.s32 s2, $0x0  }
0x70: {  	s3 =	rddreg [dreg:$0x2];
	[bflag:$0x3] =	sbarrier.arrive $0xFFFF;
	s2 =	simm.s32 @!p0 $0x1C01  }
0x71: {  	[timem:s3], [sflag:s2] =	dma.local @!p0 [hbm:s0], s1  }
0x72: {  	s0 =	simm.s32 @!p0 $0x1  }
0x73: {  	_ =	swait.ge @!p0 [sflag:s0], s1  }
0x74: {  	s1 =	ssub.s32 @!p0 $0x0, s1;
	[sflag:s0] =	ssyncset.done @!p0 $0x0  }
0x75: {  	[sflag:s0] =	ssyncadd.s32 @!p0 s1  }
0x76: {  	[bflag:$0x3] =	sbarrier.arrive $0xFFFF  }
0x77: {  	_ =	shalt  }

</sc_bundles>
